<compile_context>
chip_gen: v7x
topology: tpu7x:2x2x1
jax: 0.10.2.dev20260603
libtpu: 0.0.44.dev20260713+nightly
codegen_flags: <defaults>
</compile_context>

<pallas_src>
import functools

import numpy as np
import jax
import jax.numpy as jnp
from jax import lax
from jax.experimental import pallas as pl
from jax.experimental.pallas import tpu as pltpu
from jax.experimental.pallas import tpu_sc as plsc

_B = 1024
_S = 200
_N = _B * _S
_BB = 32
_HID = 64
_DM = 128
_K = 128
_GRP = 5

_MAP_TOK = np.array([0, 1, 2, 3, 28, 4, -1, -1], dtype=np.int32)
_MAP_VAR = np.array([13, 14, 15, 16, -1, -1, -1, -1], dtype=np.int32)
_MAP_FAM = np.arange(5, 13, dtype=np.int32)
_MAP_DYN = np.arange(18, 28, dtype=np.int32)
_UPPER = np.triu(np.ones((_S, _S), np.float32), 1)
_POSCOL = ((np.arange(_BB * _S) % _S).astype(np.float32) / (_S - 1))[:, None]


def _sc_gather(tok_tab, var_tab, tok_idx, var_idx):
    info = plsc.get_sparse_core_info()
    nc, ns = info.num_cores, info.num_subcores
    nw = nc * ns
    per_w = _N // nw

    @functools.partial(
        pl.kernel,
        mesh=plsc.VectorSubcoreMesh(core_axis_name="c", subcore_axis_name="s"),
        compiler_params=pltpu.CompilerParams(use_tc_tiling_on_sc=False),
        out_type=jax.ShapeDtypeStruct((_N, 128), jnp.float32),
        scratch_types=[pltpu.VMEM((per_w,), jnp.int32),
                       pltpu.VMEM((_GRP * _K, 16), jnp.float32),
                       pltpu.VMEM((per_w,), jnp.int32),
                       pltpu.VMEM((_GRP * _K, 16), jnp.float32),
                       pltpu.SemaphoreType.DMA,
                       pltpu.SemaphoreType.DMA],
    )
    def gk(tok_tab_h, var_tab_h, tok_idx_h, var_idx_h, tv_out,
           ti_v, tr_v, vi_v, vr_v, s1, s2):
        wid = lax.axis_index("s") * nc + lax.axis_index("c")
        base = wid * per_w
        pltpu.sync_copy(tok_idx_h.at[pl.ds(base, per_w)], ti_v)
        pltpu.sync_copy(var_idx_h.at[pl.ds(base, per_w)], vi_v)

        grp = _GRP

        def body(g, carry):
            cs = []
            for k in range(grp):
                o = (g * grp + k) * _K
                cs.append(pltpu.async_copy(tok_tab_h.at[ti_v.at[pl.ds(o, _K)]],
                                           tr_v.at[pl.ds(k * _K, _K)], s1))
                cs.append(pltpu.async_copy(var_tab_h.at[vi_v.at[pl.ds(o, _K)]],
                                           vr_v.at[pl.ds(k * _K, _K)], s2))
            for c in cs:
                c.wait()
            o0 = base + g * grp * _K
            pltpu.sync_copy(tr_v, tv_out.at[pl.ds(o0, grp * _K), pl.ds(0, 16)])
            pltpu.sync_copy(vr_v, tv_out.at[pl.ds(o0, grp * _K), pl.ds(16, 16)])
            return carry

        lax.fori_loop(0, per_w // (_K * grp), body, 0)

    return gk(tok_tab, var_tab, tok_idx, var_idx)


def _tc_body(tv_ref, tid_ref, u_ref, w32_ref, wdh_ref, wdq_ref,
             hb_ref, bw_ref, w2_ref, b2_ref, out_ref):
    f32 = jnp.float32
    inv = np.float32(1.0 / (_S - 1))
    U = u_ref[...]
    tid = tid_ref[...]
    gb = tv_ref[...]
    Ts = [gb[b * _S:(b + 1) * _S, 0:24].T for b in range(_BB)]

    def rows(i):
        return jnp.concatenate([Ts[b][i:i + 1] for b in range(_BB)], axis=0)

    hi, sg, lg = rows(0), rows(1), rows(2)
    famf, grpf = rows(20), rows(21)
    valid = (hi > 0.0) & (tid != 0) & (tid != 1) & (tid != 2)
    vf = valid.astype(f32)
    lv = lg * vf
    famoh = [(famf == np.float32(f)).astype(f32) for f in range(8)]
    grpoh = [(grpf == np.float32(g)).astype(f32) for g in range(16)]
    gmask = (grpf > 0.0).astype(f32)
    vg = vf * gmask
    lvg = lv * gmask
    X = jnp.concatenate(
        [vf, lv]
        + [famoh[f] * vf for f in range(8)]
        + [famoh[f] * lv for f in range(8)]
        + [grpoh[g] * vg for g in range(16)]
        + [grpoh[g] * lvg for g in range(16)], axis=0)
    prev = jnp.dot(X, U, preferred_element_type=f32)
    pc = prev[0:_BB]
    pls = prev[_BB:2 * _BB]
    psfc = sum(prev[(2 + f) * _BB:(3 + f) * _BB] * famoh[f] for f in range(8))
    psfl = sum(prev[(10 + f) * _BB:(11 + f) * _BB] * famoh[f] for f in range(8))
    psgc = sum(prev[(18 + g) * _BB:(19 + g) * _BB] * grpoh[g] for g in range(16))
    psgl = sum(prev[(34 + g) * _BB:(35 + g) * _BB] * grpoh[g] for g in range(16))
    rden = 1.0 / jnp.maximum(pc, 1.0)
    z1 = jnp.zeros((_BB, 1), f32)
    dyn10 = [pc * inv, pls * inv, psfc * inv, psfl * inv, psfc * rden,
             psgc * inv, psgl * inv, psgc * rden,
             jnp.concatenate([z1, lg[:, :_S - 1]], axis=1),
             jnp.concatenate([z1, sg[:, :_S - 1]], axis=1)]
    dynT = jnp.concatenate(
        [jnp.concatenate([p[b:b + 1] for p in dyn10], axis=0).T
         for b in range(_BB)], axis=0)
    g32 = gb[:, 0:32]
    hmu = (hb_ref[...]
           + jnp.dot(g32, w32_ref[...], preferred_element_type=f32)
           + jnp.dot(dynT, wdh_ref[...], preferred_element_type=f32)
           + jnp.dot(dynT * dynT, wdq_ref[...], preferred_element_type=f32))
    mu = hmu[:, _HID:_HID + 1]
    ex2 = hmu[:, _HID + 1:_HID + 2]
    r = lax.rsqrt(ex2 - mu * mu + 1e-5)
    h = hmu[:, :_HID] * r + bw_ref[...]
    act = 0.5 * h * (1.0 + lax.erf(h * np.float32(1.0 / np.sqrt(2.0))))
    o = jnp.dot(act, w2_ref[...], preferred_element_type=f32) + b2_ref[...]
    for b in range(_BB):
        out_ref[b] = o[b * _S:(b + 1) * _S, :]


def _tc_forward(tv, token_ids, u, w32, wdh, wdq, hb, bw, w2s, b2s):
    cb = lambda shape: pl.BlockSpec(shape, lambda i: (0,) * len(shape))
    return pl.pallas_call(
        _tc_body,
        grid=(_B // _BB,),
        in_specs=[
            pl.BlockSpec((_BB * _S, 128), lambda i: (i, 0)),
            pl.BlockSpec((_BB, _S), lambda i: (i, 0)),
            cb((_S, _S)),
            cb((32, _HID + 2)),
            cb((10, _HID + 2)),
            cb((10, _HID + 2)),
            cb((_BB * _S, _HID + 2)),
            cb((1, _HID)),
            cb((_HID, _DM)),
            cb((1, _DM)),
        ],
        out_specs=pl.BlockSpec((_BB, _S, _DM), lambda i: (i, 0, 0)),
        out_shape=jax.ShapeDtypeStruct((_B, _S, _DM), jnp.float32),
    )(tv, token_ids, u, w32, wdh, wdq, hb, bw, w2s, b2s)


def kernel(token_has_int, token_signed_norm, token_log_norm, token_is_zero,
           token_is_one, token_is_pow2, var_family_onehot, var_outer_norm,
           var_inner_norm, var_has_outer, var_has_inner, ln_gamma, ln_beta,
           w1, b1, w2, b2, scale, token_ids, var_ids, var_family_id,
           var_group_id):
    tok_tab, var_tab = _build_tables(
        token_has_int, token_signed_norm, token_log_norm, token_is_zero,
        token_is_one, token_is_pow2, var_family_onehot, var_outer_norm,
        var_inner_norm, var_has_outer, var_has_inner, var_family_id,
        var_group_id)
    tv = _sc_gather(tok_tab, var_tab,
                    token_ids.reshape(-1), var_ids.reshape(-1))
    wts = _prep_weights(ln_gamma, ln_beta, w1, b1, w2, b2, scale)
    return _tc_forward(tv, token_ids, jnp.asarray(_UPPER), *wts)


def _build_tables(token_has_int, token_signed_norm, token_log_norm,
                  token_is_zero, token_is_one, token_is_pow2,
                  var_family_onehot, var_outer_norm, var_inner_norm,
                  var_has_outer, var_has_inner, var_family_id, var_group_id):
    f32 = jnp.float32
    i29 = np.float32(1.0 / 29.0)
    zv = jnp.zeros_like(token_has_int)
    ind = token_has_int + token_is_zero + token_is_one + token_is_pow2
    s1t = (ind + token_signed_norm + token_log_norm) * i29
    s2t = (ind + token_signed_norm ** 2 + token_log_norm ** 2) * i29
    tok_tab = jnp.stack([token_has_int, token_signed_norm, token_log_norm,
                         token_is_zero, token_is_one, token_is_pow2,
                         zv, zv, s1t, s2t, zv, zv, zv, zv, zv, zv], axis=1)
    vind = var_has_outer + var_has_inner + 1.0
    s1v = (vind + var_outer_norm + var_inner_norm) * i29
    s2v = (vind + var_outer_norm ** 2 + var_inner_norm ** 2) * i29
    var_tab = jnp.concatenate(
        [jnp.stack([var_outer_norm, var_inner_norm, var_has_outer,
                    var_has_inner, var_family_id.astype(f32),
                    var_group_id.astype(f32), s1v, s2v], axis=1),
         var_family_onehot], axis=1)
    return tok_tab, var_tab


_LANE32 = np.array([0, 1, 2, 3, 4, 5, 16, 17, 18, 19,
                    24, 25, 26, 27, 28, 29, 30, 31], dtype=np.int32)
_ORIG32 = np.array([0, 1, 2, 3, 28, 4, 13, 14, 15, 16,
                    5, 6, 7, 8, 9, 10, 11, 12], dtype=np.int32)


def _prep_weights(ln_gamma, ln_beta, w1, b1, w2, b2, scale):
    f32 = jnp.float32
    i29 = np.float32(1.0 / 29.0)
    w1g = w1 * ln_gamma[:, None]
    cw = (ln_gamma @ w1).reshape(1, _HID)
    wp = w1g - i29 * cw
    wpe = jnp.concatenate([wp, jnp.zeros((29, 2), f32)], axis=1)
    w32 = jnp.zeros((32, _HID + 2), f32)
    w32 = w32.at[jnp.asarray(_LANE32)].set(wpe[jnp.asarray(_ORIG32)])
    w32 = w32.at[8, _HID].set(1.0).at[9, _HID + 1].set(1.0)
    w32 = w32.at[22, _HID].set(1.0).at[23, _HID + 1].set(1.0)
    wdh = jnp.concatenate([wp[18:28], jnp.full((10, 1), i29, f32),
                           jnp.zeros((10, 1), f32)], axis=1)
    wdq = jnp.concatenate([jnp.zeros((10, _HID + 1), f32),
                           jnp.full((10, 1), i29, f32)], axis=1)
    poscol = jnp.asarray(_POSCOL)
    hrow = jnp.concatenate([wp[17:18], jnp.full((1, 1), i29, f32),
                            jnp.zeros((1, 1), f32)], axis=1)
    hb = poscol * hrow
    hb = hb.at[:, _HID + 1].set(poscol[:, 0] * poscol[:, 0] * i29)
    bw = (ln_beta @ w1 + b1).reshape(1, _HID)
    return (w32, wdh, wdq, hb, bw, w2 * scale, (b2 * scale).reshape(1, _DM))

# --- scband reference (transcript-rebuilt; emitter-appended) ---
"""Pipeline reference for scband-dynamic-token-side-embedding-55602646614061 (READ-ONLY COPY).

The authoritative reference and input builder live on the scoring server;
editing this copy changes nothing except your own understanding.
"""

import jax, jax.numpy as jnp
import numpy as np

VOCAB = 100000
NVARS = 1000
NFAM = 8
NGROUPS = 16
B = 1024
S = 200
D_MODEL = 128
HIDDEN = 64
IN_DIM = 5 + NFAM + 4 + 12
SPECIAL = (0, 1, 2)


def setup_inputs(seed: int = 0):
    key = jax.random.key(seed)
    ks = jax.random.split(key, 20)
    token_ids = jax.random.randint(ks[0], (B, S), 0, VOCAB)
    var_ids = jax.random.randint(ks[1], (B, S), 0, NVARS)
    token_has_int = (jax.random.uniform(ks[2], (VOCAB,)) > 0.3).astype(jnp.float32)
    token_signed_norm = jax.random.normal(ks[3], (VOCAB,), dtype=jnp.float32)
    token_log_norm = jax.random.uniform(ks[4], (VOCAB,), dtype=jnp.float32)
    token_is_zero = (jax.random.uniform(ks[5], (VOCAB,)) > 0.95).astype(jnp.float32)
    token_is_one = (jax.random.uniform(ks[6], (VOCAB,)) > 0.95).astype(jnp.float32)
    token_is_pow2 = (jax.random.uniform(ks[7], (VOCAB,)) > 0.9).astype(jnp.float32)
    var_family_id = jax.random.randint(ks[8], (NVARS,), 0, NFAM)
    var_family_onehot = jax.nn.one_hot(var_family_id, NFAM, dtype=jnp.float32)
    var_outer_norm = jax.random.uniform(ks[9], (NVARS,), dtype=jnp.float32)
    var_inner_norm = jax.random.uniform(ks[10], (NVARS,), dtype=jnp.float32)
    var_has_outer = (jax.random.uniform(ks[11], (NVARS,)) > 0.5).astype(jnp.float32)
    var_has_inner = (jax.random.uniform(ks[12], (NVARS,)) > 0.5).astype(jnp.float32)
    var_group_id = jax.random.randint(ks[13], (NVARS,), 0, NGROUPS)
    ln_gamma = jnp.ones((IN_DIM,), jnp.float32)
    ln_beta = jnp.zeros((IN_DIM,), jnp.float32)
    w1 = jax.random.normal(ks[14], (IN_DIM, HIDDEN), dtype=jnp.float32) * 0.1
    b1 = jnp.zeros((HIDDEN,), jnp.float32)
    w2 = jax.random.normal(ks[15], (HIDDEN, D_MODEL), dtype=jnp.float32) * 0.1
    b2 = jnp.zeros((D_MODEL,), jnp.float32)
    scale = jnp.asarray(0.1, jnp.float32)
    return {"token_has_int": token_has_int, "token_signed_norm": token_signed_norm,
            "token_log_norm": token_log_norm, "token_is_zero": token_is_zero,
            "token_is_one": token_is_one, "token_is_pow2": token_is_pow2,
            "var_family_onehot": var_family_onehot, "var_outer_norm": var_outer_norm,
            "var_inner_norm": var_inner_norm, "var_has_outer": var_has_outer,
            "var_has_inner": var_has_inner, "ln_gamma": ln_gamma, "ln_beta": ln_beta,
            "w1": w1, "b1": b1, "w2": w2, "b2": b2, "scale": scale,
            "token_ids": token_ids, "var_ids": var_ids,
            "var_family_id": var_family_id, "var_group_id": var_group_id}


def _forward(token_has_int, token_signed_norm, token_log_norm, token_is_zero,
             token_is_one, token_is_pow2, var_family_onehot, var_outer_norm,
             var_inner_norm, var_has_outer, var_has_inner, ln_gamma, ln_beta,
             w1, b1, w2, b2, scale, token_ids, var_ids, var_family_id, var_group_id):
    bsz, seq_len = token_ids.shape
    dtype = token_log_norm.dtype
    has_int = jnp.take(token_has_int, token_ids, axis=0)
    token_signed = jnp.take(token_signed_norm, token_ids, axis=0)
    token_log = jnp.take(token_log_norm, token_ids, axis=0)
    tk_zero = jnp.take(token_is_zero, token_ids, axis=0)
    tk_one = jnp.take(token_is_one, token_ids, axis=0)
    tk_pow2 = jnp.take(token_is_pow2, token_ids, axis=0)
    family_oh = jnp.take(var_family_onehot, var_ids, axis=0)
    family_id = jnp.take(var_family_id, var_ids, axis=0)
    outer_norm = jnp.take(var_outer_norm, var_ids, axis=0)
    inner_norm = jnp.take(var_inner_norm, var_ids, axis=0)
    has_outer = jnp.take(var_has_outer, var_ids, axis=0)
    has_inner = jnp.take(var_has_inner, var_ids, axis=0)
    group_id = jnp.take(var_group_id, var_ids, axis=0)
    valid = has_int > 0.0
    for t in SPECIAL:
        valid = valid & (token_ids != t)
    validf = valid.astype(dtype)
    denom = float(max(seq_len - 1, 1))
    pos = jnp.broadcast_to(jnp.arange(seq_len, dtype=dtype)[None, :], (bsz, seq_len))
    pos_norm = pos / denom
    token_log_valid = token_log * validf
    prev_count_raw = jnp.cumsum(validf, axis=1) - validf
    prev_logsum_all_raw = jnp.cumsum(token_log_valid, axis=1) - token_log_valid
    prev_count_norm = prev_count_raw / denom
    prev_logsum_all_norm = prev_logsum_all_raw / denom
    prev_token_log = jnp.pad(token_log[:, :-1], ((0, 0), (1, 0)))
    prev_token_signed = jnp.pad(token_signed[:, :-1], ((0, 0), (1, 0)))
    fam_valid = family_oh * validf[..., None]
    fam_log_valid = family_oh * token_log_valid[..., None]
    fam_prev_count_all = jnp.cumsum(fam_valid, axis=1) - fam_valid
    fam_prev_log_all = jnp.cumsum(fam_log_valid, axis=1) - fam_log_valid
    fidx = family_id[..., None]
    psf_count = jnp.take_along_axis(fam_prev_count_all, fidx, axis=-1)[..., 0]
    psf_log = jnp.take_along_axis(fam_prev_log_all, fidx, axis=-1)[..., 0]
    psf_count_norm = psf_count / denom
    psf_log_norm = psf_log / denom
    psf_ratio = psf_count / jnp.maximum(prev_count_raw, 1.0)
    group_oh = jax.nn.one_hot(jnp.maximum(group_id, 0), NGROUPS, dtype=dtype)
    valid_group = (group_id > 0).astype(dtype)
    group_valid = group_oh * (validf * valid_group)[..., None]
    group_log_valid = group_oh * (token_log_valid * valid_group)[..., None]
    group_prev_count_all = jnp.cumsum(group_valid, axis=1) - group_valid
    group_prev_log_all = jnp.cumsum(group_log_valid, axis=1) - group_log_valid
    gidx = group_id[..., None]
    psg_count = jnp.take_along_axis(group_prev_count_all, gidx, axis=-1)[..., 0]
    psg_log = jnp.take_along_axis(group_prev_log_all, gidx, axis=-1)[..., 0]
    psg_count = jnp.where(group_id > 0, psg_count, jnp.zeros_like(psg_count))
    psg_log = jnp.where(group_id > 0, psg_log, jnp.zeros_like(psg_log))
    psg_count_norm = psg_count / denom
    psg_log_norm = psg_log / denom
    psg_ratio = psg_count / jnp.maximum(prev_count_raw, 1.0)
    static_token = jnp.stack([has_int, token_signed, token_log, tk_zero, tk_pow2], axis=-1)
    static_var = jnp.concatenate([family_oh, outer_norm[..., None], inner_norm[..., None],
                                  has_outer[..., None], has_inner[..., None]], axis=-1)
    dynamic_feat = jnp.stack([pos_norm, prev_count_norm, prev_logsum_all_norm,
                              psf_count_norm, psf_log_norm, psf_ratio,
                              psg_count_norm, psg_log_norm, psg_ratio,
                              prev_token_log, prev_token_signed, tk_one], axis=-1)
    feats = jnp.concatenate([static_token, static_var, dynamic_feat], axis=-1)
    mu = jnp.mean(feats, axis=-1, keepdims=True)
    var = jnp.var(feats, axis=-1, keepdims=True)
    x = (feats - mu) / jnp.sqrt(var + 1e-5) * ln_gamma + ln_beta
    x = x @ w1 + b1
    x = jax.nn.gelu(x, approximate=False)
    x = x @ w2 + b2
    return x * scale


def reference(token_has_int, token_signed_norm, token_log_norm, token_is_zero,
              token_is_one, token_is_pow2, var_family_onehot, var_outer_norm,
              var_inner_norm, var_has_outer, var_has_inner, ln_gamma, ln_beta,
              w1, b1, w2, b2, scale, token_ids, var_ids, var_family_id, var_group_id):
    return _forward(token_has_int, token_signed_norm, token_log_norm, token_is_zero,
                    token_is_one, token_is_pow2, var_family_onehot, var_outer_norm,
                    var_inner_norm, var_has_outer, var_has_inner, ln_gamma, ln_beta,
                    w1, b1, w2, b2, scale, token_ids, var_ids, var_family_id, var_group_id)

if __name__ == "__main__":
    import jax
    _d = setup_inputs()
    print(jax.jit(kernel)(*tuple(_d.values())))

</pallas_src>

<mosaic_0001>
#map = affine_map<(d0, d1) -> (0, 0)>
#map1 = affine_map<(d0, d1) -> (0)>
module attributes {stable_mosaic.version = 14 : i64} {
  func.func @gk(%arg0: i32, %arg1: i32, %arg2: memref<100000x16xf32, #tpu.memory_space<hbm>>, %arg3: memref<1000x16xf32, #tpu.memory_space<hbm>>, %arg4: memref<204800xi32, #tpu.memory_space<hbm>>, %arg5: memref<204800xi32, #tpu.memory_space<hbm>>, %arg6: memref<204800x128xf32, #tpu.memory_space<hbm>>, %arg7: memref<6400xi32, #tpu.memory_space<vmem>>, %arg8: memref<640x16xf32, #tpu.memory_space<vmem>>, %arg9: memref<6400xi32, #tpu.memory_space<vmem>>, %arg10: memref<640x16xf32, #tpu.memory_space<vmem>>, %arg11: memref<!tpu.dma_semaphore, #tpu.memory_space<semaphore_mem>>, %arg12: memref<!tpu.dma_semaphore, #tpu.memory_space<semaphore_mem>>) attributes {dimension_semantics = [#tpu.dimension_semantics<core_parallel>, #tpu.dimension_semantics<subcore_parallel>], iteration_bounds = array<i64: 2, 16>, scalar_prefetch = 0 : i64, scratch_operands = 6 : i64, tpu.core_type = #tpu.core_type<sc_vector_subcore>, window_params = [{transform_indices = #map}, {transform_indices = #map}, {transform_indices = #map1}, {transform_indices = #map1}, {transform_indices = #map}]} {
    %mul3A = arith.constant 2 : i32
    %mul3A_0 = arith.muli %arg1, %mul3A : i32
    %add3A = arith.addi %mul3A_0, %arg0 : i32
    %mul3A_1 = arith.constant 6400 : i32
    %mul3A_2 = arith.muli %add3A, %mul3A_1 : i32
    "tpu.region"() ({
      %run_scoped3A = tpu.sem_alloc : memref<!tpu.dma_semaphore, #tpu.memory_space<semaphore_mem>>
      %dma_start3A = tpu.memref_slice %arg4[%mul3A_2] : memref<204800xi32, #tpu.memory_space<hbm>> -> memref<6400xi32, #tpu.memory_space<hbm>>
      %dma_start3A_8 = tpu.memref_slice %arg4[%mul3A_2] : memref<204800xi32, #tpu.memory_space<hbm>> -> memref<6400xi32, #tpu.memory_space<hbm>>
      tpu.enqueue_dma source(%dma_start3A_8 : memref<6400xi32, #tpu.memory_space<hbm>>) target(%arg7 : memref<6400xi32, #tpu.memory_space<vmem>>) target_semaphore(%run_scoped3A : memref<!tpu.dma_semaphore, #tpu.memory_space<semaphore_mem>>)
      %dma_wait3A = tpu.memref_slice %arg4[%mul3A_2] : memref<204800xi32, #tpu.memory_space<hbm>> -> memref<6400xi32, #tpu.memory_space<hbm>>
      %dma_wait3A_9 = tpu.memref_slice %arg4[%mul3A_2] : memref<204800xi32, #tpu.memory_space<hbm>> -> memref<6400xi32, #tpu.memory_space<hbm>>
      tpu.wait_dma2 semaphore(%run_scoped3A : memref<!tpu.dma_semaphore, #tpu.memory_space<semaphore_mem>>) src(%dma_wait3A_9 : memref<6400xi32, #tpu.memory_space<hbm>>) dst(%arg7 : memref<6400xi32, #tpu.memory_space<vmem>>)
      tpu.yield
    }) : () -> ()
    "tpu.region"() ({
      %run_scoped3A = tpu.sem_alloc : memref<!tpu.dma_semaphore, #tpu.memory_space<semaphore_mem>>
      %dma_start3A = tpu.memref_slice %arg5[%mul3A_2] : memref<204800xi32, #tpu.memory_space<hbm>> -> memref<6400xi32, #tpu.memory_space<hbm>>
      %dma_start3A_8 = tpu.memref_slice %arg5[%mul3A_2] : memref<204800xi32, #tpu.memory_space<hbm>> -> memref<6400xi32, #tpu.memory_space<hbm>>
      tpu.enqueue_dma source(%dma_start3A_8 : memref<6400xi32, #tpu.memory_space<hbm>>) target(%arg9 : memref<6400xi32, #tpu.memory_space<vmem>>) target_semaphore(%run_scoped3A : memref<!tpu.dma_semaphore, #tpu.memory_space<semaphore_mem>>)
      %dma_wait3A = tpu.memref_slice %arg5[%mul3A_2] : memref<204800xi32, #tpu.memory_space<hbm>> -> memref<6400xi32, #tpu.memory_space<hbm>>
      %dma_wait3A_9 = tpu.memref_slice %arg5[%mul3A_2] : memref<204800xi32, #tpu.memory_space<hbm>> -> memref<6400xi32, #tpu.memory_space<hbm>>
      tpu.wait_dma2 semaphore(%run_scoped3A : memref<!tpu.dma_semaphore, #tpu.memory_space<semaphore_mem>>) src(%dma_wait3A_9 : memref<6400xi32, #tpu.memory_space<hbm>>) dst(%arg9 : memref<6400xi32, #tpu.memory_space<vmem>>)
      tpu.yield
    }) : () -> ()
    %scan3A = arith.constant 0 : i32
    %scan3A_3 = arith.constant 0 : i32
    %scan3A_4 = arith.constant 10 : i32
    %scan3A_5 = arith.addi %scan3A_3, %scan3A_4 : i32
    %scan3A_6 = arith.constant 1 : i32
    scf.for %scan3A_8 = %scan3A_3 to %scan3A_5 step %scan3A_6  : i32 {
      %mul3A_9 = arith.constant 5 : i32
      %mul3A_10 = arith.muli %scan3A_8, %mul3A_9 : i32
      %add3A_11 = arith.constant 0 : i32
      %add3A_12 = arith.addi %mul3A_10, %add3A_11 : i32
      %mul3A_13 = arith.constant 128 : i32
      %mul3A_14 = arith.muli %add3A_12, %mul3A_13 : i32
      %dma_start3A = arith.constant 0 : i32
      %dma_start3A_15 = arith.constant 0 : i32
      %dma_start3A_16 = tpu.memref_slice %arg8[%dma_start3A, %dma_start3A_15] : memref<640x16xf32, #tpu.memory_space<vmem>> -> memref<128x16xf32, #tpu.memory_space<vmem>>
      %dma_start3A_17 = tpu.memref_slice %arg7[%mul3A_14] : memref<6400xi32, #tpu.memory_space<vmem>> -> memref<128xi32, #tpu.memory_space<vmem>>
      %dma_start3A_18 = arith.constant 0 : i32
      %dma_start3A_19 = arith.constant 0 : i32
      %dma_start3A_20 = tpu.memref_slice %arg2[%dma_start3A_18, %dma_start3A_19] : memref<100000x16xf32, #tpu.memory_space<hbm>> -> memref<100000x16xf32, #tpu.memory_space<hbm>>
      tpu.enqueue_indirect_dma source(%dma_start3A_20 : memref<100000x16xf32, #tpu.memory_space<hbm>>) target(%dma_start3A_16 : memref<128x16xf32, #tpu.memory_space<vmem>>) offsets(%dma_start3A_17 : memref<128xi32, #tpu.memory_space<vmem>>) semaphore(%arg11 : memref<!tpu.dma_semaphore, #tpu.memory_space<semaphore_mem>>)
      %dma_start3A_21 = arith.constant 0 : i32
      %dma_start3A_22 = arith.constant 0 : i32
      %dma_start3A_23 = tpu.memref_slice %arg10[%dma_start3A_21, %dma_start3A_22] : memref<640x16xf32, #tpu.memory_space<vmem>> -> memref<128x16xf32, #tpu.memory_space<vmem>>
      %dma_start3A_24 = tpu.memref_slice %arg9[%mul3A_14] : memref<6400xi32, #tpu.memory_space<vmem>> -> memref<128xi32, #tpu.memory_space<vmem>>
      %dma_start3A_25 = arith.constant 0 : i32
      %dma_start3A_26 = arith.constant 0 : i32
      %dma_start3A_27 = tpu.memref_slice %arg3[%dma_start3A_25, %dma_start3A_26] : memref<1000x16xf32, #tpu.memory_space<hbm>> -> memref<1000x16xf32, #tpu.memory_space<hbm>>
      tpu.enqueue_indirect_dma source(%dma_start3A_27 : memref<1000x16xf32, #tpu.memory_space<hbm>>) target(%dma_start3A_23 : memref<128x16xf32, #tpu.memory_space<vmem>>) offsets(%dma_start3A_24 : memref<128xi32, #tpu.memory_space<vmem>>) semaphore(%arg12 : memref<!tpu.dma_semaphore, #tpu.memory_space<semaphore_mem>>)
      %mul3A_28 = arith.constant 5 : i32
      %mul3A_29 = arith.muli %scan3A_8, %mul3A_28 : i32
      %add3A_30 = arith.constant 1 : i32
      %add3A_31 = arith.addi %mul3A_29, %add3A_30 : i32
      %mul3A_32 = arith.constant 128 : i32
      %mul3A_33 = arith.muli %add3A_31, %mul3A_32 : i32
      %dma_start3A_34 = arith.constant 128 : i32
      %dma_start3A_35 = arith.constant 0 : i32
      %dma_start3A_36 = tpu.memref_slice %arg8[%dma_start3A_34, %dma_start3A_35] : memref<640x16xf32, #tpu.memory_space<vmem>> -> memref<128x16xf32, #tpu.memory_space<vmem>>
      %dma_start3A_37 = tpu.memref_slice %arg7[%mul3A_33] : memref<6400xi32, #tpu.memory_space<vmem>> -> memref<128xi32, #tpu.memory_space<vmem>>
      %dma_start3A_38 = arith.constant 0 : i32
      %dma_start3A_39 = arith.constant 0 : i32
      %dma_start3A_40 = tpu.memref_slice %arg2[%dma_start3A_38, %dma_start3A_39] : memref<100000x16xf32, #tpu.memory_space<hbm>> -> memref<100000x16xf32, #tpu.memory_space<hbm>>
      tpu.enqueue_indirect_dma source(%dma_start3A_40 : memref<100000x16xf32, #tpu.memory_space<hbm>>) target(%dma_start3A_36 : memref<128x16xf32, #tpu.memory_space<vmem>>) offsets(%dma_start3A_37 : memref<128xi32, #tpu.memory_space<vmem>>) semaphore(%arg11 : memref<!tpu.dma_semaphore, #tpu.memory_space<semaphore_mem>>)
      %dma_start3A_41 = arith.constant 128 : i32
      %dma_start3A_42 = arith.constant 0 : i32
      %dma_start3A_43 = tpu.memref_slice %arg10[%dma_start3A_41, %dma_start3A_42] : memref<640x16xf32, #tpu.memory_space<vmem>> -> memref<128x16xf32, #tpu.memory_space<vmem>>
      %dma_start3A_44 = tpu.memref_slice %arg9[%mul3A_33] : memref<6400xi32, #tpu.memory_space<vmem>> -> memref<128xi32, #tpu.memory_space<vmem>>
      %dma_start3A_45 = arith.constant 0 : i32
      %dma_start3A_46 = arith.constant 0 : i32
      %dma_start3A_47 = tpu.memref_slice %arg3[%dma_start3A_45, %dma_start3A_46] : memref<1000x16xf32, #tpu.memory_space<hbm>> -> memref<1000x16xf32, #tpu.memory_space<hbm>>
      tpu.enqueue_indirect_dma source(%dma_start3A_47 : memref<1000x16xf32, #tpu.memory_space<hbm>>) target(%dma_start3A_43 : memref<128x16xf32, #tpu.memory_space<vmem>>) offsets(%dma_start3A_44 : memref<128xi32, #tpu.memory_space<vmem>>) semaphore(%arg12 : memref<!tpu.dma_semaphore, #tpu.memory_space<semaphore_mem>>)
      %mul3A_48 = arith.constant 5 : i32
      %mul3A_49 = arith.muli %scan3A_8, %mul3A_48 : i32
      %add3A_50 = arith.constant 2 : i32
      %add3A_51 = arith.addi %mul3A_49, %add3A_50 : i32
      %mul3A_52 = arith.constant 128 : i32
      %mul3A_53 = arith.muli %add3A_51, %mul3A_52 : i32
      %dma_start3A_54 = arith.constant 256 : i32
      %dma_start3A_55 = arith.constant 0 : i32
      %dma_start3A_56 = tpu.memref_slice %arg8[%dma_start3A_54, %dma_start3A_55] : memref<640x16xf32, #tpu.memory_space<vmem>> -> memref<128x16xf32, #tpu.memory_space<vmem>>
      %dma_start3A_57 = tpu.memref_slice %arg7[%mul3A_53] : memref<6400xi32, #tpu.memory_space<vmem>> -> memref<128xi32, #tpu.memory_space<vmem>>
      %dma_start3A_58 = arith.constant 0 : i32
      %dma_start3A_59 = arith.constant 0 : i32
      %dma_start3A_60 = tpu.memref_slice %arg2[%dma_start3A_58, %dma_start3A_59] : memref<100000x16xf32, #tpu.memory_space<hbm>> -> memref<100000x16xf32, #tpu.memory_space<hbm>>
      tpu.enqueue_indirect_dma source(%dma_start3A_60 : memref<100000x16xf32, #tpu.memory_space<hbm>>) target(%dma_start3A_56 : memref<128x16xf32, #tpu.memory_space<vmem>>) offsets(%dma_start3A_57 : memref<128xi32, #tpu.memory_space<vmem>>) semaphore(%arg11 : memref<!tpu.dma_semaphore, #tpu.memory_space<semaphore_mem>>)
      %dma_start3A_61 = arith.constant 256 : i32
      %dma_start3A_62 = arith.constant 0 : i32
      %dma_start3A_63 = tpu.memref_slice %arg10[%dma_start3A_61, %dma_start3A_62] : memref<640x16xf32, #tpu.memory_space<vmem>> -> memref<128x16xf32, #tpu.memory_space<vmem>>
      %dma_start3A_64 = tpu.memref_slice %arg9[%mul3A_53] : memref<6400xi32, #tpu.memory_space<vmem>> -> memref<128xi32, #tpu.memory_space<vmem>>
      %dma_start3A_65 = arith.constant 0 : i32
      %dma_start3A_66 = arith.constant 0 : i32
      %dma_start3A_67 = tpu.memref_slice %arg3[%dma_start3A_65, %dma_start3A_66] : memref<1000x16xf32, #tpu.memory_space<hbm>> -> memref<1000x16xf32, #tpu.memory_space<hbm>>
      tpu.enqueue_indirect_dma source(%dma_start3A_67 : memref<1000x16xf32, #tpu.memory_space<hbm>>) target(%dma_start3A_63 : memref<128x16xf32, #tpu.memory_space<vmem>>) offsets(%dma_start3A_64 : memref<128xi32, #tpu.memory_space<vmem>>) semaphore(%arg12 : memref<!tpu.dma_semaphore, #tpu.memory_space<semaphore_mem>>)
      %mul3A_68 = arith.constant 5 : i32
      %mul3A_69 = arith.muli %scan3A_8, %mul3A_68 : i32
      %add3A_70 = arith.constant 3 : i32
      %add3A_71 = arith.addi %mul3A_69, %add3A_70 : i32
      %mul3A_72 = arith.constant 128 : i32
      %mul3A_73 = arith.muli %add3A_71, %mul3A_72 : i32
      %dma_start3A_74 = arith.constant 384 : i32
      %dma_start3A_75 = arith.constant 0 : i32
      %dma_start3A_76 = tpu.memref_slice %arg8[%dma_start3A_74, %dma_start3A_75] : memref<640x16xf32, #tpu.memory_space<vmem>> -> memref<128x16xf32, #tpu.memory_space<vmem>>
      %dma_start3A_77 = tpu.memref_slice %arg7[%mul3A_73] : memref<6400xi32, #tpu.memory_space<vmem>> -> memref<128xi32, #tpu.memory_space<vmem>>
      %dma_start3A_78 = arith.constant 0 : i32
      %dma_start3A_79 = arith.constant 0 : i32
      %dma_start3A_80 = tpu.memref_slice %arg2[%dma_start3A_78, %dma_start3A_79] : memref<100000x16xf32, #tpu.memory_space<hbm>> -> memref<100000x16xf32, #tpu.memory_space<hbm>>
      tpu.enqueue_indirect_dma source(%dma_start3A_80 : memref<100000x16xf32, #tpu.memory_space<hbm>>) target(%dma_start3A_76 : memref<128x16xf32, #tpu.memory_space<vmem>>) offsets(%dma_start3A_77 : memref<128xi32, #tpu.memory_space<vmem>>) semaphore(%arg11 : memref<!tpu.dma_semaphore, #tpu.memory_space<semaphore_mem>>)
      %dma_start3A_81 = arith.constant 384 : i32
      %dma_start3A_82 = arith.constant 0 : i32
      %dma_start3A_83 = tpu.memref_slice %arg10[%dma_start3A_81, %dma_start3A_82] : memref<640x16xf32, #tpu.memory_space<vmem>> -> memref<128x16xf32, #tpu.memory_space<vmem>>
      %dma_start3A_84 = tpu.memref_slice %arg9[%mul3A_73] : memref<6400xi32, #tpu.memory_space<vmem>> -> memref<128xi32, #tpu.memory_space<vmem>>
      %dma_start3A_85 = arith.constant 0 : i32
      %dma_start3A_86 = arith.constant 0 : i32
      %dma_start3A_87 = tpu.memref_slice %arg3[%dma_start3A_85, %dma_start3A_86] : memref<1000x16xf32, #tpu.memory_space<hbm>> -> memref<1000x16xf32, #tpu.memory_space<hbm>>
      tpu.enqueue_indirect_dma source(%dma_start3A_87 : memref<1000x16xf32, #tpu.memory_space<hbm>>) target(%dma_start3A_83 : memref<128x16xf32, #tpu.memory_space<vmem>>) offsets(%dma_start3A_84 : memref<128xi32, #tpu.memory_space<vmem>>) semaphore(%arg12 : memref<!tpu.dma_semaphore, #tpu.memory_space<semaphore_mem>>)
      %mul3A_88 = arith.constant 5 : i32
      %mul3A_89 = arith.muli %scan3A_8, %mul3A_88 : i32
      %add3A_90 = arith.constant 4 : i32
      %add3A_91 = arith.addi %mul3A_89, %add3A_90 : i32
      %mul3A_92 = arith.constant 128 : i32
      %mul3A_93 = arith.muli %add3A_91, %mul3A_92 : i32
      %dma_start3A_94 = arith.constant 512 : i32
      %dma_start3A_95 = arith.constant 0 : i32
      %dma_start3A_96 = tpu.memref_slice %arg8[%dma_start3A_94, %dma_start3A_95] : memref<640x16xf32, #tpu.memory_space<vmem>> -> memref<128x16xf32, #tpu.memory_space<vmem>>
      %dma_start3A_97 = tpu.memref_slice %arg7[%mul3A_93] : memref<6400xi32, #tpu.memory_space<vmem>> -> memref<128xi32, #tpu.memory_space<vmem>>
      %dma_start3A_98 = arith.constant 0 : i32
      %dma_start3A_99 = arith.constant 0 : i32
      %dma_start3A_100 = tpu.memref_slice %arg2[%dma_start3A_98, %dma_start3A_99] : memref<100000x16xf32, #tpu.memory_space<hbm>> -> memref<100000x16xf32, #tpu.memory_space<hbm>>
      tpu.enqueue_indirect_dma source(%dma_start3A_100 : memref<100000x16xf32, #tpu.memory_space<hbm>>) target(%dma_start3A_96 : memref<128x16xf32, #tpu.memory_space<vmem>>) offsets(%dma_start3A_97 : memref<128xi32, #tpu.memory_space<vmem>>) semaphore(%arg11 : memref<!tpu.dma_semaphore, #tpu.memory_space<semaphore_mem>>)
      %dma_start3A_101 = arith.constant 512 : i32
      %dma_start3A_102 = arith.constant 0 : i32
      %dma_start3A_103 = tpu.memref_slice %arg10[%dma_start3A_101, %dma_start3A_102] : memref<640x16xf32, #tpu.memory_space<vmem>> -> memref<128x16xf32, #tpu.memory_space<vmem>>
      %dma_start3A_104 = tpu.memref_slice %arg9[%mul3A_93] : memref<6400xi32, #tpu.memory_space<vmem>> -> memref<128xi32, #tpu.memory_space<vmem>>
      %dma_start3A_105 = arith.constant 0 : i32
      %dma_start3A_106 = arith.constant 0 : i32
      %dma_start3A_107 = tpu.memref_slice %arg3[%dma_start3A_105, %dma_start3A_106] : memref<1000x16xf32, #tpu.memory_space<hbm>> -> memref<1000x16xf32, #tpu.memory_space<hbm>>
      tpu.enqueue_indirect_dma source(%dma_start3A_107 : memref<1000x16xf32, #tpu.memory_space<hbm>>) target(%dma_start3A_103 : memref<128x16xf32, #tpu.memory_space<vmem>>) offsets(%dma_start3A_104 : memref<128xi32, #tpu.memory_space<vmem>>) semaphore(%arg12 : memref<!tpu.dma_semaphore, #tpu.memory_space<semaphore_mem>>)
      %dma_wait3A = arith.constant 0 : i32
      %dma_wait3A_108 = arith.constant 0 : i32
      %dma_wait3A_109 = tpu.memref_slice %arg8[%dma_wait3A, %dma_wait3A_108] : memref<640x16xf32, #tpu.memory_space<vmem>> -> memref<128x16xf32, #tpu.memory_space<vmem>>
      %dma_wait3A_110 = tpu.memref_slice %arg7[%mul3A_14] : memref<6400xi32, #tpu.memory_space<vmem>> -> memref<128xi32, #tpu.memory_space<vmem>>
      %dma_wait3A_111 = arith.constant 0 : i32
      %dma_wait3A_112 = arith.constant 0 : i32
      %dma_wait3A_113 = tpu.memref_slice %arg2[%dma_wait3A_111, %dma_wait3A_112] : memref<100000x16xf32, #tpu.memory_space<hbm>> -> memref<100000x16xf32, #tpu.memory_space<hbm>>
      tpu.wait_indirect_dma semaphore(%arg11 : memref<!tpu.dma_semaphore, #tpu.memory_space<semaphore_mem>>) src(%dma_wait3A_113 : memref<100000x16xf32, #tpu.memory_space<hbm>>) dst(%dma_wait3A_109 : memref<128x16xf32, #tpu.memory_space<vmem>>)
      %dma_wait3A_114 = arith.constant 0 : i32
      %dma_wait3A_115 = arith.constant 0 : i32
      %dma_wait3A_116 = tpu.memref_slice %arg10[%dma_wait3A_114, %dma_wait3A_115] : memref<640x16xf32, #tpu.memory_space<vmem>> -> memref<128x16xf32, #tpu.memory_space<vmem>>
      %dma_wait3A_117 = tpu.memref_slice %arg9[%mul3A_14] : memref<6400xi32, #tpu.memory_space<vmem>> -> memref<128xi32, #tpu.memory_space<vmem>>
      %dma_wait3A_118 = arith.constant 0 : i32
      %dma_wait3A_119 = arith.constant 0 : i32
      %dma_wait3A_120 = tpu.memref_slice %arg3[%dma_wait3A_118, %dma_wait3A_119] : memref<1000x16xf32, #tpu.memory_space<hbm>> -> memref<1000x16xf32, #tpu.memory_space<hbm>>
      tpu.wait_indirect_dma semaphore(%arg12 : memref<!tpu.dma_semaphore, #tpu.memory_space<semaphore_mem>>) src(%dma_wait3A_120 : memref<1000x16xf32, #tpu.memory_space<hbm>>) dst(%dma_wait3A_116 : memref<128x16xf32, #tpu.memory_space<vmem>>)
      %dma_wait3A_121 = arith.constant 128 : i32
      %dma_wait3A_122 = arith.constant 0 : i32
      %dma_wait3A_123 = tpu.memref_slice %arg8[%dma_wait3A_121, %dma_wait3A_122] : memref<640x16xf32, #tpu.memory_space<vmem>> -> memref<128x16xf32, #tpu.memory_space<vmem>>
      %dma_wait3A_124 = tpu.memref_slice %arg7[%mul3A_33] : memref<6400xi32, #tpu.memory_space<vmem>> -> memref<128xi32, #tpu.memory_space<vmem>>
      %dma_wait3A_125 = arith.constant 0 : i32
      %dma_wait3A_126 = arith.constant 0 : i32
      %dma_wait3A_127 = tpu.memref_slice %arg2[%dma_wait3A_125, %dma_wait3A_126] : memref<100000x16xf32, #tpu.memory_space<hbm>> -> memref<100000x16xf32, #tpu.memory_space<hbm>>
      tpu.wait_indirect_dma semaphore(%arg11 : memref<!tpu.dma_semaphore, #tpu.memory_space<semaphore_mem>>) src(%dma_wait3A_127 : memref<100000x16xf32, #tpu.memory_space<hbm>>) dst(%dma_wait3A_123 : memref<128x16xf32, #tpu.memory_space<vmem>>)
      %dma_wait3A_128 = arith.constant 128 : i32
      %dma_wait3A_129 = arith.constant 0 : i32
      %dma_wait3A_130 = tpu.memref_slice %arg10[%dma_wait3A_128, %dma_wait3A_129] : memref<640x16xf32, #tpu.memory_space<vmem>> -> memref<128x16xf32, #tpu.memory_space<vmem>>
      %dma_wait3A_131 = tpu.memref_slice %arg9[%mul3A_33] : memref<6400xi32, #tpu.memory_space<vmem>> -> memref<128xi32, #tpu.memory_space<vmem>>
      %dma_wait3A_132 = arith.constant 0 : i32
      %dma_wait3A_133 = arith.constant 0 : i32
      %dma_wait3A_134 = tpu.memref_slice %arg3[%dma_wait3A_132, %dma_wait3A_133] : memref<1000x16xf32, #tpu.memory_space<hbm>> -> memref<1000x16xf32, #tpu.memory_space<hbm>>
      tpu.wait_indirect_dma semaphore(%arg12 : memref<!tpu.dma_semaphore, #tpu.memory_space<semaphore_mem>>) src(%dma_wait3A_134 : memref<1000x16xf32, #tpu.memory_space<hbm>>) dst(%dma_wait3A_130 : memref<128x16xf32, #tpu.memory_space<vmem>>)
      %dma_wait3A_135 = arith.constant 256 : i32
      %dma_wait3A_136 = arith.constant 0 : i32
      %dma_wait3A_137 = tpu.memref_slice %arg8[%dma_wait3A_135, %dma_wait3A_136] : memref<640x16xf32, #tpu.memory_space<vmem>> -> memref<128x16xf32, #tpu.memory_space<vmem>>
      %dma_wait3A_138 = tpu.memref_slice %arg7[%mul3A_53] : memref<6400xi32, #tpu.memory_space<vmem>> -> memref<128xi32, #tpu.memory_space<vmem>>
      %dma_wait3A_139 = arith.constant 0 : i32
      %dma_wait3A_140 = arith.constant 0 : i32
      %dma_wait3A_141 = tpu.memref_slice %arg2[%dma_wait3A_139, %dma_wait3A_140] : memref<100000x16xf32, #tpu.memory_space<hbm>> -> memref<100000x16xf32, #tpu.memory_space<hbm>>
      tpu.wait_indirect_dma semaphore(%arg11 : memref<!tpu.dma_semaphore, #tpu.memory_space<semaphore_mem>>) src(%dma_wait3A_141 : memref<100000x16xf32, #tpu.memory_space<hbm>>) dst(%dma_wait3A_137 : memref<128x16xf32, #tpu.memory_space<vmem>>)
      %dma_wait3A_142 = arith.constant 256 : i32
      %dma_wait3A_143 = arith.constant 0 : i32
      %dma_wait3A_144 = tpu.memref_slice %arg10[%dma_wait3A_142, %dma_wait3A_143] : memref<640x16xf32, #tpu.memory_space<vmem>> -> memref<128x16xf32, #tpu.memory_space<vmem>>
      %dma_wait3A_145 = tpu.memref_slice %arg9[%mul3A_53] : memref<6400xi32, #tpu.memory_space<vmem>> -> memref<128xi32, #tpu.memory_space<vmem>>
      %dma_wait3A_146 = arith.constant 0 : i32
      %dma_wait3A_147 = arith.constant 0 : i32
      %dma_wait3A_148 = tpu.memref_slice %arg3[%dma_wait3A_146, %dma_wait3A_147] : memref<1000x16xf32, #tpu.memory_space<hbm>> -> memref<1000x16xf32, #tpu.memory_space<hbm>>
      tpu.wait_indirect_dma semaphore(%arg12 : memref<!tpu.dma_semaphore, #tpu.memory_space<semaphore_mem>>) src(%dma_wait3A_148 : memref<1000x16xf32, #tpu.memory_space<hbm>>) dst(%dma_wait3A_144 : memref<128x16xf32, #tpu.memory_space<vmem>>)
      %dma_wait3A_149 = arith.constant 384 : i32
      %dma_wait3A_150 = arith.constant 0 : i32
      %dma_wait3A_151 = tpu.memref_slice %arg8[%dma_wait3A_149, %dma_wait3A_150] : memref<640x16xf32, #tpu.memory_space<vmem>> -> memref<128x16xf32, #tpu.memory_space<vmem>>
      %dma_wait3A_152 = tpu.memref_slice %arg7[%mul3A_73] : memref<6400xi32, #tpu.memory_space<vmem>> -> memref<128xi32, #tpu.memory_space<vmem>>
      %dma_wait3A_153 = arith.constant 0 : i32
      %dma_wait3A_154 = arith.constant 0 : i32
      %dma_wait3A_155 = tpu.memref_slice %arg2[%dma_wait3A_153, %dma_wait3A_154] : memref<100000x16xf32, #tpu.memory_space<hbm>> -> memref<100000x16xf32, #tpu.memory_space<hbm>>
      tpu.wait_indirect_dma semaphore(%arg11 : memref<!tpu.dma_semaphore, #tpu.memory_space<semaphore_mem>>) src(%dma_wait3A_155 : memref<100000x16xf32, #tpu.memory_space<hbm>>) dst(%dma_wait3A_151 : memref<128x16xf32, #tpu.memory_space<vmem>>)
      %dma_wait3A_156 = arith.constant 384 : i32
      %dma_wait3A_157 = arith.constant 0 : i32
      %dma_wait3A_158 = tpu.memref_slice %arg10[%dma_wait3A_156, %dma_wait3A_157] : memref<640x16xf32, #tpu.memory_space<vmem>> -> memref<128x16xf32, #tpu.memory_space<vmem>>
      %dma_wait3A_159 = tpu.memref_slice %arg9[%mul3A_73] : memref<6400xi32, #tpu.memory_space<vmem>> -> memref<128xi32, #tpu.memory_space<vmem>>
      %dma_wait3A_160 = arith.constant 0 : i32
      %dma_wait3A_161 = arith.constant 0 : i32
      %dma_wait3A_162 = tpu.memref_slice %arg3[%dma_wait3A_160, %dma_wait3A_161] : memref<1000x16xf32, #tpu.memory_space<hbm>> -> memref<1000x16xf32, #tpu.memory_space<hbm>>
      tpu.wait_indirect_dma semaphore(%arg12 : memref<!tpu.dma_semaphore, #tpu.memory_space<semaphore_mem>>) src(%dma_wait3A_162 : memref<1000x16xf32, #tpu.memory_space<hbm>>) dst(%dma_wait3A_158 : memref<128x16xf32, #tpu.memory_space<vmem>>)
      %dma_wait3A_163 = arith.constant 512 : i32
      %dma_wait3A_164 = arith.constant 0 : i32
      %dma_wait3A_165 = tpu.memref_slice %arg8[%dma_wait3A_163, %dma_wait3A_164] : memref<640x16xf32, #tpu.memory_space<vmem>> -> memref<128x16xf32, #tpu.memory_space<vmem>>
      %dma_wait3A_166 = tpu.memref_slice %arg7[%mul3A_93] : memref<6400xi32, #tpu.memory_space<vmem>> -> memref<128xi32, #tpu.memory_space<vmem>>
      %dma_wait3A_167 = arith.constant 0 : i32
      %dma_wait3A_168 = arith.constant 0 : i32
      %dma_wait3A_169 = tpu.memref_slice %arg2[%dma_wait3A_167, %dma_wait3A_168] : memref<100000x16xf32, #tpu.memory_space<hbm>> -> memref<100000x16xf32, #tpu.memory_space<hbm>>
      tpu.wait_indirect_dma semaphore(%arg11 : memref<!tpu.dma_semaphore, #tpu.memory_space<semaphore_mem>>) src(%dma_wait3A_169 : memref<100000x16xf32, #tpu.memory_space<hbm>>) dst(%dma_wait3A_165 : memref<128x16xf32, #tpu.memory_space<vmem>>)
      %dma_wait3A_170 = arith.constant 512 : i32
      %dma_wait3A_171 = arith.constant 0 : i32
      %dma_wait3A_172 = tpu.memref_slice %arg10[%dma_wait3A_170, %dma_wait3A_171] : memref<640x16xf32, #tpu.memory_space<vmem>> -> memref<128x16xf32, #tpu.memory_space<vmem>>
      %dma_wait3A_173 = tpu.memref_slice %arg9[%mul3A_93] : memref<6400xi32, #tpu.memory_space<vmem>> -> memref<128xi32, #tpu.memory_space<vmem>>
      %dma_wait3A_174 = arith.constant 0 : i32
      %dma_wait3A_175 = arith.constant 0 : i32
      %dma_wait3A_176 = tpu.memref_slice %arg3[%dma_wait3A_174, %dma_wait3A_175] : memref<1000x16xf32, #tpu.memory_space<hbm>> -> memref<1000x16xf32, #tpu.memory_space<hbm>>
      tpu.wait_indirect_dma semaphore(%arg12 : memref<!tpu.dma_semaphore, #tpu.memory_space<semaphore_mem>>) src(%dma_wait3A_176 : memref<1000x16xf32, #tpu.memory_space<hbm>>) dst(%dma_wait3A_172 : memref<128x16xf32, #tpu.memory_space<vmem>>)
      %mul3A_177 = arith.constant 5 : i32
      %mul3A_178 = arith.muli %scan3A_8, %mul3A_177 : i32
      %mul3A_179 = arith.constant 128 : i32
      %mul3A_180 = arith.muli %mul3A_178, %mul3A_179 : i32
      %add3A_181 = arith.addi %mul3A_2, %mul3A_180 : i32
      "tpu.region"() ({
        %run_scoped3A = tpu.sem_alloc : memref<!tpu.dma_semaphore, #tpu.memory_space<semaphore_mem>>
        %dma_start3A_182 = arith.constant 0 : i32
        %dma_start3A_183 = tpu.memref_slice %arg6[%add3A_181, %dma_start3A_182] : memref<204800x128xf32, #tpu.memory_space<hbm>> -> memref<640x16xf32, #tpu.memory_space<hbm>>
        %dma_start3A_184 = arith.constant 0 : i32
        %dma_start3A_185 = tpu.memref_slice %arg6[%add3A_181, %dma_start3A_184] : memref<204800x128xf32, #tpu.memory_space<hbm>> -> memref<640x16xf32, #tpu.memory_space<hbm>>
        tpu.enqueue_dma source(%arg8 : memref<640x16xf32, #tpu.memory_space<vmem>>) target(%dma_start3A_185 : memref<640x16xf32, #tpu.memory_space<hbm>>) target_semaphore(%run_scoped3A : memref<!tpu.dma_semaphore, #tpu.memory_space<semaphore_mem>>)
        %dma_wait3A_186 = arith.constant 0 : i32
        %dma_wait3A_187 = tpu.memref_slice %arg6[%add3A_181, %dma_wait3A_186] : memref<204800x128xf32, #tpu.memory_space<hbm>> -> memref<640x16xf32, #tpu.memory_space<hbm>>
        %dma_wait3A_188 = arith.constant 0 : i32
        %dma_wait3A_189 = tpu.memref_slice %arg6[%add3A_181, %dma_wait3A_188] : memref<204800x128xf32, #tpu.memory_space<hbm>> -> memref<640x16xf32, #tpu.memory_space<hbm>>
        tpu.wait_dma2 semaphore(%run_scoped3A : memref<!tpu.dma_semaphore, #tpu.memory_space<semaphore_mem>>) src(%arg8 : memref<640x16xf32, #tpu.memory_space<vmem>>) dst(%dma_wait3A_189 : memref<640x16xf32, #tpu.memory_space<hbm>>)
        tpu.yield
      }) : () -> ()
      "tpu.region"() ({
        %run_scoped3A = tpu.sem_alloc : memref<!tpu.dma_semaphore, #tpu.memory_space<semaphore_mem>>
        %dma_start3A_182 = arith.constant 16 : i32
        %dma_start3A_183 = tpu.memref_slice %arg6[%add3A_181, %dma_start3A_182] : memref<204800x128xf32, #tpu.memory_space<hbm>> -> memref<640x16xf32, #tpu.memory_space<hbm>>
        %dma_start3A_184 = arith.constant 16 : i32
        %dma_start3A_185 = tpu.memref_slice %arg6[%add3A_181, %dma_start3A_184] : memref<204800x128xf32, #tpu.memory_space<hbm>> -> memref<640x16xf32, #tpu.memory_space<hbm>>
        tpu.enqueue_dma source(%arg10 : memref<640x16xf32, #tpu.memory_space<vmem>>) target(%dma_start3A_185 : memref<640x16xf32, #tpu.memory_space<hbm>>) target_semaphore(%run_scoped3A : memref<!tpu.dma_semaphore, #tpu.memory_space<semaphore_mem>>)
        %dma_wait3A_186 = arith.constant 16 : i32
        %dma_wait3A_187 = tpu.memref_slice %arg6[%add3A_181, %dma_wait3A_186] : memref<204800x128xf32, #tpu.memory_space<hbm>> -> memref<640x16xf32, #tpu.memory_space<hbm>>
        %dma_wait3A_188 = arith.constant 16 : i32
        %dma_wait3A_189 = tpu.memref_slice %arg6[%add3A_181, %dma_wait3A_188] : memref<204800x128xf32, #tpu.memory_space<hbm>> -> memref<640x16xf32, #tpu.memory_space<hbm>>
        tpu.wait_dma2 semaphore(%run_scoped3A : memref<!tpu.dma_semaphore, #tpu.memory_space<semaphore_mem>>) src(%arg10 : memref<640x16xf32, #tpu.memory_space<vmem>>) dst(%dma_wait3A_189 : memref<640x16xf32, #tpu.memory_space<hbm>>)
        tpu.yield
      }) : () -> ()
    }
    %scan3A_7 = arith.constant 10 : i32
    return
  }
}

module attributes {stable_mosaic.version = 14 : i64} {
  func.func @_tc_body(%arg0: i32, %arg1: memref<6400x128xf32, #tpu.memory_space<vmem>>, %arg2: memref<32x200xi32, #tpu.memory_space<vmem>>, %arg3: memref<200x200xf32, #tpu.memory_space<vmem>>, %arg4: memref<32x66xf32, #tpu.memory_space<vmem>>, %arg5: memref<10x66xf32, #tpu.memory_space<vmem>>, %arg6: memref<10x66xf32, #tpu.memory_space<vmem>>, %arg7: memref<6400x66xf32, #tpu.memory_space<vmem>>, %arg8: memref<1x64xf32, #tpu.memory_space<vmem>>, %arg9: memref<64x128xf32, #tpu.memory_space<vmem>>, %arg10: memref<1x128xf32, #tpu.memory_space<vmem>>, %arg11: memref<32x200x128xf32, #tpu.memory_space<vmem>>) attributes {dimension_semantics = [#tpu.dimension_semantics<arbitrary>], iteration_bounds = array<i64: 32>, scalar_prefetch = 0 : i64, scratch_operands = 0 : i64, tpu.core_type = #tpu.core_type<tc>, window_params = [{transform_indices = @transform_0, window_bounds = array<i64: 6400, 128>}, {transform_indices = @transform_1, window_bounds = array<i64: 32, 200>}, {pipeline_mode = #tpu.pipeline_mode<synchronous>, transform_indices = @transform_2, window_bounds = array<i64: 200, 200>}, {pipeline_mode = #tpu.pipeline_mode<synchronous>, transform_indices = @transform_3, window_bounds = array<i64: 32, 66>}, {pipeline_mode = #tpu.pipeline_mode<synchronous>, transform_indices = @transform_4, window_bounds = array<i64: 10, 66>}, {pipeline_mode = #tpu.pipeline_mode<synchronous>, transform_indices = @transform_5, window_bounds = array<i64: 10, 66>}, {pipeline_mode = #tpu.pipeline_mode<synchronous>, transform_indices = @transform_6, window_bounds = array<i64: 6400, 66>}, {pipeline_mode = #tpu.pipeline_mode<synchronous>, transform_indices = @transform_7, window_bounds = array<i64: 1, 64>}, {pipeline_mode = #tpu.pipeline_mode<synchronous>, transform_indices = @transform_8, window_bounds = array<i64: 64, 128>}, {pipeline_mode = #tpu.pipeline_mode<synchronous>, transform_indices = @transform_9, window_bounds = array<i64: 1, 128>}, {transform_indices = @transform_10, window_bounds = array<i64: 32, 200, 128>}]} {
    %get3A = arith.constant 0 : index
    %get3A_0 = arith.constant 0 : index
    %get3A_1 = vector.load %arg3[%get3A, %get3A_0] : memref<200x200xf32, #tpu.memory_space<vmem>>, vector<200x200xf32>
    %get3A_2 = arith.constant 0 : index
    %get3A_3 = arith.constant 0 : index
    %get3A_4 = vector.load %arg2[%get3A_2, %get3A_3] : memref<32x200xi32, #tpu.memory_space<vmem>>, vector<32x200xi32>
    %get3A_5 = arith.constant 0 : index
    %get3A_6 = arith.constant 0 : index
    %get3A_7 = vector.load %arg1[%get3A_5, %get3A_6] : memref<6400x128xf32, #tpu.memory_space<vmem>>, vector<6400x128xf32>
    %slice3A = vector.extract_strided_slice %get3A_7 {offsets = [0, 0], sizes = [200, 24], strides = [1, 1]} : vector<6400x128xf32> to vector<200x24xf32>
    %transpose3A = tpu.transpose %slice3A, [1, 0] : vector<200x24xf32> -> vector<24x200xf32>
    %slice3A_8 = vector.extract_strided_slice %get3A_7 {offsets = [200, 0], sizes = [200, 24], strides = [1, 1]} : vector<6400x128xf32> to vector<200x24xf32>
    %transpose3A_9 = tpu.transpose %slice3A_8, [1, 0] : vector<200x24xf32> -> vector<24x200xf32>
    %slice3A_10 = vector.extract_strided_slice %get3A_7 {offsets = [400, 0], sizes = [200, 24], strides = [1, 1]} : vector<6400x128xf32> to vector<200x24xf32>
    %transpose3A_11 = tpu.transpose %slice3A_10, [1, 0] : vector<200x24xf32> -> vector<24x200xf32>
    %slice3A_12 = vector.extract_strided_slice %get3A_7 {offsets = [600, 0], sizes = [200, 24], strides = [1, 1]} : vector<6400x128xf32> to vector<200x24xf32>
    %transpose3A_13 = tpu.transpose %slice3A_12, [1, 0] : vector<200x24xf32> -> vector<24x200xf32>
    %slice3A_14 = vector.extract_strided_slice %get3A_7 {offsets = [800, 0], sizes = [200, 24], strides = [1, 1]} : vector<6400x128xf32> to vector<200x24xf32>
    %transpose3A_15 = tpu.transpose %slice3A_14, [1, 0] : vector<200x24xf32> -> vector<24x200xf32>
    %slice3A_16 = vector.extract_strided_slice %get3A_7 {offsets = [1000, 0], sizes = [200, 24], strides = [1, 1]} : vector<6400x128xf32> to vector<200x24xf32>
    %transpose3A_17 = tpu.transpose %slice3A_16, [1, 0] : vector<200x24xf32> -> vector<24x200xf32>
    %slice3A_18 = vector.extract_strided_slice %get3A_7 {offsets = [1200, 0], sizes = [200, 24], strides = [1, 1]} : vector<6400x128xf32> to vector<200x24xf32>
    %transpose3A_19 = tpu.transpose %slice3A_18, [1, 0] : vector<200x24xf32> -> vector<24x200xf32>
    %slice3A_20 = vector.extract_strided_slice %get3A_7 {offsets = [1400, 0], sizes = [200, 24], strides = [1, 1]} : vector<6400x128xf32> to vector<200x24xf32>
    %transpose3A_21 = tpu.transpose %slice3A_20, [1, 0] : vector<200x24xf32> -> vector<24x200xf32>
    %slice3A_22 = vector.extract_strided_slice %get3A_7 {offsets = [1600, 0], sizes = [200, 24], strides = [1, 1]} : vector<6400x128xf32> to vector<200x24xf32>
    %transpose3A_23 = tpu.transpose %slice3A_22, [1, 0] : vector<200x24xf32> -> vector<24x200xf32>
    %slice3A_24 = vector.extract_strided_slice %get3A_7 {offsets = [1800, 0], sizes = [200, 24], strides = [1, 1]} : vector<6400x128xf32> to vector<200x24xf32>
    %transpose3A_25 = tpu.transpose %slice3A_24, [1, 0] : vector<200x24xf32> -> vector<24x200xf32>
    %slice3A_26 = vector.extract_strided_slice %get3A_7 {offsets = [2000, 0], sizes = [200, 24], strides = [1, 1]} : vector<6400x128xf32> to vector<200x24xf32>
    %transpose3A_27 = tpu.transpose %slice3A_26, [1, 0] : vector<200x24xf32> -> vector<24x200xf32>
    %slice3A_28 = vector.extract_strided_slice %get3A_7 {offsets = [2200, 0], sizes = [200, 24], strides = [1, 1]} : vector<6400x128xf32> to vector<200x24xf32>
    %transpose3A_29 = tpu.transpose %slice3A_28, [1, 0] : vector<200x24xf32> -> vector<24x200xf32>
    %slice3A_30 = vector.extract_strided_slice %get3A_7 {offsets = [2400, 0], sizes = [200, 24], strides = [1, 1]} : vector<6400x128xf32> to vector<200x24xf32>
    %transpose3A_31 = tpu.transpose %slice3A_30, [1, 0] : vector<200x24xf32> -> vector<24x200xf32>
    %slice3A_32 = vector.extract_strided_slice %get3A_7 {offsets = [2600, 0], sizes = [200, 24], strides = [1, 1]} : vector<6400x128xf32> to vector<200x24xf32>
    %transpose3A_33 = tpu.transpose %slice3A_32, [1, 0] : vector<200x24xf32> -> vector<24x200xf32>
    %slice3A_34 = vector.extract_strided_slice %get3A_7 {offsets = [2800, 0], sizes = [200, 24], strides = [1, 1]} : vector<6400x128xf32> to vector<200x24xf32>
    %transpose3A_35 = tpu.transpose %slice3A_34, [1, 0] : vector<200x24xf32> -> vector<24x200xf32>
    %slice3A_36 = vector.extract_strided_slice %get3A_7 {offsets = [3000, 0], sizes = [200, 24], strides = [1, 1]} : vector<6400x128xf32> to vector<200x24xf32>
    %transpose3A_37 = tpu.transpose %slice3A_36, [1, 0] : vector<200x24xf32> -> vector<24x200xf32>
    %slice3A_38 = vector.extract_strided_slice %get3A_7 {offsets = [3200, 0], sizes = [200, 24], strides = [1, 1]} : vector<6400x128xf32> to vector<200x24xf32>
    %transpose3A_39 = tpu.transpose %slice3A_38, [1, 0] : vector<200x24xf32> -> vector<24x200xf32>
    %slice3A_40 = vector.extract_strided_slice %get3A_7 {offsets = [3400, 0], sizes = [200, 24], strides = [1, 1]} : vector<6400x128xf32> to vector<200x24xf32>
    %transpose3A_41 = tpu.transpose %slice3A_40, [1, 0] : vector<200x24xf32> -> vector<24x200xf32>
    %slice3A_42 = vector.extract_strided_slice %get3A_7 {offsets = [3600, 0], sizes = [200, 24], strides = [1, 1]} : vector<6400x128xf32> to vector<200x24xf32>
    %transpose3A_43 = tpu.transpose %slice3A_42, [1, 0] : vector<200x24xf32> -> vector<24x200xf32>
    %slice3A_44 = vector.extract_strided_slice %get3A_7 {offsets = [3800, 0], sizes = [200, 24], strides = [1, 1]} : vector<6400x128xf32> to vector<200x24xf32>
    %transpose3A_45 = tpu.transpose %slice3A_44, [1, 0] : vector<200x24xf32> -> vector<24x200xf32>
    %slice3A_46 = vector.extract_strided_slice %get3A_7 {offsets = [4000, 0], sizes = [200, 24], strides = [1, 1]} : vector<6400x128xf32> to vector<200x24xf32>
    %transpose3A_47 = tpu.transpose %slice3A_46, [1, 0] : vector<200x24xf32> -> vector<24x200xf32>
    %slice3A_48 = vector.extract_strided_slice %get3A_7 {offsets = [4200, 0], sizes = [200, 24], strides = [1, 1]} : vector<6400x128xf32> to vector<200x24xf32>
    %transpose3A_49 = tpu.transpose %slice3A_48, [1, 0] : vector<200x24xf32> -> vector<24x200xf32>
    %slice3A_50 = vector.extract_strided_slice %get3A_7 {offsets = [4400, 0], sizes = [200, 24], strides = [1, 1]} : vector<6400x128xf32> to vector<200x24xf32>
    %transpose3A_51 = tpu.transpose %slice3A_50, [1, 0] : vector<200x24xf32> -> vector<24x200xf32>
    %slice3A_52 = vector.extract_strided_slice %get3A_7 {offsets = [4600, 0], sizes = [200, 24], strides = [1, 1]} : vector<6400x128xf32> to vector<200x24xf32>
    %transpose3A_53 = tpu.transpose %slice3A_52, [1, 0] : vector<200x24xf32> -> vector<24x200xf32>
    %slice3A_54 = vector.extract_strided_slice %get3A_7 {offsets = [4800, 0], sizes = [200, 24], strides = [1, 1]} : vector<6400x128xf32> to vector<200x24xf32>
    %transpose3A_55 = tpu.transpose %slice3A_54, [1, 0] : vector<200x24xf32> -> vector<24x200xf32>
    %slice3A_56 = vector.extract_strided_slice %get3A_7 {offsets = [5000, 0], sizes = [200, 24], strides = [1, 1]} : vector<6400x128xf32> to vector<200x24xf32>
    %transpose3A_57 = tpu.transpose %slice3A_56, [1, 0] : vector<200x24xf32> -> vector<24x200xf32>
    %slice3A_58 = vector.extract_strided_slice %get3A_7 {offsets = [5200, 0], sizes = [200, 24], strides = [1, 1]} : vector<6400x128xf32> to vector<200x24xf32>
    %transpose3A_59 = tpu.transpose %slice3A_58, [1, 0] : vector<200x24xf32> -> vector<24x200xf32>
    %slice3A_60 = vector.extract_strided_slice %get3A_7 {offsets = [5400, 0], sizes = [200, 24], strides = [1, 1]} : vector<6400x128xf32> to vector<200x24xf32>
    %transpose3A_61 = tpu.transpose %slice3A_60, [1, 0] : vector<200x24xf32> -> vector<24x200xf32>
    %slice3A_62 = vector.extract_strided_slice %get3A_7 {offsets = [5600, 0], sizes = [200, 24], strides = [1, 1]} : vector<6400x128xf32> to vector<200x24xf32>
    %transpose3A_63 = tpu.transpose %slice3A_62, [1, 0] : vector<200x24xf32> -> vector<24x200xf32>
    %slice3A_64 = vector.extract_strided_slice %get3A_7 {offsets = [5800, 0], sizes = [200, 24], strides = [1, 1]} : vector<6400x128xf32> to vector<200x24xf32>
    %transpose3A_65 = tpu.transpose %slice3A_64, [1, 0] : vector<200x24xf32> -> vector<24x200xf32>
    %slice3A_66 = vector.extract_strided_slice %get3A_7 {offsets = [6000, 0], sizes = [200, 24], strides = [1, 1]} : vector<6400x128xf32> to vector<200x24xf32>
    %transpose3A_67 = tpu.transpose %slice3A_66, [1, 0] : vector<200x24xf32> -> vector<24x200xf32>
    %slice3A_68 = vector.extract_strided_slice %get3A_7 {offsets = [6200, 0], sizes = [200, 24], strides = [1, 1]} : vector<6400x128xf32> to vector<200x24xf32>
    %transpose3A_69 = tpu.transpose %slice3A_68, [1, 0] : vector<200x24xf32> -> vector<24x200xf32>
    %slice3A_70 = vector.extract_strided_slice %transpose3A {offsets = [0, 0], sizes = [1, 200], strides = [1, 1]} : vector<24x200xf32> to vector<1x200xf32>
    %slice3A_71 = vector.extract_strided_slice %transpose3A_9 {offsets = [0, 0], sizes = [1, 200], strides = [1, 1]} : vector<24x200xf32> to vector<1x200xf32>
    %slice3A_72 = vector.extract_strided_slice %transpose3A_11 {offsets = [0, 0], sizes = [1, 200], strides = [1, 1]} : vector<24x200xf32> to vector<1x200xf32>
    %slice3A_73 = vector.extract_strided_slice %transpose3A_13 {offsets = [0, 0], sizes = [1, 200], strides = [1, 1]} : vector<24x200xf32> to vector<1x200xf32>
    %slice3A_74 = vector.extract_strided_slice %transpose3A_15 {offsets = [0, 0], sizes = [1, 200], strides = [1, 1]} : vector<24x200xf32> to vector<1x200xf32>
    %slice3A_75 = vector.extract_strided_slice %transpose3A_17 {offsets = [0, 0], sizes = [1, 200], strides = [1, 1]} : vector<24x200xf32> to vector<1x200xf32>
    %slice3A_76 = vector.extract_strided_slice %transpose3A_19 {offsets = [0, 0], sizes = [1, 200], strides = [1, 1]} : vector<24x200xf32> to vector<1x200xf32>
    %slice3A_77 = vector.extract_strided_slice %transpose3A_21 {offsets = [0, 0], sizes = [1, 200], strides = [1, 1]} : vector<24x200xf32> to vector<1x200xf32>
    %slice3A_78 = vector.extract_strided_slice %transpose3A_23 {offsets = [0, 0], sizes = [1, 200], strides = [1, 1]} : vector<24x200xf32> to vector<1x200xf32>
    %slice3A_79 = vector.extract_strided_slice %transpose3A_25 {offsets = [0, 0], sizes = [1, 200], strides = [1, 1]} : vector<24x200xf32> to vector<1x200xf32>
    %slice3A_80 = vector.extract_strided_slice %transpose3A_27 {offsets = [0, 0], sizes = [1, 200], strides = [1, 1]} : vector<24x200xf32> to vector<1x200xf32>
    %slice3A_81 = vector.extract_strided_slice %transpose3A_29 {offsets = [0, 0], sizes = [1, 200], strides = [1, 1]} : vector<24x200xf32> to vector<1x200xf32>
    %slice3A_82 = vector.extract_strided_slice %transpose3A_31 {offsets = [0, 0], sizes = [1, 200], strides = [1, 1]} : vector<24x200xf32> to vector<1x200xf32>
    %slice3A_83 = vector.extract_strided_slice %transpose3A_33 {offsets = [0, 0], sizes = [1, 200], strides = [1, 1]} : vector<24x200xf32> to vector<1x200xf32>
    %slice3A_84 = vector.extract_strided_slice %transpose3A_35 {offsets = [0, 0], sizes = [1, 200], strides = [1, 1]} : vector<24x200xf32> to vector<1x200xf32>
    %slice3A_85 = vector.extract_strided_slice %transpose3A_37 {offsets = [0, 0], sizes = [1, 200], strides = [1, 1]} : vector<24x200xf32> to vector<1x200xf32>
    %slice3A_86 = vector.extract_strided_slice %transpose3A_39 {offsets = [0, 0], sizes = [1, 200], strides = [1, 1]} : vector<24x200xf32> to vector<1x200xf32>
    %slice3A_87 = vector.extract_strided_slice %transpose3A_41 {offsets = [0, 0], sizes = [1, 200], strides = [1, 1]} : vector<24x200xf32> to vector<1x200xf32>
    %slice3A_88 = vector.extract_strided_slice %transpose3A_43 {offsets = [0, 0], sizes = [1, 200], strides = [1, 1]} : vector<24x200xf32> to vector<1x200xf32>
    %slice3A_89 = vector.extract_strided_slice %transpose3A_45 {offsets = [0, 0], sizes = [1, 200], strides = [1, 1]} : vector<24x200xf32> to vector<1x200xf32>
    %slice3A_90 = vector.extract_strided_slice %transpose3A_47 {offsets = [0, 0], sizes = [1, 200], strides = [1, 1]} : vector<24x200xf32> to vector<1x200xf32>
    %slice3A_91 = vector.extract_strided_slice %transpose3A_49 {offsets = [0, 0], sizes = [1, 200], strides = [1, 1]} : vector<24x200xf32> to vector<1x200xf32>
    %slice3A_92 = vector.extract_strided_slice %transpose3A_51 {offsets = [0, 0], sizes = [1, 200], strides = [1, 1]} : vector<24x200xf32> to vector<1x200xf32>
    %slice3A_93 = vector.extract_strided_slice %transpose3A_53 {offsets = [0, 0], sizes = [1, 200], strides = [1, 1]} : vector<24x200xf32> to vector<1x200xf32>
    %slice3A_94 = vector.extract_strided_slice %transpose3A_55 {offsets = [0, 0], sizes = [1, 200], strides = [1, 1]} : vector<24x200xf32> to vector<1x200xf32>
    %slice3A_95 = vector.extract_strided_slice %transpose3A_57 {offsets = [0, 0], sizes = [1, 200], strides = [1, 1]} : vector<24x200xf32> to vector<1x200xf32>
    %slice3A_96 = vector.extract_strided_slice %transpose3A_59 {offsets = [0, 0], sizes = [1, 200], strides = [1, 1]} : vector<24x200xf32> to vector<1x200xf32>
    %slice3A_97 = vector.extract_strided_slice %transpose3A_61 {offsets = [0, 0], sizes = [1, 200], strides = [1, 1]} : vector<24x200xf32> to vector<1x200xf32>
    %slice3A_98 = vector.extract_strided_slice %transpose3A_63 {offsets = [0, 0], sizes = [1, 200], strides = [1, 1]} : vector<24x200xf32> to vector<1x200xf32>
    %slice3A_99 = vector.extract_strided_slice %transpose3A_65 {offsets = [0, 0], sizes = [1, 200], strides = [1, 1]} : vector<24x200xf32> to vector<1x200xf32>
    %slice3A_100 = vector.extract_strided_slice %transpose3A_67 {offsets = [0, 0], sizes = [1, 200], strides = [1, 1]} : vector<24x200xf32> to vector<1x200xf32>
    %slice3A_101 = vector.extract_strided_slice %transpose3A_69 {offsets = [0, 0], sizes = [1, 200], strides = [1, 1]} : vector<24x200xf32> to vector<1x200xf32>
    %concatenate3A = tpu.concatenate %slice3A_70, %slice3A_71, %slice3A_72, %slice3A_73, %slice3A_74, %slice3A_75, %slice3A_76, %slice3A_77, %slice3A_78, %slice3A_79, %slice3A_80, %slice3A_81, %slice3A_82, %slice3A_83, %slice3A_84, %slice3A_85, %slice3A_86, %slice3A_87, %slice3A_88, %slice3A_89, %slice3A_90, %slice3A_91, %slice3A_92, %slice3A_93, %slice3A_94, %slice3A_95, %slice3A_96, %slice3A_97, %slice3A_98, %slice3A_99, %slice3A_100, %slice3A_101 in 0 : vector<1x200xf32>, vector<1x200xf32>, vector<1x200xf32>, vector<1x200xf32>, vector<1x200xf32>, vector<1x200xf32>, vector<1x200xf32>, vector<1x200xf32>, vector<1x200xf32>, vector<1x200xf32>, vector<1x200xf32>, vector<1x200xf32>, vector<1x200xf32>, vector<1x200xf32>, vector<1x200xf32>, vector<1x200xf32>, vector<1x200xf32>, vector<1x200xf32>, vector<1x200xf32>, vector<1x200xf32>, vector<1x200xf32>, vector<1x200xf32>, vector<1x200xf32>, vector<1x200xf32>, vector<1x200xf32>, vector<1x200xf32>, vector<1x200xf32>, vector<1x200xf32>, vector<1x200xf32>, vector<1x200xf32>, vector<1x200xf32>, vector<1x200xf32> -> vector<32x200xf32>
    %slice3A_102 = vector.extract_strided_slice %transpose3A {offsets = [1, 0], sizes = [1, 200], strides = [1, 1]} : vector<24x200xf32> to vector<1x200xf32>
    %slice3A_103 = vector.extract_strided_slice %transpose3A_9 {offsets = [1, 0], sizes = [1, 200], strides = [1, 1]} : vector<24x200xf32> to vector<1x200xf32>
    %slice3A_104 = vector.extract_strided_slice %transpose3A_11 {offsets = [1, 0], sizes = [1, 200], strides = [1, 1]} : vector<24x200xf32> to vector<1x200xf32>
    %slice3A_105 = vector.extract_strided_slice %transpose3A_13 {offsets = [1, 0], sizes = [1, 200], strides = [1, 1]} : vector<24x200xf32> to vector<1x200xf32>
    %slice3A_106 = vector.extract_strided_slice %transpose3A_15 {offsets = [1, 0], sizes = [1, 200], strides = [1, 1]} : vector<24x200xf32> to vector<1x200xf32>
    %slice3A_107 = vector.extract_strided_slice %transpose3A_17 {offsets = [1, 0], sizes = [1, 200], strides = [1, 1]} : vector<24x200xf32> to vector<1x200xf32>
    %slice3A_108 = vector.extract_strided_slice %transpose3A_19 {offsets = [1, 0], sizes = [1, 200], strides = [1, 1]} : vector<24x200xf32> to vector<1x200xf32>
    %slice3A_109 = vector.extract_strided_slice %transpose3A_21 {offsets = [1, 0], sizes = [1, 200], strides = [1, 1]} : vector<24x200xf32> to vector<1x200xf32>
    %slice3A_110 = vector.extract_strided_slice %transpose3A_23 {offsets = [1, 0], sizes = [1, 200], strides = [1, 1]} : vector<24x200xf32> to vector<1x200xf32>
    %slice3A_111 = vector.extract_strided_slice %transpose3A_25 {offsets = [1, 0], sizes = [1, 200], strides = [1, 1]} : vector<24x200xf32> to vector<1x200xf32>
    %slice3A_112 = vector.extract_strided_slice %transpose3A_27 {offsets = [1, 0], sizes = [1, 200], strides = [1, 1]} : vector<24x200xf32> to vector<1x200xf32>
    %slice3A_113 = vector.extract_strided_slice %transpose3A_29 {offsets = [1, 0], sizes = [1, 200], strides = [1, 1]} : vector<24x200xf32> to vector<1x200xf32>
    %slice3A_114 = vector.extract_strided_slice %transpose3A_31 {offsets = [1, 0], sizes = [1, 200], strides = [1, 1]} : vector<24x200xf32> to vector<1x200xf32>
    %slice3A_115 = vector.extract_strided_slice %transpose3A_33 {offsets = [1, 0], sizes = [1, 200], strides = [1, 1]} : vector<24x200xf32> to vector<1x200xf32>
    %slice3A_116 = vector.extract_strided_slice %transpose3A_35 {offsets = [1, 0], sizes = [1, 200], strides = [1, 1]} : vector<24x200xf32> to vector<1x200xf32>
    %slice3A_117 = vector.extract_strided_slice %transpose3A_37 {offsets = [1, 0], sizes = [1, 200], strides = [1, 1]} : vector<24x200xf32> to vector<1x200xf32>
    %slice3A_118 = vector.extract_strided_slice %transpose3A_39 {offsets = [1, 0], sizes = [1, 200], strides = [1, 1]} : vector<24x200xf32> to vector<1x200xf32>
    %slice3A_119 = vector.extract_strided_slice %transpose3A_41 {offsets = [1, 0], sizes = [1, 200], strides = [1, 1]} : vector<24x200xf32> to vector<1x200xf32>
    %slice3A_120 = vector.extract_strided_slice %transpose3A_43 {offsets = [1, 0], sizes = [1, 200], strides = [1, 1]} : vector<24x200xf32> to vector<1x200xf32>
    %slice3A_121 = vector.extract_strided_slice %transpose3A_45 {offsets = [1, 0], sizes = [1, 200], strides = [1, 1]} : vector<24x200xf32> to vector<1x200xf32>
    %slice3A_122 = vector.extract_strided_slice %transpose3A_47 {offsets = [1, 0], sizes = [1, 200], strides = [1, 1]} : vector<24x200xf32> to vector<1x200xf32>
    %slice3A_123 = vector.extract_strided_slice %transpose3A_49 {offsets = [1, 0], sizes = [1, 200], strides = [1, 1]} : vector<24x200xf32> to vector<1x200xf32>
    %slice3A_124 = vector.extract_strided_slice %transpose3A_51 {offsets = [1, 0], sizes = [1, 200], strides = [1, 1]} : vector<24x200xf32> to vector<1x200xf32>
    %slice3A_125 = vector.extract_strided_slice %transpose3A_53 {offsets = [1, 0], sizes = [1, 200], strides = [1, 1]} : vector<24x200xf32> to vector<1x200xf32>
    %slice3A_126 = vector.extract_strided_slice %transpose3A_55 {offsets = [1, 0], sizes = [1, 200], strides = [1, 1]} : vector<24x200xf32> to vector<1x200xf32>
    %slice3A_127 = vector.extract_strided_slice %transpose3A_57 {offsets = [1, 0], sizes = [1, 200], strides = [1, 1]} : vector<24x200xf32> to vector<1x200xf32>
    %slice3A_128 = vector.extract_strided_slice %transpose3A_59 {offsets = [1, 0], sizes = [1, 200], strides = [1, 1]} : vector<24x200xf32> to vector<1x200xf32>
    %slice3A_129 = vector.extract_strided_slice %transpose3A_61 {offsets = [1, 0], sizes = [1, 200], strides = [1, 1]} : vector<24x200xf32> to vector<1x200xf32>
    %slice3A_130 = vector.extract_strided_slice %transpose3A_63 {offsets = [1, 0], sizes = [1, 200], strides = [1, 1]} : vector<24x200xf32> to vector<1x200xf32>
    %slice3A_131 = vector.extract_strided_slice %transpose3A_65 {offsets = [1, 0], sizes = [1, 200], strides = [1, 1]} : vector<24x200xf32> to vector<1x200xf32>
    %slice3A_132 = vector.extract_strided_slice %transpose3A_67 {offsets = [1, 0], sizes = [1, 200], strides = [1, 1]} : vector<24x200xf32> to vector<1x200xf32>
    %slice3A_133 = vector.extract_strided_slice %transpose3A_69 {offsets = [1, 0], sizes = [1, 200], strides = [1, 1]} : vector<24x200xf32> to vector<1x200xf32>
    %concatenate3A_134 = tpu.concatenate %slice3A_102, %slice3A_103, %slice3A_104, %slice3A_105, %slice3A_106, %slice3A_107, %slice3A_108, %slice3A_109, %slice3A_110, %slice3A_111, %slice3A_112, %slice3A_113, %slice3A_114, %slice3A_115, %slice3A_116, %slice3A_117, %slice3A_118, %slice3A_119, %slice3A_120, %slice3A_121, %slice3A_122, %slice3A_123, %slice3A_124, %slice3A_125, %slice3A_126, %slice3A_127, %slice3A_128, %slice3A_129, %slice3A_130, %slice3A_131, %slice3A_132, %slice3A_133 in 0 : vector<1x200xf32>, vector<1x200xf32>, vector<1x200xf32>, vector<1x200xf32>, vector<1x200xf32>, vector<1x200xf32>, vector<1x200xf32>, vector<1x200xf32>, vector<1x200xf32>, vector<1x200xf32>, vector<1x200xf32>, vector<1x200xf32>, vector<1x200xf32>, vector<1x200xf32>, vector<1x200xf32>, vector<1x200xf32>, vector<1x200xf32>, vector<1x200xf32>, vector<1x200xf32>, vector<1x200xf32>, vector<1x200xf32>, vector<1x200xf32>, vector<1x200xf32>, vector<1x200xf32>, vector<1x200xf32>, vector<1x200xf32>, vector<1x200xf32>, vector<1x200xf32>, vector<1x200xf32>, vector<1x200xf32>, vector<1x200xf32>, vector<1x200xf32> -> vector<32x200xf32>
    %slice3A_135 = vector.extract_strided_slice %transpose3A {offsets = [2, 0], sizes = [1, 200], strides = [1, 1]} : vector<24x200xf32> to vector<1x200xf32>
    %slice3A_136 = vector.extract_strided_slice %transpose3A_9 {offsets = [2, 0], sizes = [1, 200], strides = [1, 1]} : vector<24x200xf32> to vector<1x200xf32>
    %slice3A_137 = vector.extract_strided_slice %transpose3A_11 {offsets = [2, 0], sizes = [1, 200], strides = [1, 1]} : vector<24x200xf32> to vector<1x200xf32>
    %slice3A_138 = vector.extract_strided_slice %transpose3A_13 {offsets = [2, 0], sizes = [1, 200], strides = [1, 1]} : vector<24x200xf32> to vector<1x200xf32>
    %slice3A_139 = vector.extract_strided_slice %transpose3A_15 {offsets = [2, 0], sizes = [1, 200], strides = [1, 1]} : vector<24x200xf32> to vector<1x200xf32>
    %slice3A_140 = vector.extract_strided_slice %transpose3A_17 {offsets = [2, 0], sizes = [1, 200], strides = [1, 1]} : vector<24x200xf32> to vector<1x200xf32>
    %slice3A_141 = vector.extract_strided_slice %transpose3A_19 {offsets = [2, 0], sizes = [1, 200], strides = [1, 1]} : vector<24x200xf32> to vector<1x200xf32>
    %slice3A_142 = vector.extract_strided_slice %transpose3A_21 {offsets = [2, 0], sizes = [1, 200], strides = [1, 1]} : vector<24x200xf32> to vector<1x200xf32>
    %slice3A_143 = vector.extract_strided_slice %transpose3A_23 {offsets = [2, 0], sizes = [1, 200], strides = [1, 1]} : vector<24x200xf32> to vector<1x200xf32>
    %slice3A_144 = vector.extract_strided_slice %transpose3A_25 {offsets = [2, 0], sizes = [1, 200], strides = [1, 1]} : vector<24x200xf32> to vector<1x200xf32>
    %slice3A_145 = vector.extract_strided_slice %transpose3A_27 {offsets = [2, 0], sizes = [1, 200], strides = [1, 1]} : vector<24x200xf32> to vector<1x200xf32>
    %slice3A_146 = vector.extract_strided_slice %transpose3A_29 {offsets = [2, 0], sizes = [1, 200], strides = [1, 1]} : vector<24x200xf32> to vector<1x200xf32>
    %slice3A_147 = vector.extract_strided_slice %transpose3A_31 {offsets = [2, 0], sizes = [1, 200], strides = [1, 1]} : vector<24x200xf32> to vector<1x200xf32>
    %slice3A_148 = vector.extract_strided_slice %transpose3A_33 {offsets = [2, 0], sizes = [1, 200], strides = [1, 1]} : vector<24x200xf32> to vector<1x200xf32>
    %slice3A_149 = vector.extract_strided_slice %transpose3A_35 {offsets = [2, 0], sizes = [1, 200], strides = [1, 1]} : vector<24x200xf32> to vector<1x200xf32>
    %slice3A_150 = vector.extract_strided_slice %transpose3A_37 {offsets = [2, 0], sizes = [1, 200], strides = [1, 1]} : vector<24x200xf32> to vector<1x200xf32>
    %slice3A_151 = vector.extract_strided_slice %transpose3A_39 {offsets = [2, 0], sizes = [1, 200], strides = [1, 1]} : vector<24x200xf32> to vector<1x200xf32>
    %slice3A_152 = vector.extract_strided_slice %transpose3A_41 {offsets = [2, 0], sizes = [1, 200], strides = [1, 1]} : vector<24x200xf32> to vector<1x200xf32>
    %slice3A_153 = vector.extract_strided_slice %transpose3A_43 {offsets = [2, 0], sizes = [1, 200], strides = [1, 1]} : vector<24x200xf32> to vector<1x200xf32>
    %slice3A_154 = vector.extract_strided_slice %transpose3A_45 {offsets = [2, 0], sizes = [1, 200], strides = [1, 1]} : vector<24x200xf32> to vector<1x200xf32>
    %slice3A_155 = vector.extract_strided_slice %transpose3A_47 {offsets = [2, 0], sizes = [1, 200], strides = [1, 1]} : vector<24x200xf32> to vector<1x200xf32>
    %slice3A_156 = vector.extract_strided_slice %transpose3A_49 {offsets = [2, 0], sizes = [1, 200], strides = [1, 1]} : vector<24x200xf32> to vector<1x200xf32>
    %slice3A_157 = vector.extract_strided_slice %transpose3A_51 {offsets = [2, 0], sizes = [1, 200], strides = [1, 1]} : vector<24x200xf32> to vector<1x200xf32>
    %slice3A_158 = vector.extract_strided_slice %transpose3A_53 {offsets = [2, 0], sizes = [1, 200], strides = [1, 1]} : vector<24x200xf32> to vector<1x200xf32>
    %slice3A_159 = vector.extract_strided_slice %transpose3A_55 {offsets = [2, 0], sizes = [1, 200], strides = [1, 1]} : vector<24x200xf32> to vector<1x200xf32>
    %slice3A_160 = vector.extract_strided_slice %transpose3A_57 {offsets = [2, 0], sizes = [1, 200], strides = [1, 1]} : vector<24x200xf32> to vector<1x200xf32>
    %slice3A_161 = vector.extract_strided_slice %transpose3A_59 {offsets = [2, 0], sizes = [1, 200], strides = [1, 1]} : vector<24x200xf32> to vector<1x200xf32>
    %slice3A_162 = vector.extract_strided_slice %transpose3A_61 {offsets = [2, 0], sizes = [1, 200], strides = [1, 1]} : vector<24x200xf32> to vector<1x200xf32>
    %slice3A_163 = vector.extract_strided_slice %transpose3A_63 {offsets = [2, 0], sizes = [1, 200], strides = [1, 1]} : vector<24x200xf32> to vector<1x200xf32>
    %slice3A_164 = vector.extract_strided_slice %transpose3A_65 {offsets = [2, 0], sizes = [1, 200], strides = [1, 1]} : vector<24x200xf32> to vector<1x200xf32>
    %slice3A_165 = vector.extract_strided_slice %transpose3A_67 {offsets = [2, 0], sizes = [1, 200], strides = [1, 1]} : vector<24x200xf32> to vector<1x200xf32>
    %slice3A_166 = vector.extract_strided_slice %transpose3A_69 {offsets = [2, 0], sizes = [1, 200], strides = [1, 1]} : vector<24x200xf32> to vector<1x200xf32>
    %concatenate3A_167 = tpu.concatenate %slice3A_135, %slice3A_136, %slice3A_137, %slice3A_138, %slice3A_139, %slice3A_140, %slice3A_141, %slice3A_142, %slice3A_143, %slice3A_144, %slice3A_145, %slice3A_146, %slice3A_147, %slice3A_148, %slice3A_149, %slice3A_150, %slice3A_151, %slice3A_152, %slice3A_153, %slice3A_154, %slice3A_155, %slice3A_156, %slice3A_157, %slice3A_158, %slice3A_159, %slice3A_160, %slice3A_161, %slice3A_162, %slice3A_163, %slice3A_164, %slice3A_165, %slice3A_166 in 0 : vector<1x200xf32>, vector<1x200xf32>, vector<1x200xf32>, vector<1x200xf32>, vector<1x200xf32>, vector<1x200xf32>, vector<1x200xf32>, vector<1x200xf32>, vector<1x200xf32>, vector<1x200xf32>, vector<1x200xf32>, vector<1x200xf32>, vector<1x200xf32>, vector<1x200xf32>, vector<1x200xf32>, vector<1x200xf32>, vector<1x200xf32>, vector<1x200xf32>, vector<1x200xf32>, vector<1x200xf32>, vector<1x200xf32>, vector<1x200xf32>, vector<1x200xf32>, vector<1x200xf32>, vector<1x200xf32>, vector<1x200xf32>, vector<1x200xf32>, vector<1x200xf32>, vector<1x200xf32>, vector<1x200xf32>, vector<1x200xf32>, vector<1x200xf32> -> vector<32x200xf32>
    %slice3A_168 = vector.extract_strided_slice %transpose3A {offsets = [20, 0], sizes = [1, 200], strides = [1, 1]} : vector<24x200xf32> to vector<1x200xf32>
    %slice3A_169 = vector.extract_strided_slice %transpose3A_9 {offsets = [20, 0], sizes = [1, 200], strides = [1, 1]} : vector<24x200xf32> to vector<1x200xf32>
    %slice3A_170 = vector.extract_strided_slice %transpose3A_11 {offsets = [20, 0], sizes = [1, 200], strides = [1, 1]} : vector<24x200xf32> to vector<1x200xf32>
    %slice3A_171 = vector.extract_strided_slice %transpose3A_13 {offsets = [20, 0], sizes = [1, 200], strides = [1, 1]} : vector<24x200xf32> to vector<1x200xf32>
    %slice3A_172 = vector.extract_strided_slice %transpose3A_15 {offsets = [20, 0], sizes = [1, 200], strides = [1, 1]} : vector<24x200xf32> to vector<1x200xf32>
    %slice3A_173 = vector.extract_strided_slice %transpose3A_17 {offsets = [20, 0], sizes = [1, 200], strides = [1, 1]} : vector<24x200xf32> to vector<1x200xf32>
    %slice3A_174 = vector.extract_strided_slice %transpose3A_19 {offsets = [20, 0], sizes = [1, 200], strides = [1, 1]} : vector<24x200xf32> to vector<1x200xf32>
    %slice3A_175 = vector.extract_strided_slice %transpose3A_21 {offsets = [20, 0], sizes = [1, 200], strides = [1, 1]} : vector<24x200xf32> to vector<1x200xf32>
    %slice3A_176 = vector.extract_strided_slice %transpose3A_23 {offsets = [20, 0], sizes = [1, 200], strides = [1, 1]} : vector<24x200xf32> to vector<1x200xf32>
    %slice3A_177 = vector.extract_strided_slice %transpose3A_25 {offsets = [20, 0], sizes = [1, 200], strides = [1, 1]} : vector<24x200xf32> to vector<1x200xf32>
    %slice3A_178 = vector.extract_strided_slice %transpose3A_27 {offsets = [20, 0], sizes = [1, 200], strides = [1, 1]} : vector<24x200xf32> to vector<1x200xf32>
    %slice3A_179 = vector.extract_strided_slice %transpose3A_29 {offsets = [20, 0], sizes = [1, 200], strides = [1, 1]} : vector<24x200xf32> to vector<1x200xf32>
    %slice3A_180 = vector.extract_strided_slice %transpose3A_31 {offsets = [20, 0], sizes = [1, 200], strides = [1, 1]} : vector<24x200xf32> to vector<1x200xf32>
    %slice3A_181 = vector.extract_strided_slice %transpose3A_33 {offsets = [20, 0], sizes = [1, 200], strides = [1, 1]} : vector<24x200xf32> to vector<1x200xf32>
    %slice3A_182 = vector.extract_strided_slice %transpose3A_35 {offsets = [20, 0], sizes = [1, 200], strides = [1, 1]} : vector<24x200xf32> to vector<1x200xf32>
    %slice3A_183 = vector.extract_strided_slice %transpose3A_37 {offsets = [20, 0], sizes = [1, 200], strides = [1, 1]} : vector<24x200xf32> to vector<1x200xf32>
    %slice3A_184 = vector.extract_strided_slice %transpose3A_39 {offsets = [20, 0], sizes = [1, 200], strides = [1, 1]} : vector<24x200xf32> to vector<1x200xf32>
    %slice3A_185 = vector.extract_strided_slice %transpose3A_41 {offsets = [20, 0], sizes = [1, 200], strides = [1, 1]} : vector<24x200xf32> to vector<1x200xf32>
    %slice3A_186 = vector.extract_strided_slice %transpose3A_43 {offsets = [20, 0], sizes = [1, 200], strides = [1, 1]} : vector<24x200xf32> to vector<1x200xf32>
    %slice3A_187 = vector.extract_strided_slice %transpose3A_45 {offsets = [20, 0], sizes = [1, 200], strides = [1, 1]} : vector<24x200xf32> to vector<1x200xf32>
    %slice3A_188 = vector.extract_strided_slice %transpose3A_47 {offsets = [20, 0], sizes = [1, 200], strides = [1, 1]} : vector<24x200xf32> to vector<1x200xf32>
    %slice3A_189 = vector.extract_strided_slice %transpose3A_49 {offsets = [20, 0], sizes = [1, 200], strides = [1, 1]} : vector<24x200xf32> to vector<1x200xf32>
    %slice3A_190 = vector.extract_strided_slice %transpose3A_51 {offsets = [20, 0], sizes = [1, 200], strides = [1, 1]} : vector<24x200xf32> to vector<1x200xf32>
    %slice3A_191 = vector.extract_strided_slice %transpose3A_53 {offsets = [20, 0], sizes = [1, 200], strides = [1, 1]} : vector<24x200xf32> to vector<1x200xf32>
    %slice3A_192 = vector.extract_strided_slice %transpose3A_55 {offsets = [20, 0], sizes = [1, 200], strides = [1, 1]} : vector<24x200xf32> to vector<1x200xf32>
    %slice3A_193 = vector.extract_strided_slice %transpose3A_57 {offsets = [20, 0], sizes = [1, 200], strides = [1, 1]} : vector<24x200xf32> to vector<1x200xf32>
    %slice3A_194 = vector.extract_strided_slice %transpose3A_59 {offsets = [20, 0], sizes = [1, 200], strides = [1, 1]} : vector<24x200xf32> to vector<1x200xf32>
    %slice3A_195 = vector.extract_strided_slice %transpose3A_61 {offsets = [20, 0], sizes = [1, 200], strides = [1, 1]} : vector<24x200xf32> to vector<1x200xf32>
    %slice3A_196 = vector.extract_strided_slice %transpose3A_63 {offsets = [20, 0], sizes = [1, 200], strides = [1, 1]} : vector<24x200xf32> to vector<1x200xf32>
    %slice3A_197 = vector.extract_strided_slice %transpose3A_65 {offsets = [20, 0], sizes = [1, 200], strides = [1, 1]} : vector<24x200xf32> to vector<1x200xf32>
    %slice3A_198 = vector.extract_strided_slice %transpose3A_67 {offsets = [20, 0], sizes = [1, 200], strides = [1, 1]} : vector<24x200xf32> to vector<1x200xf32>
    %slice3A_199 = vector.extract_strided_slice %transpose3A_69 {offsets = [20, 0], sizes = [1, 200], strides = [1, 1]} : vector<24x200xf32> to vector<1x200xf32>
    %concatenate3A_200 = tpu.concatenate %slice3A_168, %slice3A_169, %slice3A_170, %slice3A_171, %slice3A_172, %slice3A_173, %slice3A_174, %slice3A_175, %slice3A_176, %slice3A_177, %slice3A_178, %slice3A_179, %slice3A_180, %slice3A_181, %slice3A_182, %slice3A_183, %slice3A_184, %slice3A_185, %slice3A_186, %slice3A_187, %slice3A_188, %slice3A_189, %slice3A_190, %slice3A_191, %slice3A_192, %slice3A_193, %slice3A_194, %slice3A_195, %slice3A_196, %slice3A_197, %slice3A_198, %slice3A_199 in 0 : vector<1x200xf32>, vector<1x200xf32>, vector<1x200xf32>, vector<1x200xf32>, vector<1x200xf32>, vector<1x200xf32>, vector<1x200xf32>, vector<1x200xf32>, vector<1x200xf32>, vector<1x200xf32>, vector<1x200xf32>, vector<1x200xf32>, vector<1x200xf32>, vector<1x200xf32>, vector<1x200xf32>, vector<1x200xf32>, vector<1x200xf32>, vector<1x200xf32>, vector<1x200xf32>, vector<1x200xf32>, vector<1x200xf32>, vector<1x200xf32>, vector<1x200xf32>, vector<1x200xf32>, vector<1x200xf32>, vector<1x200xf32>, vector<1x200xf32>, vector<1x200xf32>, vector<1x200xf32>, vector<1x200xf32>, vector<1x200xf32>, vector<1x200xf32> -> vector<32x200xf32>
    %slice3A_201 = vector.extract_strided_slice %transpose3A {offsets = [21, 0], sizes = [1, 200], strides = [1, 1]} : vector<24x200xf32> to vector<1x200xf32>
    %slice3A_202 = vector.extract_strided_slice %transpose3A_9 {offsets = [21, 0], sizes = [1, 200], strides = [1, 1]} : vector<24x200xf32> to vector<1x200xf32>
    %slice3A_203 = vector.extract_strided_slice %transpose3A_11 {offsets = [21, 0], sizes = [1, 200], strides = [1, 1]} : vector<24x200xf32> to vector<1x200xf32>
    %slice3A_204 = vector.extract_strided_slice %transpose3A_13 {offsets = [21, 0], sizes = [1, 200], strides = [1, 1]} : vector<24x200xf32> to vector<1x200xf32>
    %slice3A_205 = vector.extract_strided_slice %transpose3A_15 {offsets = [21, 0], sizes = [1, 200], strides = [1, 1]} : vector<24x200xf32> to vector<1x200xf32>
    %slice3A_206 = vector.extract_strided_slice %transpose3A_17 {offsets = [21, 0], sizes = [1, 200], strides = [1, 1]} : vector<24x200xf32> to vector<1x200xf32>
    %slice3A_207 = vector.extract_strided_slice %transpose3A_19 {offsets = [21, 0], sizes = [1, 200], strides = [1, 1]} : vector<24x200xf32> to vector<1x200xf32>
    %slice3A_208 = vector.extract_strided_slice %transpose3A_21 {offsets = [21, 0], sizes = [1, 200], strides = [1, 1]} : vector<24x200xf32> to vector<1x200xf32>
    %slice3A_209 = vector.extract_strided_slice %transpose3A_23 {offsets = [21, 0], sizes = [1, 200], strides = [1, 1]} : vector<24x200xf32> to vector<1x200xf32>
    %slice3A_210 = vector.extract_strided_slice %transpose3A_25 {offsets = [21, 0], sizes = [1, 200], strides = [1, 1]} : vector<24x200xf32> to vector<1x200xf32>
    %slice3A_211 = vector.extract_strided_slice %transpose3A_27 {offsets = [21, 0], sizes = [1, 200], strides = [1, 1]} : vector<24x200xf32> to vector<1x200xf32>
    %slice3A_212 = vector.extract_strided_slice %transpose3A_29 {offsets = [21, 0], sizes = [1, 200], strides = [1, 1]} : vector<24x200xf32> to vector<1x200xf32>
    %slice3A_213 = vector.extract_strided_slice %transpose3A_31 {offsets = [21, 0], sizes = [1, 200], strides = [1, 1]} : vector<24x200xf32> to vector<1x200xf32>
    %slice3A_214 = vector.extract_strided_slice %transpose3A_33 {offsets = [21, 0], sizes = [1, 200], strides = [1, 1]} : vector<24x200xf32> to vector<1x200xf32>
    %slice3A_215 = vector.extract_strided_slice %transpose3A_35 {offsets = [21, 0], sizes = [1, 200], strides = [1, 1]} : vector<24x200xf32> to vector<1x200xf32>
    %slice3A_216 = vector.extract_strided_slice %transpose3A_37 {offsets = [21, 0], sizes = [1, 200], strides = [1, 1]} : vector<24x200xf32> to vector<1x200xf32>
    %slice3A_217 = vector.extract_strided_slice %transpose3A_39 {offsets = [21, 0], sizes = [1, 200], strides = [1, 1]} : vector<24x200xf32> to vector<1x200xf32>
    %slice3A_218 = vector.extract_strided_slice %transpose3A_41 {offsets = [21, 0], sizes = [1, 200], strides = [1, 1]} : vector<24x200xf32> to vector<1x200xf32>
    %slice3A_219 = vector.extract_strided_slice %transpose3A_43 {offsets = [21, 0], sizes = [1, 200], strides = [1, 1]} : vector<24x200xf32> to vector<1x200xf32>
    %slice3A_220 = vector.extract_strided_slice %transpose3A_45 {offsets = [21, 0], sizes = [1, 200], strides = [1, 1]} : vector<24x200xf32> to vector<1x200xf32>
    %slice3A_221 = vector.extract_strided_slice %transpose3A_47 {offsets = [21, 0], sizes = [1, 200], strides = [1, 1]} : vector<24x200xf32> to vector<1x200xf32>
    %slice3A_222 = vector.extract_strided_slice %transpose3A_49 {offsets = [21, 0], sizes = [1, 200], strides = [1, 1]} : vector<24x200xf32> to vector<1x200xf32>
    %slice3A_223 = vector.extract_strided_slice %transpose3A_51 {offsets = [21, 0], sizes = [1, 200], strides = [1, 1]} : vector<24x200xf32> to vector<1x200xf32>
    %slice3A_224 = vector.extract_strided_slice %transpose3A_53 {offsets = [21, 0], sizes = [1, 200], strides = [1, 1]} : vector<24x200xf32> to vector<1x200xf32>
    %slice3A_225 = vector.extract_strided_slice %transpose3A_55 {offsets = [21, 0], sizes = [1, 200], strides = [1, 1]} : vector<24x200xf32> to vector<1x200xf32>
    %slice3A_226 = vector.extract_strided_slice %transpose3A_57 {offsets = [21, 0], sizes = [1, 200], strides = [1, 1]} : vector<24x200xf32> to vector<1x200xf32>
    %slice3A_227 = vector.extract_strided_slice %transpose3A_59 {offsets = [21, 0], sizes = [1, 200], strides = [1, 1]} : vector<24x200xf32> to vector<1x200xf32>
    %slice3A_228 = vector.extract_strided_slice %transpose3A_61 {offsets = [21, 0], sizes = [1, 200], strides = [1, 1]} : vector<24x200xf32> to vector<1x200xf32>
    %slice3A_229 = vector.extract_strided_slice %transpose3A_63 {offsets = [21, 0], sizes = [1, 200], strides = [1, 1]} : vector<24x200xf32> to vector<1x200xf32>
    %slice3A_230 = vector.extract_strided_slice %transpose3A_65 {offsets = [21, 0], sizes = [1, 200], strides = [1, 1]} : vector<24x200xf32> to vector<1x200xf32>
    %slice3A_231 = vector.extract_strided_slice %transpose3A_67 {offsets = [21, 0], sizes = [1, 200], strides = [1, 1]} : vector<24x200xf32> to vector<1x200xf32>
    %slice3A_232 = vector.extract_strided_slice %transpose3A_69 {offsets = [21, 0], sizes = [1, 200], strides = [1, 1]} : vector<24x200xf32> to vector<1x200xf32>
    %concatenate3A_233 = tpu.concatenate %slice3A_201, %slice3A_202, %slice3A_203, %slice3A_204, %slice3A_205, %slice3A_206, %slice3A_207, %slice3A_208, %slice3A_209, %slice3A_210, %slice3A_211, %slice3A_212, %slice3A_213, %slice3A_214, %slice3A_215, %slice3A_216, %slice3A_217, %slice3A_218, %slice3A_219, %slice3A_220, %slice3A_221, %slice3A_222, %slice3A_223, %slice3A_224, %slice3A_225, %slice3A_226, %slice3A_227, %slice3A_228, %slice3A_229, %slice3A_230, %slice3A_231, %slice3A_232 in 0 : vector<1x200xf32>, vector<1x200xf32>, vector<1x200xf32>, vector<1x200xf32>, vector<1x200xf32>, vector<1x200xf32>, vector<1x200xf32>, vector<1x200xf32>, vector<1x200xf32>, vector<1x200xf32>, vector<1x200xf32>, vector<1x200xf32>, vector<1x200xf32>, vector<1x200xf32>, vector<1x200xf32>, vector<1x200xf32>, vector<1x200xf32>, vector<1x200xf32>, vector<1x200xf32>, vector<1x200xf32>, vector<1x200xf32>, vector<1x200xf32>, vector<1x200xf32>, vector<1x200xf32>, vector<1x200xf32>, vector<1x200xf32>, vector<1x200xf32>, vector<1x200xf32>, vector<1x200xf32>, vector<1x200xf32>, vector<1x200xf32>, vector<1x200xf32> -> vector<32x200xf32>
    %gt3A = arith.constant 0.000000e+00 : f32
    %gt3A_234 = vector.broadcast %gt3A : f32 to vector<32x200xf32>
    %gt3A_235 = arith.cmpf ogt, %concatenate3A, %gt3A_234 : vector<32x200xf32>
    %ne3A = arith.constant 0 : i32
    %ne3A_236 = vector.broadcast %ne3A : i32 to vector<32x200xi32>
    %ne3A_237 = arith.cmpi ne, %get3A_4, %ne3A_236 : vector<32x200xi32>
    %and3A = arith.andi %gt3A_235, %ne3A_237 : vector<32x200xi1>
    %ne3A_238 = arith.constant 1 : i32
    %ne3A_239 = vector.broadcast %ne3A_238 : i32 to vector<32x200xi32>
    %ne3A_240 = arith.cmpi ne, %get3A_4, %ne3A_239 : vector<32x200xi32>
    %and3A_241 = arith.andi %and3A, %ne3A_240 : vector<32x200xi1>
    %ne3A_242 = arith.constant 2 : i32
    %ne3A_243 = vector.broadcast %ne3A_242 : i32 to vector<32x200xi32>
    %ne3A_244 = arith.cmpi ne, %get3A_4, %ne3A_243 : vector<32x200xi32>
    %and3A_245 = arith.andi %and3A_241, %ne3A_244 : vector<32x200xi1>
    %convert_element_type3A = arith.extui %and3A_245 : vector<32x200xi1> to vector<32x200xi32>
    %convert_element_type3A_246 = arith.sitofp %convert_element_type3A : vector<32x200xi32> to vector<32x200xf32>
    %mul3A = arith.mulf %concatenate3A_167, %convert_element_type3A_246 : vector<32x200xf32>
    %eq3A = arith.constant 0.000000e+00 : f32
    %eq3A_247 = vector.broadcast %eq3A : f32 to vector<32x200xf32>
    %eq3A_248 = arith.cmpf oeq, %concatenate3A_200, %eq3A_247 : vector<32x200xf32>
    %convert_element_type3A_249 = arith.extui %eq3A_248 : vector<32x200xi1> to vector<32x200xi32>
    %convert_element_type3A_250 = arith.sitofp %convert_element_type3A_249 : vector<32x200xi32> to vector<32x200xf32>
    %eq3A_251 = arith.constant 1.000000e+00 : f32
    %eq3A_252 = vector.broadcast %eq3A_251 : f32 to vector<32x200xf32>
    %eq3A_253 = arith.cmpf oeq, %concatenate3A_200, %eq3A_252 : vector<32x200xf32>
    %convert_element_type3A_254 = arith.extui %eq3A_253 : vector<32x200xi1> to vector<32x200xi32>
    %convert_element_type3A_255 = arith.sitofp %convert_element_type3A_254 : vector<32x200xi32> to vector<32x200xf32>
    %eq3A_256 = arith.constant 2.000000e+00 : f32
    %eq3A_257 = vector.broadcast %eq3A_256 : f32 to vector<32x200xf32>
    %eq3A_258 = arith.cmpf oeq, %concatenate3A_200, %eq3A_257 : vector<32x200xf32>
    %convert_element_type3A_259 = arith.extui %eq3A_258 : vector<32x200xi1> to vector<32x200xi32>
    %convert_element_type3A_260 = arith.sitofp %convert_element_type3A_259 : vector<32x200xi32> to vector<32x200xf32>
    %eq3A_261 = arith.constant 3.000000e+00 : f32
    %eq3A_262 = vector.broadcast %eq3A_261 : f32 to vector<32x200xf32>
    %eq3A_263 = arith.cmpf oeq, %concatenate3A_200, %eq3A_262 : vector<32x200xf32>
    %convert_element_type3A_264 = arith.extui %eq3A_263 : vector<32x200xi1> to vector<32x200xi32>
    %convert_element_type3A_265 = arith.sitofp %convert_element_type3A_264 : vector<32x200xi32> to vector<32x200xf32>
    %eq3A_266 = arith.constant 4.000000e+00 : f32
    %eq3A_267 = vector.broadcast %eq3A_266 : f32 to vector<32x200xf32>
    %eq3A_268 = arith.cmpf oeq, %concatenate3A_200, %eq3A_267 : vector<32x200xf32>
    %convert_element_type3A_269 = arith.extui %eq3A_268 : vector<32x200xi1> to vector<32x200xi32>
    %convert_element_type3A_270 = arith.sitofp %convert_element_type3A_269 : vector<32x200xi32> to vector<32x200xf32>
    %eq3A_271 = arith.constant 5.000000e+00 : f32
    %eq3A_272 = vector.broadcast %eq3A_271 : f32 to vector<32x200xf32>
    %eq3A_273 = arith.cmpf oeq, %concatenate3A_200, %eq3A_272 : vector<32x200xf32>
    %convert_element_type3A_274 = arith.extui %eq3A_273 : vector<32x200xi1> to vector<32x200xi32>
    %convert_element_type3A_275 = arith.sitofp %convert_element_type3A_274 : vector<32x200xi32> to vector<32x200xf32>
    %eq3A_276 = arith.constant 6.000000e+00 : f32
    %eq3A_277 = vector.broadcast %eq3A_276 : f32 to vector<32x200xf32>
    %eq3A_278 = arith.cmpf oeq, %concatenate3A_200, %eq3A_277 : vector<32x200xf32>
    %convert_element_type3A_279 = arith.extui %eq3A_278 : vector<32x200xi1> to vector<32x200xi32>
    %convert_element_type3A_280 = arith.sitofp %convert_element_type3A_279 : vector<32x200xi32> to vector<32x200xf32>
    %eq3A_281 = arith.constant 7.000000e+00 : f32
    %eq3A_282 = vector.broadcast %eq3A_281 : f32 to vector<32x200xf32>
    %eq3A_283 = arith.cmpf oeq, %concatenate3A_200, %eq3A_282 : vector<32x200xf32>
    %convert_element_type3A_284 = arith.extui %eq3A_283 : vector<32x200xi1> to vector<32x200xi32>
    %convert_element_type3A_285 = arith.sitofp %convert_element_type3A_284 : vector<32x200xi32> to vector<32x200xf32>
    %eq3A_286 = arith.constant 0.000000e+00 : f32
    %eq3A_287 = vector.broadcast %eq3A_286 : f32 to vector<32x200xf32>
    %eq3A_288 = arith.cmpf oeq, %concatenate3A_233, %eq3A_287 : vector<32x200xf32>
    %convert_element_type3A_289 = arith.extui %eq3A_288 : vector<32x200xi1> to vector<32x200xi32>
    %convert_element_type3A_290 = arith.sitofp %convert_element_type3A_289 : vector<32x200xi32> to vector<32x200xf32>
    %eq3A_291 = arith.constant 1.000000e+00 : f32
    %eq3A_292 = vector.broadcast %eq3A_291 : f32 to vector<32x200xf32>
    %eq3A_293 = arith.cmpf oeq, %concatenate3A_233, %eq3A_292 : vector<32x200xf32>
    %convert_element_type3A_294 = arith.extui %eq3A_293 : vector<32x200xi1> to vector<32x200xi32>
    %convert_element_type3A_295 = arith.sitofp %convert_element_type3A_294 : vector<32x200xi32> to vector<32x200xf32>
    %eq3A_296 = arith.constant 2.000000e+00 : f32
    %eq3A_297 = vector.broadcast %eq3A_296 : f32 to vector<32x200xf32>
    %eq3A_298 = arith.cmpf oeq, %concatenate3A_233, %eq3A_297 : vector<32x200xf32>
    %convert_element_type3A_299 = arith.extui %eq3A_298 : vector<32x200xi1> to vector<32x200xi32>
    %convert_element_type3A_300 = arith.sitofp %convert_element_type3A_299 : vector<32x200xi32> to vector<32x200xf32>
    %eq3A_301 = arith.constant 3.000000e+00 : f32
    %eq3A_302 = vector.broadcast %eq3A_301 : f32 to vector<32x200xf32>
    %eq3A_303 = arith.cmpf oeq, %concatenate3A_233, %eq3A_302 : vector<32x200xf32>
    %convert_element_type3A_304 = arith.extui %eq3A_303 : vector<32x200xi1> to vector<32x200xi32>
    %convert_element_type3A_305 = arith.sitofp %convert_element_type3A_304 : vector<32x200xi32> to vector<32x200xf32>
    %eq3A_306 = arith.constant 4.000000e+00 : f32
    %eq3A_307 = vector.broadcast %eq3A_306 : f32 to vector<32x200xf32>
    %eq3A_308 = arith.cmpf oeq, %concatenate3A_233, %eq3A_307 : vector<32x200xf32>
    %convert_element_type3A_309 = arith.extui %eq3A_308 : vector<32x200xi1> to vector<32x200xi32>
    %convert_element_type3A_310 = arith.sitofp %convert_element_type3A_309 : vector<32x200xi32> to vector<32x200xf32>
    %eq3A_311 = arith.constant 5.000000e+00 : f32
    %eq3A_312 = vector.broadcast %eq3A_311 : f32 to vector<32x200xf32>
    %eq3A_313 = arith.cmpf oeq, %concatenate3A_233, %eq3A_312 : vector<32x200xf32>
    %convert_element_type3A_314 = arith.extui %eq3A_313 : vector<32x200xi1> to vector<32x200xi32>
    %convert_element_type3A_315 = arith.sitofp %convert_element_type3A_314 : vector<32x200xi32> to vector<32x200xf32>
    %eq3A_316 = arith.constant 6.000000e+00 : f32
    %eq3A_317 = vector.broadcast %eq3A_316 : f32 to vector<32x200xf32>
    %eq3A_318 = arith.cmpf oeq, %concatenate3A_233, %eq3A_317 : vector<32x200xf32>
    %convert_element_type3A_319 = arith.extui %eq3A_318 : vector<32x200xi1> to vector<32x200xi32>
    %convert_element_type3A_320 = arith.sitofp %convert_element_type3A_319 : vector<32x200xi32> to vector<32x200xf32>
    %eq3A_321 = arith.constant 7.000000e+00 : f32
    %eq3A_322 = vector.broadcast %eq3A_321 : f32 to vector<32x200xf32>
    %eq3A_323 = arith.cmpf oeq, %concatenate3A_233, %eq3A_322 : vector<32x200xf32>
    %convert_element_type3A_324 = arith.extui %eq3A_323 : vector<32x200xi1> to vector<32x200xi32>
    %convert_element_type3A_325 = arith.sitofp %convert_element_type3A_324 : vector<32x200xi32> to vector<32x200xf32>
    %eq3A_326 = arith.constant 8.000000e+00 : f32
    %eq3A_327 = vector.broadcast %eq3A_326 : f32 to vector<32x200xf32>
    %eq3A_328 = arith.cmpf oeq, %concatenate3A_233, %eq3A_327 : vector<32x200xf32>
    %convert_element_type3A_329 = arith.extui %eq3A_328 : vector<32x200xi1> to vector<32x200xi32>
    %convert_element_type3A_330 = arith.sitofp %convert_element_type3A_329 : vector<32x200xi32> to vector<32x200xf32>
    %eq3A_331 = arith.constant 9.000000e+00 : f32
    %eq3A_332 = vector.broadcast %eq3A_331 : f32 to vector<32x200xf32>
    %eq3A_333 = arith.cmpf oeq, %concatenate3A_233, %eq3A_332 : vector<32x200xf32>
    %convert_element_type3A_334 = arith.extui %eq3A_333 : vector<32x200xi1> to vector<32x200xi32>
    %convert_element_type3A_335 = arith.sitofp %convert_element_type3A_334 : vector<32x200xi32> to vector<32x200xf32>
    %eq3A_336 = arith.constant 1.000000e+01 : f32
    %eq3A_337 = vector.broadcast %eq3A_336 : f32 to vector<32x200xf32>
    %eq3A_338 = arith.cmpf oeq, %concatenate3A_233, %eq3A_337 : vector<32x200xf32>
    %convert_element_type3A_339 = arith.extui %eq3A_338 : vector<32x200xi1> to vector<32x200xi32>
    %convert_element_type3A_340 = arith.sitofp %convert_element_type3A_339 : vector<32x200xi32> to vector<32x200xf32>
    %eq3A_341 = arith.constant 1.100000e+01 : f32
    %eq3A_342 = vector.broadcast %eq3A_341 : f32 to vector<32x200xf32>
    %eq3A_343 = arith.cmpf oeq, %concatenate3A_233, %eq3A_342 : vector<32x200xf32>
    %convert_element_type3A_344 = arith.extui %eq3A_343 : vector<32x200xi1> to vector<32x200xi32>
    %convert_element_type3A_345 = arith.sitofp %convert_element_type3A_344 : vector<32x200xi32> to vector<32x200xf32>
    %eq3A_346 = arith.constant 1.200000e+01 : f32
    %eq3A_347 = vector.broadcast %eq3A_346 : f32 to vector<32x200xf32>
    %eq3A_348 = arith.cmpf oeq, %concatenate3A_233, %eq3A_347 : vector<32x200xf32>
    %convert_element_type3A_349 = arith.extui %eq3A_348 : vector<32x200xi1> to vector<32x200xi32>
    %convert_element_type3A_350 = arith.sitofp %convert_element_type3A_349 : vector<32x200xi32> to vector<32x200xf32>
    %eq3A_351 = arith.constant 1.300000e+01 : f32
    %eq3A_352 = vector.broadcast %eq3A_351 : f32 to vector<32x200xf32>
    %eq3A_353 = arith.cmpf oeq, %concatenate3A_233, %eq3A_352 : vector<32x200xf32>
    %convert_element_type3A_354 = arith.extui %eq3A_353 : vector<32x200xi1> to vector<32x200xi32>
    %convert_element_type3A_355 = arith.sitofp %convert_element_type3A_354 : vector<32x200xi32> to vector<32x200xf32>
    %eq3A_356 = arith.constant 1.400000e+01 : f32
    %eq3A_357 = vector.broadcast %eq3A_356 : f32 to vector<32x200xf32>
    %eq3A_358 = arith.cmpf oeq, %concatenate3A_233, %eq3A_357 : vector<32x200xf32>
    %convert_element_type3A_359 = arith.extui %eq3A_358 : vector<32x200xi1> to vector<32x200xi32>
    %convert_element_type3A_360 = arith.sitofp %convert_element_type3A_359 : vector<32x200xi32> to vector<32x200xf32>
    %eq3A_361 = arith.constant 1.500000e+01 : f32
    %eq3A_362 = vector.broadcast %eq3A_361 : f32 to vector<32x200xf32>
    %eq3A_363 = arith.cmpf oeq, %concatenate3A_233, %eq3A_362 : vector<32x200xf32>
    %convert_element_type3A_364 = arith.extui %eq3A_363 : vector<32x200xi1> to vector<32x200xi32>
    %convert_element_type3A_365 = arith.sitofp %convert_element_type3A_364 : vector<32x200xi32> to vector<32x200xf32>
    %gt3A_366 = arith.constant 0.000000e+00 : f32
    %gt3A_367 = vector.broadcast %gt3A_366 : f32 to vector<32x200xf32>
    %gt3A_368 = arith.cmpf ogt, %concatenate3A_233, %gt3A_367 : vector<32x200xf32>
    %convert_element_type3A_369 = arith.extui %gt3A_368 : vector<32x200xi1> to vector<32x200xi32>
    %convert_element_type3A_370 = arith.sitofp %convert_element_type3A_369 : vector<32x200xi32> to vector<32x200xf32>
    %mul3A_371 = arith.mulf %convert_element_type3A_246, %convert_element_type3A_370 : vector<32x200xf32>
    %mul3A_372 = arith.mulf %mul3A, %convert_element_type3A_370 : vector<32x200xf32>
    %mul3A_373 = arith.mulf %convert_element_type3A_250, %convert_element_type3A_246 : vector<32x200xf32>
    %mul3A_374 = arith.mulf %convert_element_type3A_255, %convert_element_type3A_246 : vector<32x200xf32>
    %mul3A_375 = arith.mulf %convert_element_type3A_260, %convert_element_type3A_246 : vector<32x200xf32>
    %mul3A_376 = arith.mulf %convert_element_type3A_265, %convert_element_type3A_246 : vector<32x200xf32>
    %mul3A_377 = arith.mulf %convert_element_type3A_270, %convert_element_type3A_246 : vector<32x200xf32>
    %mul3A_378 = arith.mulf %convert_element_type3A_275, %convert_element_type3A_246 : vector<32x200xf32>
    %mul3A_379 = arith.mulf %convert_element_type3A_280, %convert_element_type3A_246 : vector<32x200xf32>
    %mul3A_380 = arith.mulf %convert_element_type3A_285, %convert_element_type3A_246 : vector<32x200xf32>
    %mul3A_381 = arith.mulf %convert_element_type3A_250, %mul3A : vector<32x200xf32>
    %mul3A_382 = arith.mulf %convert_element_type3A_255, %mul3A : vector<32x200xf32>
    %mul3A_383 = arith.mulf %convert_element_type3A_260, %mul3A : vector<32x200xf32>
    %mul3A_384 = arith.mulf %convert_element_type3A_265, %mul3A : vector<32x200xf32>
    %mul3A_385 = arith.mulf %convert_element_type3A_270, %mul3A : vector<32x200xf32>
    %mul3A_386 = arith.mulf %convert_element_type3A_275, %mul3A : vector<32x200xf32>
    %mul3A_387 = arith.mulf %convert_element_type3A_280, %mul3A : vector<32x200xf32>
    %mul3A_388 = arith.mulf %convert_element_type3A_285, %mul3A : vector<32x200xf32>
    %mul3A_389 = arith.mulf %convert_element_type3A_290, %mul3A_371 : vector<32x200xf32>
    %mul3A_390 = arith.mulf %convert_element_type3A_295, %mul3A_371 : vector<32x200xf32>
    %mul3A_391 = arith.mulf %convert_element_type3A_300, %mul3A_371 : vector<32x200xf32>
    %mul3A_392 = arith.mulf %convert_element_type3A_305, %mul3A_371 : vector<32x200xf32>
    %mul3A_393 = arith.mulf %convert_element_type3A_310, %mul3A_371 : vector<32x200xf32>
    %mul3A_394 = arith.mulf %convert_element_type3A_315, %mul3A_371 : vector<32x200xf32>
    %mul3A_395 = arith.mulf %convert_element_type3A_320, %mul3A_371 : vector<32x200xf32>
    %mul3A_396 = arith.mulf %convert_element_type3A_325, %mul3A_371 : vector<32x200xf32>
    %mul3A_397 = arith.mulf %convert_element_type3A_330, %mul3A_371 : vector<32x200xf32>
    %mul3A_398 = arith.mulf %convert_element_type3A_335, %mul3A_371 : vector<32x200xf32>
    %mul3A_399 = arith.mulf %convert_element_type3A_340, %mul3A_371 : vector<32x200xf32>
    %mul3A_400 = arith.mulf %convert_element_type3A_345, %mul3A_371 : vector<32x200xf32>
    %mul3A_401 = arith.mulf %convert_element_type3A_350, %mul3A_371 : vector<32x200xf32>
    %mul3A_402 = arith.mulf %convert_element_type3A_355, %mul3A_371 : vector<32x200xf32>
    %mul3A_403 = arith.mulf %convert_element_type3A_360, %mul3A_371 : vector<32x200xf32>
    %mul3A_404 = arith.mulf %convert_element_type3A_365, %mul3A_371 : vector<32x200xf32>
    %mul3A_405 = arith.mulf %convert_element_type3A_290, %mul3A_372 : vector<32x200xf32>
    %mul3A_406 = arith.mulf %convert_element_type3A_295, %mul3A_372 : vector<32x200xf32>
    %mul3A_407 = arith.mulf %convert_element_type3A_300, %mul3A_372 : vector<32x200xf32>
    %mul3A_408 = arith.mulf %convert_element_type3A_305, %mul3A_372 : vector<32x200xf32>
    %mul3A_409 = arith.mulf %convert_element_type3A_310, %mul3A_372 : vector<32x200xf32>
    %mul3A_410 = arith.mulf %convert_element_type3A_315, %mul3A_372 : vector<32x200xf32>
    %mul3A_411 = arith.mulf %convert_element_type3A_320, %mul3A_372 : vector<32x200xf32>
    %mul3A_412 = arith.mulf %convert_element_type3A_325, %mul3A_372 : vector<32x200xf32>
    %mul3A_413 = arith.mulf %convert_element_type3A_330, %mul3A_372 : vector<32x200xf32>
    %mul3A_414 = arith.mulf %convert_element_type3A_335, %mul3A_372 : vector<32x200xf32>
    %mul3A_415 = arith.mulf %convert_element_type3A_340, %mul3A_372 : vector<32x200xf32>
    %mul3A_416 = arith.mulf %convert_element_type3A_345, %mul3A_372 : vector<32x200xf32>
    %mul3A_417 = arith.mulf %convert_element_type3A_350, %mul3A_372 : vector<32x200xf32>
    %mul3A_418 = arith.mulf %convert_element_type3A_355, %mul3A_372 : vector<32x200xf32>
    %mul3A_419 = arith.mulf %convert_element_type3A_360, %mul3A_372 : vector<32x200xf32>
    %mul3A_420 = arith.mulf %convert_element_type3A_365, %mul3A_372 : vector<32x200xf32>
    %concatenate3A_421 = tpu.concatenate %convert_element_type3A_246, %mul3A, %mul3A_373, %mul3A_374, %mul3A_375, %mul3A_376, %mul3A_377, %mul3A_378, %mul3A_379, %mul3A_380, %mul3A_381, %mul3A_382, %mul3A_383, %mul3A_384, %mul3A_385, %mul3A_386, %mul3A_387, %mul3A_388, %mul3A_389, %mul3A_390, %mul3A_391, %mul3A_392, %mul3A_393, %mul3A_394, %mul3A_395, %mul3A_396, %mul3A_397, %mul3A_398, %mul3A_399, %mul3A_400, %mul3A_401, %mul3A_402, %mul3A_403, %mul3A_404, %mul3A_405, %mul3A_406, %mul3A_407, %mul3A_408, %mul3A_409, %mul3A_410, %mul3A_411, %mul3A_412, %mul3A_413, %mul3A_414, %mul3A_415, %mul3A_416, %mul3A_417, %mul3A_418, %mul3A_419, %mul3A_420 in 0 : vector<32x200xf32>, vector<32x200xf32>, vector<32x200xf32>, vector<32x200xf32>, vector<32x200xf32>, vector<32x200xf32>, vector<32x200xf32>, vector<32x200xf32>, vector<32x200xf32>, vector<32x200xf32>, vector<32x200xf32>, vector<32x200xf32>, vector<32x200xf32>, vector<32x200xf32>, vector<32x200xf32>, vector<32x200xf32>, vector<32x200xf32>, vector<32x200xf32>, vector<32x200xf32>, vector<32x200xf32>, vector<32x200xf32>, vector<32x200xf32>, vector<32x200xf32>, vector<32x200xf32>, vector<32x200xf32>, vector<32x200xf32>, vector<32x200xf32>, vector<32x200xf32>, vector<32x200xf32>, vector<32x200xf32>, vector<32x200xf32>, vector<32x200xf32>, vector<32x200xf32>, vector<32x200xf32>, vector<32x200xf32>, vector<32x200xf32>, vector<32x200xf32>, vector<32x200xf32>, vector<32x200xf32>, vector<32x200xf32>, vector<32x200xf32>, vector<32x200xf32>, vector<32x200xf32>, vector<32x200xf32>, vector<32x200xf32>, vector<32x200xf32>, vector<32x200xf32>, vector<32x200xf32>, vector<32x200xf32>, vector<32x200xf32> -> vector<1600x200xf32>
    %dot_general3A = arith.constant dense<0.000000e+00> : vector<1600x200xf32>
    %dot_general3A_422 = tpu.matmul %concatenate3A_421, %get3A_1, %dot_general3A {dimension_numbers = #tpu.dot_dimension_numbers<[1], [0], [0], [1], [0, 0, 1, 1], [], []>, transpose_lhs_hint = false} : vector<1600x200xf32>, vector<200x200xf32>, vector<1600x200xf32> -> vector<1600x200xf32>
    %slice3A_423 = vector.extract_strided_slice %dot_general3A_422 {offsets = [0, 0], sizes = [32, 200], strides = [1, 1]} : vector<1600x200xf32> to vector<32x200xf32>
    %slice3A_424 = vector.extract_strided_slice %dot_general3A_422 {offsets = [32, 0], sizes = [32, 200], strides = [1, 1]} : vector<1600x200xf32> to vector<32x200xf32>
    %slice3A_425 = vector.extract_strided_slice %dot_general3A_422 {offsets = [64, 0], sizes = [32, 200], strides = [1, 1]} : vector<1600x200xf32> to vector<32x200xf32>
    %mul3A_426 = arith.mulf %slice3A_425, %convert_element_type3A_250 : vector<32x200xf32>
    %add3A = arith.constant 0.000000e+00 : f32
    %add3A_427 = vector.broadcast %add3A : f32 to vector<32x200xf32>
    %add3A_428 = arith.addf %add3A_427, %mul3A_426 : vector<32x200xf32>
    %slice3A_429 = vector.extract_strided_slice %dot_general3A_422 {offsets = [96, 0], sizes = [32, 200], strides = [1, 1]} : vector<1600x200xf32> to vector<32x200xf32>
    %mul3A_430 = arith.mulf %slice3A_429, %convert_element_type3A_255 : vector<32x200xf32>
    %add3A_431 = arith.addf %add3A_428, %mul3A_430 : vector<32x200xf32>
    %slice3A_432 = vector.extract_strided_slice %dot_general3A_422 {offsets = [128, 0], sizes = [32, 200], strides = [1, 1]} : vector<1600x200xf32> to vector<32x200xf32>
    %mul3A_433 = arith.mulf %slice3A_432, %convert_element_type3A_260 : vector<32x200xf32>
    %add3A_434 = arith.addf %add3A_431, %mul3A_433 : vector<32x200xf32>
    %slice3A_435 = vector.extract_strided_slice %dot_general3A_422 {offsets = [160, 0], sizes = [32, 200], strides = [1, 1]} : vector<1600x200xf32> to vector<32x200xf32>
    %mul3A_436 = arith.mulf %slice3A_435, %convert_element_type3A_265 : vector<32x200xf32>
    %add3A_437 = arith.addf %add3A_434, %mul3A_436 : vector<32x200xf32>
    %slice3A_438 = vector.extract_strided_slice %dot_general3A_422 {offsets = [192, 0], sizes = [32, 200], strides = [1, 1]} : vector<1600x200xf32> to vector<32x200xf32>
    %mul3A_439 = arith.mulf %slice3A_438, %convert_element_type3A_270 : vector<32x200xf32>
    %add3A_440 = arith.addf %add3A_437, %mul3A_439 : vector<32x200xf32>
    %slice3A_441 = vector.extract_strided_slice %dot_general3A_422 {offsets = [224, 0], sizes = [32, 200], strides = [1, 1]} : vector<1600x200xf32> to vector<32x200xf32>
    %mul3A_442 = arith.mulf %slice3A_441, %convert_element_type3A_275 : vector<32x200xf32>
    %add3A_443 = arith.addf %add3A_440, %mul3A_442 : vector<32x200xf32>
    %slice3A_444 = vector.extract_strided_slice %dot_general3A_422 {offsets = [256, 0], sizes = [32, 200], strides = [1, 1]} : vector<1600x200xf32> to vector<32x200xf32>
    %mul3A_445 = arith.mulf %slice3A_444, %convert_element_type3A_280 : vector<32x200xf32>
    %add3A_446 = arith.addf %add3A_443, %mul3A_445 : vector<32x200xf32>
    %slice3A_447 = vector.extract_strided_slice %dot_general3A_422 {offsets = [288, 0], sizes = [32, 200], strides = [1, 1]} : vector<1600x200xf32> to vector<32x200xf32>
    %mul3A_448 = arith.mulf %slice3A_447, %convert_element_type3A_285 : vector<32x200xf32>
    %add3A_449 = arith.addf %add3A_446, %mul3A_448 : vector<32x200xf32>
    %slice3A_450 = vector.extract_strided_slice %dot_general3A_422 {offsets = [320, 0], sizes = [32, 200], strides = [1, 1]} : vector<1600x200xf32> to vector<32x200xf32>
    %mul3A_451 = arith.mulf %slice3A_450, %convert_element_type3A_250 : vector<32x200xf32>
    %add3A_452 = arith.constant 0.000000e+00 : f32
    %add3A_453 = vector.broadcast %add3A_452 : f32 to vector<32x200xf32>
    %add3A_454 = arith.addf %add3A_453, %mul3A_451 : vector<32x200xf32>
    %slice3A_455 = vector.extract_strided_slice %dot_general3A_422 {offsets = [352, 0], sizes = [32, 200], strides = [1, 1]} : vector<1600x200xf32> to vector<32x200xf32>
    %mul3A_456 = arith.mulf %slice3A_455, %convert_element_type3A_255 : vector<32x200xf32>
    %add3A_457 = arith.addf %add3A_454, %mul3A_456 : vector<32x200xf32>
    %slice3A_458 = vector.extract_strided_slice %dot_general3A_422 {offsets = [384, 0], sizes = [32, 200], strides = [1, 1]} : vector<1600x200xf32> to vector<32x200xf32>
    %mul3A_459 = arith.mulf %slice3A_458, %convert_element_type3A_260 : vector<32x200xf32>
    %add3A_460 = arith.addf %add3A_457, %mul3A_459 : vector<32x200xf32>
    %slice3A_461 = vector.extract_strided_slice %dot_general3A_422 {offsets = [416, 0], sizes = [32, 200], strides = [1, 1]} : vector<1600x200xf32> to vector<32x200xf32>
    %mul3A_462 = arith.mulf %slice3A_461, %convert_element_type3A_265 : vector<32x200xf32>
    %add3A_463 = arith.addf %add3A_460, %mul3A_462 : vector<32x200xf32>
    %slice3A_464 = vector.extract_strided_slice %dot_general3A_422 {offsets = [448, 0], sizes = [32, 200], strides = [1, 1]} : vector<1600x200xf32> to vector<32x200xf32>
    %mul3A_465 = arith.mulf %slice3A_464, %convert_element_type3A_270 : vector<32x200xf32>
    %add3A_466 = arith.addf %add3A_463, %mul3A_465 : vector<32x200xf32>
    %slice3A_467 = vector.extract_strided_slice %dot_general3A_422 {offsets = [480, 0], sizes = [32, 200], strides = [1, 1]} : vector<1600x200xf32> to vector<32x200xf32>
    %mul3A_468 = arith.mulf %slice3A_467, %convert_element_type3A_275 : vector<32x200xf32>
    %add3A_469 = arith.addf %add3A_466, %mul3A_468 : vector<32x200xf32>
    %slice3A_470 = vector.extract_strided_slice %dot_general3A_422 {offsets = [512, 0], sizes = [32, 200], strides = [1, 1]} : vector<1600x200xf32> to vector<32x200xf32>
    %mul3A_471 = arith.mulf %slice3A_470, %convert_element_type3A_280 : vector<32x200xf32>
    %add3A_472 = arith.addf %add3A_469, %mul3A_471 : vector<32x200xf32>
    %slice3A_473 = vector.extract_strided_slice %dot_general3A_422 {offsets = [544, 0], sizes = [32, 200], strides = [1, 1]} : vector<1600x200xf32> to vector<32x200xf32>
    %mul3A_474 = arith.mulf %slice3A_473, %convert_element_type3A_285 : vector<32x200xf32>
    %add3A_475 = arith.addf %add3A_472, %mul3A_474 : vector<32x200xf32>
    %slice3A_476 = vector.extract_strided_slice %dot_general3A_422 {offsets = [576, 0], sizes = [32, 200], strides = [1, 1]} : vector<1600x200xf32> to vector<32x200xf32>
    %mul3A_477 = arith.mulf %slice3A_476, %convert_element_type3A_290 : vector<32x200xf32>
    %add3A_478 = arith.constant 0.000000e+00 : f32
    %add3A_479 = vector.broadcast %add3A_478 : f32 to vector<32x200xf32>
    %add3A_480 = arith.addf %add3A_479, %mul3A_477 : vector<32x200xf32>
    %slice3A_481 = vector.extract_strided_slice %dot_general3A_422 {offsets = [608, 0], sizes = [32, 200], strides = [1, 1]} : vector<1600x200xf32> to vector<32x200xf32>
    %mul3A_482 = arith.mulf %slice3A_481, %convert_element_type3A_295 : vector<32x200xf32>
    %add3A_483 = arith.addf %add3A_480, %mul3A_482 : vector<32x200xf32>
    %slice3A_484 = vector.extract_strided_slice %dot_general3A_422 {offsets = [640, 0], sizes = [32, 200], strides = [1, 1]} : vector<1600x200xf32> to vector<32x200xf32>
    %mul3A_485 = arith.mulf %slice3A_484, %convert_element_type3A_300 : vector<32x200xf32>
    %add3A_486 = arith.addf %add3A_483, %mul3A_485 : vector<32x200xf32>
    %slice3A_487 = vector.extract_strided_slice %dot_general3A_422 {offsets = [672, 0], sizes = [32, 200], strides = [1, 1]} : vector<1600x200xf32> to vector<32x200xf32>
    %mul3A_488 = arith.mulf %slice3A_487, %convert_element_type3A_305 : vector<32x200xf32>
    %add3A_489 = arith.addf %add3A_486, %mul3A_488 : vector<32x200xf32>
    %slice3A_490 = vector.extract_strided_slice %dot_general3A_422 {offsets = [704, 0], sizes = [32, 200], strides = [1, 1]} : vector<1600x200xf32> to vector<32x200xf32>
    %mul3A_491 = arith.mulf %slice3A_490, %convert_element_type3A_310 : vector<32x200xf32>
    %add3A_492 = arith.addf %add3A_489, %mul3A_491 : vector<32x200xf32>
    %slice3A_493 = vector.extract_strided_slice %dot_general3A_422 {offsets = [736, 0], sizes = [32, 200], strides = [1, 1]} : vector<1600x200xf32> to vector<32x200xf32>
    %mul3A_494 = arith.mulf %slice3A_493, %convert_element_type3A_315 : vector<32x200xf32>
    %add3A_495 = arith.addf %add3A_492, %mul3A_494 : vector<32x200xf32>
    %slice3A_496 = vector.extract_strided_slice %dot_general3A_422 {offsets = [768, 0], sizes = [32, 200], strides = [1, 1]} : vector<1600x200xf32> to vector<32x200xf32>
    %mul3A_497 = arith.mulf %slice3A_496, %convert_element_type3A_320 : vector<32x200xf32>
    %add3A_498 = arith.addf %add3A_495, %mul3A_497 : vector<32x200xf32>
    %slice3A_499 = vector.extract_strided_slice %dot_general3A_422 {offsets = [800, 0], sizes = [32, 200], strides = [1, 1]} : vector<1600x200xf32> to vector<32x200xf32>
    %mul3A_500 = arith.mulf %slice3A_499, %convert_element_type3A_325 : vector<32x200xf32>
    %add3A_501 = arith.addf %add3A_498, %mul3A_500 : vector<32x200xf32>
    %slice3A_502 = vector.extract_strided_slice %dot_general3A_422 {offsets = [832, 0], sizes = [32, 200], strides = [1, 1]} : vector<1600x200xf32> to vector<32x200xf32>
    %mul3A_503 = arith.mulf %slice3A_502, %convert_element_type3A_330 : vector<32x200xf32>
    %add3A_504 = arith.addf %add3A_501, %mul3A_503 : vector<32x200xf32>
    %slice3A_505 = vector.extract_strided_slice %dot_general3A_422 {offsets = [864, 0], sizes = [32, 200], strides = [1, 1]} : vector<1600x200xf32> to vector<32x200xf32>
    %mul3A_506 = arith.mulf %slice3A_505, %convert_element_type3A_335 : vector<32x200xf32>
    %add3A_507 = arith.addf %add3A_504, %mul3A_506 : vector<32x200xf32>
    %slice3A_508 = vector.extract_strided_slice %dot_general3A_422 {offsets = [896, 0], sizes = [32, 200], strides = [1, 1]} : vector<1600x200xf32> to vector<32x200xf32>
    %mul3A_509 = arith.mulf %slice3A_508, %convert_element_type3A_340 : vector<32x200xf32>
    %add3A_510 = arith.addf %add3A_507, %mul3A_509 : vector<32x200xf32>
    %slice3A_511 = vector.extract_strided_slice %dot_general3A_422 {offsets = [928, 0], sizes = [32, 200], strides = [1, 1]} : vector<1600x200xf32> to vector<32x200xf32>
    %mul3A_512 = arith.mulf %slice3A_511, %convert_element_type3A_345 : vector<32x200xf32>
    %add3A_513 = arith.addf %add3A_510, %mul3A_512 : vector<32x200xf32>
    %slice3A_514 = vector.extract_strided_slice %dot_general3A_422 {offsets = [960, 0], sizes = [32, 200], strides = [1, 1]} : vector<1600x200xf32> to vector<32x200xf32>
    %mul3A_515 = arith.mulf %slice3A_514, %convert_element_type3A_350 : vector<32x200xf32>
    %add3A_516 = arith.addf %add3A_513, %mul3A_515 : vector<32x200xf32>
    %slice3A_517 = vector.extract_strided_slice %dot_general3A_422 {offsets = [992, 0], sizes = [32, 200], strides = [1, 1]} : vector<1600x200xf32> to vector<32x200xf32>
    %mul3A_518 = arith.mulf %slice3A_517, %convert_element_type3A_355 : vector<32x200xf32>
    %add3A_519 = arith.addf %add3A_516, %mul3A_518 : vector<32x200xf32>
    %slice3A_520 = vector.extract_strided_slice %dot_general3A_422 {offsets = [1024, 0], sizes = [32, 200], strides = [1, 1]} : vector<1600x200xf32> to vector<32x200xf32>
    %mul3A_521 = arith.mulf %slice3A_520, %convert_element_type3A_360 : vector<32x200xf32>
    %add3A_522 = arith.addf %add3A_519, %mul3A_521 : vector<32x200xf32>
    %slice3A_523 = vector.extract_strided_slice %dot_general3A_422 {offsets = [1056, 0], sizes = [32, 200], strides = [1, 1]} : vector<1600x200xf32> to vector<32x200xf32>
    %mul3A_524 = arith.mulf %slice3A_523, %convert_element_type3A_365 : vector<32x200xf32>
    %add3A_525 = arith.addf %add3A_522, %mul3A_524 : vector<32x200xf32>
    %slice3A_526 = vector.extract_strided_slice %dot_general3A_422 {offsets = [1088, 0], sizes = [32, 200], strides = [1, 1]} : vector<1600x200xf32> to vector<32x200xf32>
    %mul3A_527 = arith.mulf %slice3A_526, %convert_element_type3A_290 : vector<32x200xf32>
    %add3A_528 = arith.constant 0.000000e+00 : f32
    %add3A_529 = vector.broadcast %add3A_528 : f32 to vector<32x200xf32>
    %add3A_530 = arith.addf %add3A_529, %mul3A_527 : vector<32x200xf32>
    %slice3A_531 = vector.extract_strided_slice %dot_general3A_422 {offsets = [1120, 0], sizes = [32, 200], strides = [1, 1]} : vector<1600x200xf32> to vector<32x200xf32>
    %mul3A_532 = arith.mulf %slice3A_531, %convert_element_type3A_295 : vector<32x200xf32>
    %add3A_533 = arith.addf %add3A_530, %mul3A_532 : vector<32x200xf32>
    %slice3A_534 = vector.extract_strided_slice %dot_general3A_422 {offsets = [1152, 0], sizes = [32, 200], strides = [1, 1]} : vector<1600x200xf32> to vector<32x200xf32>
    %mul3A_535 = arith.mulf %slice3A_534, %convert_element_type3A_300 : vector<32x200xf32>
    %add3A_536 = arith.addf %add3A_533, %mul3A_535 : vector<32x200xf32>
    %slice3A_537 = vector.extract_strided_slice %dot_general3A_422 {offsets = [1184, 0], sizes = [32, 200], strides = [1, 1]} : vector<1600x200xf32> to vector<32x200xf32>
    %mul3A_538 = arith.mulf %slice3A_537, %convert_element_type3A_305 : vector<32x200xf32>
    %add3A_539 = arith.addf %add3A_536, %mul3A_538 : vector<32x200xf32>
    %slice3A_540 = vector.extract_strided_slice %dot_general3A_422 {offsets = [1216, 0], sizes = [32, 200], strides = [1, 1]} : vector<1600x200xf32> to vector<32x200xf32>
    %mul3A_541 = arith.mulf %slice3A_540, %convert_element_type3A_310 : vector<32x200xf32>
    %add3A_542 = arith.addf %add3A_539, %mul3A_541 : vector<32x200xf32>
    %slice3A_543 = vector.extract_strided_slice %dot_general3A_422 {offsets = [1248, 0], sizes = [32, 200], strides = [1, 1]} : vector<1600x200xf32> to vector<32x200xf32>
    %mul3A_544 = arith.mulf %slice3A_543, %convert_element_type3A_315 : vector<32x200xf32>
    %add3A_545 = arith.addf %add3A_542, %mul3A_544 : vector<32x200xf32>
    %slice3A_546 = vector.extract_strided_slice %dot_general3A_422 {offsets = [1280, 0], sizes = [32, 200], strides = [1, 1]} : vector<1600x200xf32> to vector<32x200xf32>
    %mul3A_547 = arith.mulf %slice3A_546, %convert_element_type3A_320 : vector<32x200xf32>
    %add3A_548 = arith.addf %add3A_545, %mul3A_547 : vector<32x200xf32>
    %slice3A_549 = vector.extract_strided_slice %dot_general3A_422 {offsets = [1312, 0], sizes = [32, 200], strides = [1, 1]} : vector<1600x200xf32> to vector<32x200xf32>
    %mul3A_550 = arith.mulf %slice3A_549, %convert_element_type3A_325 : vector<32x200xf32>
    %add3A_551 = arith.addf %add3A_548, %mul3A_550 : vector<32x200xf32>
    %slice3A_552 = vector.extract_strided_slice %dot_general3A_422 {offsets = [1344, 0], sizes = [32, 200], strides = [1, 1]} : vector<1600x200xf32> to vector<32x200xf32>
    %mul3A_553 = arith.mulf %slice3A_552, %convert_element_type3A_330 : vector<32x200xf32>
    %add3A_554 = arith.addf %add3A_551, %mul3A_553 : vector<32x200xf32>
    %slice3A_555 = vector.extract_strided_slice %dot_general3A_422 {offsets = [1376, 0], sizes = [32, 200], strides = [1, 1]} : vector<1600x200xf32> to vector<32x200xf32>
    %mul3A_556 = arith.mulf %slice3A_555, %convert_element_type3A_335 : vector<32x200xf32>
    %add3A_557 = arith.addf %add3A_554, %mul3A_556 : vector<32x200xf32>
    %slice3A_558 = vector.extract_strided_slice %dot_general3A_422 {offsets = [1408, 0], sizes = [32, 200], strides = [1, 1]} : vector<1600x200xf32> to vector<32x200xf32>
    %mul3A_559 = arith.mulf %slice3A_558, %convert_element_type3A_340 : vector<32x200xf32>
    %add3A_560 = arith.addf %add3A_557, %mul3A_559 : vector<32x200xf32>
    %slice3A_561 = vector.extract_strided_slice %dot_general3A_422 {offsets = [1440, 0], sizes = [32, 200], strides = [1, 1]} : vector<1600x200xf32> to vector<32x200xf32>
    %mul3A_562 = arith.mulf %slice3A_561, %convert_element_type3A_345 : vector<32x200xf32>
    %add3A_563 = arith.addf %add3A_560, %mul3A_562 : vector<32x200xf32>
    %slice3A_564 = vector.extract_strided_slice %dot_general3A_422 {offsets = [1472, 0], sizes = [32, 200], strides = [1, 1]} : vector<1600x200xf32> to vector<32x200xf32>
    %mul3A_565 = arith.mulf %slice3A_564, %convert_element_type3A_350 : vector<32x200xf32>
    %add3A_566 = arith.addf %add3A_563, %mul3A_565 : vector<32x200xf32>
    %slice3A_567 = vector.extract_strided_slice %dot_general3A_422 {offsets = [1504, 0], sizes = [32, 200], strides = [1, 1]} : vector<1600x200xf32> to vector<32x200xf32>
    %mul3A_568 = arith.mulf %slice3A_567, %convert_element_type3A_355 : vector<32x200xf32>
    %add3A_569 = arith.addf %add3A_566, %mul3A_568 : vector<32x200xf32>
    %slice3A_570 = vector.extract_strided_slice %dot_general3A_422 {offsets = [1536, 0], sizes = [32, 200], strides = [1, 1]} : vector<1600x200xf32> to vector<32x200xf32>
    %mul3A_571 = arith.mulf %slice3A_570, %convert_element_type3A_360 : vector<32x200xf32>
    %add3A_572 = arith.addf %add3A_569, %mul3A_571 : vector<32x200xf32>
    %slice3A_573 = vector.extract_strided_slice %dot_general3A_422 {offsets = [1568, 0], sizes = [32, 200], strides = [1, 1]} : vector<1600x200xf32> to vector<32x200xf32>
    %mul3A_574 = arith.mulf %slice3A_573, %convert_element_type3A_365 : vector<32x200xf32>
    %add3A_575 = arith.addf %add3A_572, %mul3A_574 : vector<32x200xf32>
    %max3A = arith.constant 1.000000e+00 : f32
    %max3A_576 = vector.broadcast %max3A : f32 to vector<32x200xf32>
    %max3A_577 = arith.maximumf %slice3A_423, %max3A_576 : vector<32x200xf32>
    %div3A = arith.constant 1.000000e+00 : f32
    %div3A_578 = vector.broadcast %div3A : f32 to vector<32x200xf32>
    %div3A_579 = arith.divf %div3A_578, %max3A_577 : vector<32x200xf32>
    %broadcast_in_dim3A = arith.constant 0.000000e+00 : f32
    %broadcast_in_dim3A_580 = vector.broadcast %broadcast_in_dim3A : f32 to vector<32x1xf32>
    %mul3A_581 = arith.constant 0.00502512557 : f32
    %mul3A_582 = vector.broadcast %mul3A_581 : f32 to vector<32x200xf32>
    %mul3A_583 = arith.mulf %slice3A_423, %mul3A_582 : vector<32x200xf32>
    %mul3A_584 = arith.constant 0.00502512557 : f32
    %mul3A_585 = vector.broadcast %mul3A_584 : f32 to vector<32x200xf32>
    %mul3A_586 = arith.mulf %slice3A_424, %mul3A_585 : vector<32x200xf32>
    %mul3A_587 = arith.constant 0.00502512557 : f32
    %mul3A_588 = vector.broadcast %mul3A_587 : f32 to vector<32x200xf32>
    %mul3A_589 = arith.mulf %add3A_449, %mul3A_588 : vector<32x200xf32>
    %mul3A_590 = arith.constant 0.00502512557 : f32
    %mul3A_591 = vector.broadcast %mul3A_590 : f32 to vector<32x200xf32>
    %mul3A_592 = arith.mulf %add3A_475, %mul3A_591 : vector<32x200xf32>
    %mul3A_593 = arith.mulf %add3A_449, %div3A_579 : vector<32x200xf32>
    %mul3A_594 = arith.constant 0.00502512557 : f32
    %mul3A_595 = vector.broadcast %mul3A_594 : f32 to vector<32x200xf32>
    %mul3A_596 = arith.mulf %add3A_525, %mul3A_595 : vector<32x200xf32>
    %mul3A_597 = arith.constant 0.00502512557 : f32
    %mul3A_598 = vector.broadcast %mul3A_597 : f32 to vector<32x200xf32>
    %mul3A_599 = arith.mulf %add3A_575, %mul3A_598 : vector<32x200xf32>
    %mul3A_600 = arith.mulf %add3A_525, %div3A_579 : vector<32x200xf32>
    %slice3A_601 = vector.extract_strided_slice %concatenate3A_167 {offsets = [0, 0], sizes = [32, 199], strides = [1, 1]} : vector<32x200xf32> to vector<32x199xf32>
    %concatenate3A_602 = tpu.concatenate %broadcast_in_dim3A_580, %slice3A_601 in 1 : vector<32x1xf32>, vector<32x199xf32> -> vector<32x200xf32>
    %slice3A_603 = vector.extract_strided_slice %concatenate3A_134 {offsets = [0, 0], sizes = [32, 199], strides = [1, 1]} : vector<32x200xf32> to vector<32x199xf32>
    %concatenate3A_604 = tpu.concatenate %broadcast_in_dim3A_580, %slice3A_603 in 1 : vector<32x1xf32>, vector<32x199xf32> -> vector<32x200xf32>
    %slice3A_605 = vector.extract_strided_slice %mul3A_583 {offsets = [0, 0], sizes = [1, 200], strides = [1, 1]} : vector<32x200xf32> to vector<1x200xf32>
    %slice3A_606 = vector.extract_strided_slice %mul3A_586 {offsets = [0, 0], sizes = [1, 200], strides = [1, 1]} : vector<32x200xf32> to vector<1x200xf32>
    %slice3A_607 = vector.extract_strided_slice %mul3A_589 {offsets = [0, 0], sizes = [1, 200], strides = [1, 1]} : vector<32x200xf32> to vector<1x200xf32>
    %slice3A_608 = vector.extract_strided_slice %mul3A_592 {offsets = [0, 0], sizes = [1, 200], strides = [1, 1]} : vector<32x200xf32> to vector<1x200xf32>
    %slice3A_609 = vector.extract_strided_slice %mul3A_593 {offsets = [0, 0], sizes = [1, 200], strides = [1, 1]} : vector<32x200xf32> to vector<1x200xf32>
    %slice3A_610 = vector.extract_strided_slice %mul3A_596 {offsets = [0, 0], sizes = [1, 200], strides = [1, 1]} : vector<32x200xf32> to vector<1x200xf32>
    %slice3A_611 = vector.extract_strided_slice %mul3A_599 {offsets = [0, 0], sizes = [1, 200], strides = [1, 1]} : vector<32x200xf32> to vector<1x200xf32>
    %slice3A_612 = vector.extract_strided_slice %mul3A_600 {offsets = [0, 0], sizes = [1, 200], strides = [1, 1]} : vector<32x200xf32> to vector<1x200xf32>
    %slice3A_613 = vector.extract_strided_slice %concatenate3A_602 {offsets = [0, 0], sizes = [1, 200], strides = [1, 1]} : vector<32x200xf32> to vector<1x200xf32>
    %slice3A_614 = vector.extract_strided_slice %concatenate3A_604 {offsets = [0, 0], sizes = [1, 200], strides = [1, 1]} : vector<32x200xf32> to vector<1x200xf32>
    %concatenate3A_615 = tpu.concatenate %slice3A_605, %slice3A_606, %slice3A_607, %slice3A_608, %slice3A_609, %slice3A_610, %slice3A_611, %slice3A_612, %slice3A_613, %slice3A_614 in 0 : vector<1x200xf32>, vector<1x200xf32>, vector<1x200xf32>, vector<1x200xf32>, vector<1x200xf32>, vector<1x200xf32>, vector<1x200xf32>, vector<1x200xf32>, vector<1x200xf32>, vector<1x200xf32> -> vector<10x200xf32>
    %transpose3A_616 = tpu.transpose %concatenate3A_615, [1, 0] : vector<10x200xf32> -> vector<200x10xf32>
    %slice3A_617 = vector.extract_strided_slice %mul3A_583 {offsets = [1, 0], sizes = [1, 200], strides = [1, 1]} : vector<32x200xf32> to vector<1x200xf32>
    %slice3A_618 = vector.extract_strided_slice %mul3A_586 {offsets = [1, 0], sizes = [1, 200], strides = [1, 1]} : vector<32x200xf32> to vector<1x200xf32>
    %slice3A_619 = vector.extract_strided_slice %mul3A_589 {offsets = [1, 0], sizes = [1, 200], strides = [1, 1]} : vector<32x200xf32> to vector<1x200xf32>
    %slice3A_620 = vector.extract_strided_slice %mul3A_592 {offsets = [1, 0], sizes = [1, 200], strides = [1, 1]} : vector<32x200xf32> to vector<1x200xf32>
    %slice3A_621 = vector.extract_strided_slice %mul3A_593 {offsets = [1, 0], sizes = [1, 200], strides = [1, 1]} : vector<32x200xf32> to vector<1x200xf32>
    %slice3A_622 = vector.extract_strided_slice %mul3A_596 {offsets = [1, 0], sizes = [1, 200], strides = [1, 1]} : vector<32x200xf32> to vector<1x200xf32>
    %slice3A_623 = vector.extract_strided_slice %mul3A_599 {offsets = [1, 0], sizes = [1, 200], strides = [1, 1]} : vector<32x200xf32> to vector<1x200xf32>
    %slice3A_624 = vector.extract_strided_slice %mul3A_600 {offsets = [1, 0], sizes = [1, 200], strides = [1, 1]} : vector<32x200xf32> to vector<1x200xf32>
    %slice3A_625 = vector.extract_strided_slice %concatenate3A_602 {offsets = [1, 0], sizes = [1, 200], strides = [1, 1]} : vector<32x200xf32> to vector<1x200xf32>
    %slice3A_626 = vector.extract_strided_slice %concatenate3A_604 {offsets = [1, 0], sizes = [1, 200], strides = [1, 1]} : vector<32x200xf32> to vector<1x200xf32>
    %concatenate3A_627 = tpu.concatenate %slice3A_617, %slice3A_618, %slice3A_619, %slice3A_620, %slice3A_621, %slice3A_622, %slice3A_623, %slice3A_624, %slice3A_625, %slice3A_626 in 0 : vector<1x200xf32>, vector<1x200xf32>, vector<1x200xf32>, vector<1x200xf32>, vector<1x200xf32>, vector<1x200xf32>, vector<1x200xf32>, vector<1x200xf32>, vector<1x200xf32>, vector<1x200xf32> -> vector<10x200xf32>
    %transpose3A_628 = tpu.transpose %concatenate3A_627, [1, 0] : vector<10x200xf32> -> vector<200x10xf32>
    %slice3A_629 = vector.extract_strided_slice %mul3A_583 {offsets = [2, 0], sizes = [1, 200], strides = [1, 1]} : vector<32x200xf32> to vector<1x200xf32>
    %slice3A_630 = vector.extract_strided_slice %mul3A_586 {offsets = [2, 0], sizes = [1, 200], strides = [1, 1]} : vector<32x200xf32> to vector<1x200xf32>
    %slice3A_631 = vector.extract_strided_slice %mul3A_589 {offsets = [2, 0], sizes = [1, 200], strides = [1, 1]} : vector<32x200xf32> to vector<1x200xf32>
    %slice3A_632 = vector.extract_strided_slice %mul3A_592 {offsets = [2, 0], sizes = [1, 200], strides = [1, 1]} : vector<32x200xf32> to vector<1x200xf32>
    %slice3A_633 = vector.extract_strided_slice %mul3A_593 {offsets = [2, 0], sizes = [1, 200], strides = [1, 1]} : vector<32x200xf32> to vector<1x200xf32>
    %slice3A_634 = vector.extract_strided_slice %mul3A_596 {offsets = [2, 0], sizes = [1, 200], strides = [1, 1]} : vector<32x200xf32> to vector<1x200xf32>
    %slice3A_635 = vector.extract_strided_slice %mul3A_599 {offsets = [2, 0], sizes = [1, 200], strides = [1, 1]} : vector<32x200xf32> to vector<1x200xf32>
    %slice3A_636 = vector.extract_strided_slice %mul3A_600 {offsets = [2, 0], sizes = [1, 200], strides = [1, 1]} : vector<32x200xf32> to vector<1x200xf32>
    %slice3A_637 = vector.extract_strided_slice %concatenate3A_602 {offsets = [2, 0], sizes = [1, 200], strides = [1, 1]} : vector<32x200xf32> to vector<1x200xf32>
    %slice3A_638 = vector.extract_strided_slice %concatenate3A_604 {offsets = [2, 0], sizes = [1, 200], strides = [1, 1]} : vector<32x200xf32> to vector<1x200xf32>
    %concatenate3A_639 = tpu.concatenate %slice3A_629, %slice3A_630, %slice3A_631, %slice3A_632, %slice3A_633, %slice3A_634, %slice3A_635, %slice3A_636, %slice3A_637, %slice3A_638 in 0 : vector<1x200xf32>, vector<1x200xf32>, vector<1x200xf32>, vector<1x200xf32>, vector<1x200xf32>, vector<1x200xf32>, vector<1x200xf32>, vector<1x200xf32>, vector<1x200xf32>, vector<1x200xf32> -> vector<10x200xf32>
    %transpose3A_640 = tpu.transpose %concatenate3A_639, [1, 0] : vector<10x200xf32> -> vector<200x10xf32>
    %slice3A_641 = vector.extract_strided_slice %mul3A_583 {offsets = [3, 0], sizes = [1, 200], strides = [1, 1]} : vector<32x200xf32> to vector<1x200xf32>
    %slice3A_642 = vector.extract_strided_slice %mul3A_586 {offsets = [3, 0], sizes = [1, 200], strides = [1, 1]} : vector<32x200xf32> to vector<1x200xf32>
    %slice3A_643 = vector.extract_strided_slice %mul3A_589 {offsets = [3, 0], sizes = [1, 200], strides = [1, 1]} : vector<32x200xf32> to vector<1x200xf32>
    %slice3A_644 = vector.extract_strided_slice %mul3A_592 {offsets = [3, 0], sizes = [1, 200], strides = [1, 1]} : vector<32x200xf32> to vector<1x200xf32>
    %slice3A_645 = vector.extract_strided_slice %mul3A_593 {offsets = [3, 0], sizes = [1, 200], strides = [1, 1]} : vector<32x200xf32> to vector<1x200xf32>
    %slice3A_646 = vector.extract_strided_slice %mul3A_596 {offsets = [3, 0], sizes = [1, 200], strides = [1, 1]} : vector<32x200xf32> to vector<1x200xf32>
    %slice3A_647 = vector.extract_strided_slice %mul3A_599 {offsets = [3, 0], sizes = [1, 200], strides = [1, 1]} : vector<32x200xf32> to vector<1x200xf32>
    %slice3A_648 = vector.extract_strided_slice %mul3A_600 {offsets = [3, 0], sizes = [1, 200], strides = [1, 1]} : vector<32x200xf32> to vector<1x200xf32>
    %slice3A_649 = vector.extract_strided_slice %concatenate3A_602 {offsets = [3, 0], sizes = [1, 200], strides = [1, 1]} : vector<32x200xf32> to vector<1x200xf32>
    %slice3A_650 = vector.extract_strided_slice %concatenate3A_604 {offsets = [3, 0], sizes = [1, 200], strides = [1, 1]} : vector<32x200xf32> to vector<1x200xf32>
    %concatenate3A_651 = tpu.concatenate %slice3A_641, %slice3A_642, %slice3A_643, %slice3A_644, %slice3A_645, %slice3A_646, %slice3A_647, %slice3A_648, %slice3A_649, %slice3A_650 in 0 : vector<1x200xf32>, vector<1x200xf32>, vector<1x200xf32>, vector<1x200xf32>, vector<1x200xf32>, vector<1x200xf32>, vector<1x200xf32>, vector<1x200xf32>, vector<1x200xf32>, vector<1x200xf32> -> vector<10x200xf32>
    %transpose3A_652 = tpu.transpose %concatenate3A_651, [1, 0] : vector<10x200xf32> -> vector<200x10xf32>
    %slice3A_653 = vector.extract_strided_slice %mul3A_583 {offsets = [4, 0], sizes = [1, 200], strides = [1, 1]} : vector<32x200xf32> to vector<1x200xf32>
    %slice3A_654 = vector.extract_strided_slice %mul3A_586 {offsets = [4, 0], sizes = [1, 200], strides = [1, 1]} : vector<32x200xf32> to vector<1x200xf32>
    %slice3A_655 = vector.extract_strided_slice %mul3A_589 {offsets = [4, 0], sizes = [1, 200], strides = [1, 1]} : vector<32x200xf32> to vector<1x200xf32>
    %slice3A_656 = vector.extract_strided_slice %mul3A_592 {offsets = [4, 0], sizes = [1, 200], strides = [1, 1]} : vector<32x200xf32> to vector<1x200xf32>
    %slice3A_657 = vector.extract_strided_slice %mul3A_593 {offsets = [4, 0], sizes = [1, 200], strides = [1, 1]} : vector<32x200xf32> to vector<1x200xf32>
    %slice3A_658 = vector.extract_strided_slice %mul3A_596 {offsets = [4, 0], sizes = [1, 200], strides = [1, 1]} : vector<32x200xf32> to vector<1x200xf32>
    %slice3A_659 = vector.extract_strided_slice %mul3A_599 {offsets = [4, 0], sizes = [1, 200], strides = [1, 1]} : vector<32x200xf32> to vector<1x200xf32>
    %slice3A_660 = vector.extract_strided_slice %mul3A_600 {offsets = [4, 0], sizes = [1, 200], strides = [1, 1]} : vector<32x200xf32> to vector<1x200xf32>
    %slice3A_661 = vector.extract_strided_slice %concatenate3A_602 {offsets = [4, 0], sizes = [1, 200], strides = [1, 1]} : vector<32x200xf32> to vector<1x200xf32>
    %slice3A_662 = vector.extract_strided_slice %concatenate3A_604 {offsets = [4, 0], sizes = [1, 200], strides = [1, 1]} : vector<32x200xf32> to vector<1x200xf32>
    %concatenate3A_663 = tpu.concatenate %slice3A_653, %slice3A_654, %slice3A_655, %slice3A_656, %slice3A_657, %slice3A_658, %slice3A_659, %slice3A_660, %slice3A_661, %slice3A_662 in 0 : vector<1x200xf32>, vector<1x200xf32>, vector<1x200xf32>, vector<1x200xf32>, vector<1x200xf32>, vector<1x200xf32>, vector<1x200xf32>, vector<1x200xf32>, vector<1x200xf32>, vector<1x200xf32> -> vector<10x200xf32>
    %transpose3A_664 = tpu.transpose %concatenate3A_663, [1, 0] : vector<10x200xf32> -> vector<200x10xf32>
    %slice3A_665 = vector.extract_strided_slice %mul3A_583 {offsets = [5, 0], sizes = [1, 200], strides = [1, 1]} : vector<32x200xf32> to vector<1x200xf32>
    %slice3A_666 = vector.extract_strided_slice %mul3A_586 {offsets = [5, 0], sizes = [1, 200], strides = [1, 1]} : vector<32x200xf32> to vector<1x200xf32>
    %slice3A_667 = vector.extract_strided_slice %mul3A_589 {offsets = [5, 0], sizes = [1, 200], strides = [1, 1]} : vector<32x200xf32> to vector<1x200xf32>
    %slice3A_668 = vector.extract_strided_slice %mul3A_592 {offsets = [5, 0], sizes = [1, 200], strides = [1, 1]} : vector<32x200xf32> to vector<1x200xf32>
    %slice3A_669 = vector.extract_strided_slice %mul3A_593 {offsets = [5, 0], sizes = [1, 200], strides = [1, 1]} : vector<32x200xf32> to vector<1x200xf32>
    %slice3A_670 = vector.extract_strided_slice %mul3A_596 {offsets = [5, 0], sizes = [1, 200], strides = [1, 1]} : vector<32x200xf32> to vector<1x200xf32>
    %slice3A_671 = vector.extract_strided_slice %mul3A_599 {offsets = [5, 0], sizes = [1, 200], strides = [1, 1]} : vector<32x200xf32> to vector<1x200xf32>
    %slice3A_672 = vector.extract_strided_slice %mul3A_600 {offsets = [5, 0], sizes = [1, 200], strides = [1, 1]} : vector<32x200xf32> to vector<1x200xf32>
    %slice3A_673 = vector.extract_strided_slice %concatenate3A_602 {offsets = [5, 0], sizes = [1, 200], strides = [1, 1]} : vector<32x200xf32> to vector<1x200xf32>
    %slice3A_674 = vector.extract_strided_slice %concatenate3A_604 {offsets = [5, 0], sizes = [1, 200], strides = [1, 1]} : vector<32x200xf32> to vector<1x200xf32>
    %concatenate3A_675 = tpu.concatenate %slice3A_665, %slice3A_666, %slice3A_667, %slice3A_668, %slice3A_669, %slice3A_670, %slice3A_671, %slice3A_672, %slice3A_673, %slice3A_674 in 0 : vector<1x200xf32>, vector<1x200xf32>, vector<1x200xf32>, vector<1x200xf32>, vector<1x200xf32>, vector<1x200xf32>, vector<1x200xf32>, vector<1x200xf32>, vector<1x200xf32>, vector<1x200xf32> -> vector<10x200xf32>
    %transpose3A_676 = tpu.transpose %concatenate3A_675, [1, 0] : vector<10x200xf32> -> vector<200x10xf32>
    %slice3A_677 = vector.extract_strided_slice %mul3A_583 {offsets = [6, 0], sizes = [1, 200], strides = [1, 1]} : vector<32x200xf32> to vector<1x200xf32>
    %slice3A_678 = vector.extract_strided_slice %mul3A_586 {offsets = [6, 0], sizes = [1, 200], strides = [1, 1]} : vector<32x200xf32> to vector<1x200xf32>
    %slice3A_679 = vector.extract_strided_slice %mul3A_589 {offsets = [6, 0], sizes = [1, 200], strides = [1, 1]} : vector<32x200xf32> to vector<1x200xf32>
    %slice3A_680 = vector.extract_strided_slice %mul3A_592 {offsets = [6, 0], sizes = [1, 200], strides = [1, 1]} : vector<32x200xf32> to vector<1x200xf32>
    %slice3A_681 = vector.extract_strided_slice %mul3A_593 {offsets = [6, 0], sizes = [1, 200], strides = [1, 1]} : vector<32x200xf32> to vector<1x200xf32>
    %slice3A_682 = vector.extract_strided_slice %mul3A_596 {offsets = [6, 0], sizes = [1, 200], strides = [1, 1]} : vector<32x200xf32> to vector<1x200xf32>
    %slice3A_683 = vector.extract_strided_slice %mul3A_599 {offsets = [6, 0], sizes = [1, 200], strides = [1, 1]} : vector<32x200xf32> to vector<1x200xf32>
    %slice3A_684 = vector.extract_strided_slice %mul3A_600 {offsets = [6, 0], sizes = [1, 200], strides = [1, 1]} : vector<32x200xf32> to vector<1x200xf32>
    %slice3A_685 = vector.extract_strided_slice %concatenate3A_602 {offsets = [6, 0], sizes = [1, 200], strides = [1, 1]} : vector<32x200xf32> to vector<1x200xf32>
    %slice3A_686 = vector.extract_strided_slice %concatenate3A_604 {offsets = [6, 0], sizes = [1, 200], strides = [1, 1]} : vector<32x200xf32> to vector<1x200xf32>
    %concatenate3A_687 = tpu.concatenate %slice3A_677, %slice3A_678, %slice3A_679, %slice3A_680, %slice3A_681, %slice3A_682, %slice3A_683, %slice3A_684, %slice3A_685, %slice3A_686 in 0 : vector<1x200xf32>, vector<1x200xf32>, vector<1x200xf32>, vector<1x200xf32>, vector<1x200xf32>, vector<1x200xf32>, vector<1x200xf32>, vector<1x200xf32>, vector<1x200xf32>, vector<1x200xf32> -> vector<10x200xf32>
    %transpose3A_688 = tpu.transpose %concatenate3A_687, [1, 0] : vector<10x200xf32> -> vector<200x10xf32>
    %slice3A_689 = vector.extract_strided_slice %mul3A_583 {offsets = [7, 0], sizes = [1, 200], strides = [1, 1]} : vector<32x200xf32> to vector<1x200xf32>
    %slice3A_690 = vector.extract_strided_slice %mul3A_586 {offsets = [7, 0], sizes = [1, 200], strides = [1, 1]} : vector<32x200xf32> to vector<1x200xf32>
    %slice3A_691 = vector.extract_strided_slice %mul3A_589 {offsets = [7, 0], sizes = [1, 200], strides = [1, 1]} : vector<32x200xf32> to vector<1x200xf32>
    %slice3A_692 = vector.extract_strided_slice %mul3A_592 {offsets = [7, 0], sizes = [1, 200], strides = [1, 1]} : vector<32x200xf32> to vector<1x200xf32>
    %slice3A_693 = vector.extract_strided_slice %mul3A_593 {offsets = [7, 0], sizes = [1, 200], strides = [1, 1]} : vector<32x200xf32> to vector<1x200xf32>
    %slice3A_694 = vector.extract_strided_slice %mul3A_596 {offsets = [7, 0], sizes = [1, 200], strides = [1, 1]} : vector<32x200xf32> to vector<1x200xf32>
    %slice3A_695 = vector.extract_strided_slice %mul3A_599 {offsets = [7, 0], sizes = [1, 200], strides = [1, 1]} : vector<32x200xf32> to vector<1x200xf32>
    %slice3A_696 = vector.extract_strided_slice %mul3A_600 {offsets = [7, 0], sizes = [1, 200], strides = [1, 1]} : vector<32x200xf32> to vector<1x200xf32>
    %slice3A_697 = vector.extract_strided_slice %concatenate3A_602 {offsets = [7, 0], sizes = [1, 200], strides = [1, 1]} : vector<32x200xf32> to vector<1x200xf32>
    %slice3A_698 = vector.extract_strided_slice %concatenate3A_604 {offsets = [7, 0], sizes = [1, 200], strides = [1, 1]} : vector<32x200xf32> to vector<1x200xf32>
    %concatenate3A_699 = tpu.concatenate %slice3A_689, %slice3A_690, %slice3A_691, %slice3A_692, %slice3A_693, %slice3A_694, %slice3A_695, %slice3A_696, %slice3A_697, %slice3A_698 in 0 : vector<1x200xf32>, vector<1x200xf32>, vector<1x200xf32>, vector<1x200xf32>, vector<1x200xf32>, vector<1x200xf32>, vector<1x200xf32>, vector<1x200xf32>, vector<1x200xf32>, vector<1x200xf32> -> vector<10x200xf32>
    %transpose3A_700 = tpu.transpose %concatenate3A_699, [1, 0] : vector<10x200xf32> -> vector<200x10xf32>
    %slice3A_701 = vector.extract_strided_slice %mul3A_583 {offsets = [8, 0], sizes = [1, 200], strides = [1, 1]} : vector<32x200xf32> to vector<1x200xf32>
    %slice3A_702 = vector.extract_strided_slice %mul3A_586 {offsets = [8, 0], sizes = [1, 200], strides = [1, 1]} : vector<32x200xf32> to vector<1x200xf32>
    %slice3A_703 = vector.extract_strided_slice %mul3A_589 {offsets = [8, 0], sizes = [1, 200], strides = [1, 1]} : vector<32x200xf32> to vector<1x200xf32>
    %slice3A_704 = vector.extract_strided_slice %mul3A_592 {offsets = [8, 0], sizes = [1, 200], strides = [1, 1]} : vector<32x200xf32> to vector<1x200xf32>
    %slice3A_705 = vector.extract_strided_slice %mul3A_593 {offsets = [8, 0], sizes = [1, 200], strides = [1, 1]} : vector<32x200xf32> to vector<1x200xf32>
    %slice3A_706 = vector.extract_strided_slice %mul3A_596 {offsets = [8, 0], sizes = [1, 200], strides = [1, 1]} : vector<32x200xf32> to vector<1x200xf32>
    %slice3A_707 = vector.extract_strided_slice %mul3A_599 {offsets = [8, 0], sizes = [1, 200], strides = [1, 1]} : vector<32x200xf32> to vector<1x200xf32>
    %slice3A_708 = vector.extract_strided_slice %mul3A_600 {offsets = [8, 0], sizes = [1, 200], strides = [1, 1]} : vector<32x200xf32> to vector<1x200xf32>
    %slice3A_709 = vector.extract_strided_slice %concatenate3A_602 {offsets = [8, 0], sizes = [1, 200], strides = [1, 1]} : vector<32x200xf32> to vector<1x200xf32>
    %slice3A_710 = vector.extract_strided_slice %concatenate3A_604 {offsets = [8, 0], sizes = [1, 200], strides = [1, 1]} : vector<32x200xf32> to vector<1x200xf32>
    %concatenate3A_711 = tpu.concatenate %slice3A_701, %slice3A_702, %slice3A_703, %slice3A_704, %slice3A_705, %slice3A_706, %slice3A_707, %slice3A_708, %slice3A_709, %slice3A_710 in 0 : vector<1x200xf32>, vector<1x200xf32>, vector<1x200xf32>, vector<1x200xf32>, vector<1x200xf32>, vector<1x200xf32>, vector<1x200xf32>, vector<1x200xf32>, vector<1x200xf32>, vector<1x200xf32> -> vector<10x200xf32>
    %transpose3A_712 = tpu.transpose %concatenate3A_711, [1, 0] : vector<10x200xf32> -> vector<200x10xf32>
    %slice3A_713 = vector.extract_strided_slice %mul3A_583 {offsets = [9, 0], sizes = [1, 200], strides = [1, 1]} : vector<32x200xf32> to vector<1x200xf32>
    %slice3A_714 = vector.extract_strided_slice %mul3A_586 {offsets = [9, 0], sizes = [1, 200], strides = [1, 1]} : vector<32x200xf32> to vector<1x200xf32>
    %slice3A_715 = vector.extract_strided_slice %mul3A_589 {offsets = [9, 0], sizes = [1, 200], strides = [1, 1]} : vector<32x200xf32> to vector<1x200xf32>
    %slice3A_716 = vector.extract_strided_slice %mul3A_592 {offsets = [9, 0], sizes = [1, 200], strides = [1, 1]} : vector<32x200xf32> to vector<1x200xf32>
    %slice3A_717 = vector.extract_strided_slice %mul3A_593 {offsets = [9, 0], sizes = [1, 200], strides = [1, 1]} : vector<32x200xf32> to vector<1x200xf32>
    %slice3A_718 = vector.extract_strided_slice %mul3A_596 {offsets = [9, 0], sizes = [1, 200], strides = [1, 1]} : vector<32x200xf32> to vector<1x200xf32>
    %slice3A_719 = vector.extract_strided_slice %mul3A_599 {offsets = [9, 0], sizes = [1, 200], strides = [1, 1]} : vector<32x200xf32> to vector<1x200xf32>
    %slice3A_720 = vector.extract_strided_slice %mul3A_600 {offsets = [9, 0], sizes = [1, 200], strides = [1, 1]} : vector<32x200xf32> to vector<1x200xf32>
    %slice3A_721 = vector.extract_strided_slice %concatenate3A_602 {offsets = [9, 0], sizes = [1, 200], strides = [1, 1]} : vector<32x200xf32> to vector<1x200xf32>
    %slice3A_722 = vector.extract_strided_slice %concatenate3A_604 {offsets = [9, 0], sizes = [1, 200], strides = [1, 1]} : vector<32x200xf32> to vector<1x200xf32>
    %concatenate3A_723 = tpu.concatenate %slice3A_713, %slice3A_714, %slice3A_715, %slice3A_716, %slice3A_717, %slice3A_718, %slice3A_719, %slice3A_720, %slice3A_721, %slice3A_722 in 0 : vector<1x200xf32>, vector<1x200xf32>, vector<1x200xf32>, vector<1x200xf32>, vector<1x200xf32>, vector<1x200xf32>, vector<1x200xf32>, vector<1x200xf32>, vector<1x200xf32>, vector<1x200xf32> -> vector<10x200xf32>
    %transpose3A_724 = tpu.transpose %concatenate3A_723, [1, 0] : vector<10x200xf32> -> vector<200x10xf32>
    %slice3A_725 = vector.extract_strided_slice %mul3A_583 {offsets = [10, 0], sizes = [1, 200], strides = [1, 1]} : vector<32x200xf32> to vector<1x200xf32>
    %slice3A_726 = vector.extract_strided_slice %mul3A_586 {offsets = [10, 0], sizes = [1, 200], strides = [1, 1]} : vector<32x200xf32> to vector<1x200xf32>
    %slice3A_727 = vector.extract_strided_slice %mul3A_589 {offsets = [10, 0], sizes = [1, 200], strides = [1, 1]} : vector<32x200xf32> to vector<1x200xf32>
    %slice3A_728 = vector.extract_strided_slice %mul3A_592 {offsets = [10, 0], sizes = [1, 200], strides = [1, 1]} : vector<32x200xf32> to vector<1x200xf32>
    %slice3A_729 = vector.extract_strided_slice %mul3A_593 {offsets = [10, 0], sizes = [1, 200], strides = [1, 1]} : vector<32x200xf32> to vector<1x200xf32>
    %slice3A_730 = vector.extract_strided_slice %mul3A_596 {offsets = [10, 0], sizes = [1, 200], strides = [1, 1]} : vector<32x200xf32> to vector<1x200xf32>
    %slice3A_731 = vector.extract_strided_slice %mul3A_599 {offsets = [10, 0], sizes = [1, 200], strides = [1, 1]} : vector<32x200xf32> to vector<1x200xf32>
    %slice3A_732 = vector.extract_strided_slice %mul3A_600 {offsets = [10, 0], sizes = [1, 200], strides = [1, 1]} : vector<32x200xf32> to vector<1x200xf32>
    %slice3A_733 = vector.extract_strided_slice %concatenate3A_602 {offsets = [10, 0], sizes = [1, 200], strides = [1, 1]} : vector<32x200xf32> to vector<1x200xf32>
    %slice3A_734 = vector.extract_strided_slice %concatenate3A_604 {offsets = [10, 0], sizes = [1, 200], strides = [1, 1]} : vector<32x200xf32> to vector<1x200xf32>
    %concatenate3A_735 = tpu.concatenate %slice3A_725, %slice3A_726, %slice3A_727, %slice3A_728, %slice3A_729, %slice3A_730, %slice3A_731, %slice3A_732, %slice3A_733, %slice3A_734 in 0 : vector<1x200xf32>, vector<1x200xf32>, vector<1x200xf32>, vector<1x200xf32>, vector<1x200xf32>, vector<1x200xf32>, vector<1x200xf32>, vector<1x200xf32>, vector<1x200xf32>, vector<1x200xf32> -> vector<10x200xf32>
    %transpose3A_736 = tpu.transpose %concatenate3A_735, [1, 0] : vector<10x200xf32> -> vector<200x10xf32>
    %slice3A_737 = vector.extract_strided_slice %mul3A_583 {offsets = [11, 0], sizes = [1, 200], strides = [1, 1]} : vector<32x200xf32> to vector<1x200xf32>
    %slice3A_738 = vector.extract_strided_slice %mul3A_586 {offsets = [11, 0], sizes = [1, 200], strides = [1, 1]} : vector<32x200xf32> to vector<1x200xf32>
    %slice3A_739 = vector.extract_strided_slice %mul3A_589 {offsets = [11, 0], sizes = [1, 200], strides = [1, 1]} : vector<32x200xf32> to vector<1x200xf32>
    %slice3A_740 = vector.extract_strided_slice %mul3A_592 {offsets = [11, 0], sizes = [1, 200], strides = [1, 1]} : vector<32x200xf32> to vector<1x200xf32>
    %slice3A_741 = vector.extract_strided_slice %mul3A_593 {offsets = [11, 0], sizes = [1, 200], strides = [1, 1]} : vector<32x200xf32> to vector<1x200xf32>
    %slice3A_742 = vector.extract_strided_slice %mul3A_596 {offsets = [11, 0], sizes = [1, 200], strides = [1, 1]} : vector<32x200xf32> to vector<1x200xf32>
    %slice3A_743 = vector.extract_strided_slice %mul3A_599 {offsets = [11, 0], sizes = [1, 200], strides = [1, 1]} : vector<32x200xf32> to vector<1x200xf32>
    %slice3A_744 = vector.extract_strided_slice %mul3A_600 {offsets = [11, 0], sizes = [1, 200], strides = [1, 1]} : vector<32x200xf32> to vector<1x200xf32>
    %slice3A_745 = vector.extract_strided_slice %concatenate3A_602 {offsets = [11, 0], sizes = [1, 200], strides = [1, 1]} : vector<32x200xf32> to vector<1x200xf32>
    %slice3A_746 = vector.extract_strided_slice %concatenate3A_604 {offsets = [11, 0], sizes = [1, 200], strides = [1, 1]} : vector<32x200xf32> to vector<1x200xf32>
    %concatenate3A_747 = tpu.concatenate %slice3A_737, %slice3A_738, %slice3A_739, %slice3A_740, %slice3A_741, %slice3A_742, %slice3A_743, %slice3A_744, %slice3A_745, %slice3A_746 in 0 : vector<1x200xf32>, vector<1x200xf32>, vector<1x200xf32>, vector<1x200xf32>, vector<1x200xf32>, vector<1x200xf32>, vector<1x200xf32>, vector<1x200xf32>, vector<1x200xf32>, vector<1x200xf32> -> vector<10x200xf32>
    %transpose3A_748 = tpu.transpose %concatenate3A_747, [1, 0] : vector<10x200xf32> -> vector<200x10xf32>
    %slice3A_749 = vector.extract_strided_slice %mul3A_583 {offsets = [12, 0], sizes = [1, 200], strides = [1, 1]} : vector<32x200xf32> to vector<1x200xf32>
    %slice3A_750 = vector.extract_strided_slice %mul3A_586 {offsets = [12, 0], sizes = [1, 200], strides = [1, 1]} : vector<32x200xf32> to vector<1x200xf32>
    %slice3A_751 = vector.extract_strided_slice %mul3A_589 {offsets = [12, 0], sizes = [1, 200], strides = [1, 1]} : vector<32x200xf32> to vector<1x200xf32>
    %slice3A_752 = vector.extract_strided_slice %mul3A_592 {offsets = [12, 0], sizes = [1, 200], strides = [1, 1]} : vector<32x200xf32> to vector<1x200xf32>
    %slice3A_753 = vector.extract_strided_slice %mul3A_593 {offsets = [12, 0], sizes = [1, 200], strides = [1, 1]} : vector<32x200xf32> to vector<1x200xf32>
    %slice3A_754 = vector.extract_strided_slice %mul3A_596 {offsets = [12, 0], sizes = [1, 200], strides = [1, 1]} : vector<32x200xf32> to vector<1x200xf32>
    %slice3A_755 = vector.extract_strided_slice %mul3A_599 {offsets = [12, 0], sizes = [1, 200], strides = [1, 1]} : vector<32x200xf32> to vector<1x200xf32>
    %slice3A_756 = vector.extract_strided_slice %mul3A_600 {offsets = [12, 0], sizes = [1, 200], strides = [1, 1]} : vector<32x200xf32> to vector<1x200xf32>
    %slice3A_757 = vector.extract_strided_slice %concatenate3A_602 {offsets = [12, 0], sizes = [1, 200], strides = [1, 1]} : vector<32x200xf32> to vector<1x200xf32>
    %slice3A_758 = vector.extract_strided_slice %concatenate3A_604 {offsets = [12, 0], sizes = [1, 200], strides = [1, 1]} : vector<32x200xf32> to vector<1x200xf32>
    %concatenate3A_759 = tpu.concatenate %slice3A_749, %slice3A_750, %slice3A_751, %slice3A_752, %slice3A_753, %slice3A_754, %slice3A_755, %slice3A_756, %slice3A_757, %slice3A_758 in 0 : vector<1x200xf32>, vector<1x200xf32>, vector<1x200xf32>, vector<1x200xf32>, vector<1x200xf32>, vector<1x200xf32>, vector<1x200xf32>, vector<1x200xf32>, vector<1x200xf32>, vector<1x200xf32> -> vector<10x200xf32>
    %transpose3A_760 = tpu.transpose %concatenate3A_759, [1, 0] : vector<10x200xf32> -> vector<200x10xf32>
    %slice3A_761 = vector.extract_strided_slice %mul3A_583 {offsets = [13, 0], sizes = [1, 200], strides = [1, 1]} : vector<32x200xf32> to vector<1x200xf32>
    %slice3A_762 = vector.extract_strided_slice %mul3A_586 {offsets = [13, 0], sizes = [1, 200], strides = [1, 1]} : vector<32x200xf32> to vector<1x200xf32>
    %slice3A_763 = vector.extract_strided_slice %mul3A_589 {offsets = [13, 0], sizes = [1, 200], strides = [1, 1]} : vector<32x200xf32> to vector<1x200xf32>
    %slice3A_764 = vector.extract_strided_slice %mul3A_592 {offsets = [13, 0], sizes = [1, 200], strides = [1, 1]} : vector<32x200xf32> to vector<1x200xf32>
    %slice3A_765 = vector.extract_strided_slice %mul3A_593 {offsets = [13, 0], sizes = [1, 200], strides = [1, 1]} : vector<32x200xf32> to vector<1x200xf32>
    %slice3A_766 = vector.extract_strided_slice %mul3A_596 {offsets = [13, 0], sizes = [1, 200], strides = [1, 1]} : vector<32x200xf32> to vector<1x200xf32>
    %slice3A_767 = vector.extract_strided_slice %mul3A_599 {offsets = [13, 0], sizes = [1, 200], strides = [1, 1]} : vector<32x200xf32> to vector<1x200xf32>
    %slice3A_768 = vector.extract_strided_slice %mul3A_600 {offsets = [13, 0], sizes = [1, 200], strides = [1, 1]} : vector<32x200xf32> to vector<1x200xf32>
    %slice3A_769 = vector.extract_strided_slice %concatenate3A_602 {offsets = [13, 0], sizes = [1, 200], strides = [1, 1]} : vector<32x200xf32> to vector<1x200xf32>
    %slice3A_770 = vector.extract_strided_slice %concatenate3A_604 {offsets = [13, 0], sizes = [1, 200], strides = [1, 1]} : vector<32x200xf32> to vector<1x200xf32>
    %concatenate3A_771 = tpu.concatenate %slice3A_761, %slice3A_762, %slice3A_763, %slice3A_764, %slice3A_765, %slice3A_766, %slice3A_767, %slice3A_768, %slice3A_769, %slice3A_770 in 0 : vector<1x200xf32>, vector<1x200xf32>, vector<1x200xf32>, vector<1x200xf32>, vector<1x200xf32>, vector<1x200xf32>, vector<1x200xf32>, vector<1x200xf32>, vector<1x200xf32>, vector<1x200xf32> -> vector<10x200xf32>
    %transpose3A_772 = tpu.transpose %concatenate3A_771, [1, 0] : vector<10x200xf32> -> vector<200x10xf32>
    %slice3A_773 = vector.extract_strided_slice %mul3A_583 {offsets = [14, 0], sizes = [1, 200], strides = [1, 1]} : vector<32x200xf32> to vector<1x200xf32>
    %slice3A_774 = vector.extract_strided_slice %mul3A_586 {offsets = [14, 0], sizes = [1, 200], strides = [1, 1]} : vector<32x200xf32> to vector<1x200xf32>
    %slice3A_775 = vector.extract_strided_slice %mul3A_589 {offsets = [14, 0], sizes = [1, 200], strides = [1, 1]} : vector<32x200xf32> to vector<1x200xf32>
    %slice3A_776 = vector.extract_strided_slice %mul3A_592 {offsets = [14, 0], sizes = [1, 200], strides = [1, 1]} : vector<32x200xf32> to vector<1x200xf32>
    %slice3A_777 = vector.extract_strided_slice %mul3A_593 {offsets = [14, 0], sizes = [1, 200], strides = [1, 1]} : vector<32x200xf32> to vector<1x200xf32>
    %slice3A_778 = vector.extract_strided_slice %mul3A_596 {offsets = [14, 0], sizes = [1, 200], strides = [1, 1]} : vector<32x200xf32> to vector<1x200xf32>
    %slice3A_779 = vector.extract_strided_slice %mul3A_599 {offsets = [14, 0], sizes = [1, 200], strides = [1, 1]} : vector<32x200xf32> to vector<1x200xf32>
    %slice3A_780 = vector.extract_strided_slice %mul3A_600 {offsets = [14, 0], sizes = [1, 200], strides = [1, 1]} : vector<32x200xf32> to vector<1x200xf32>
    %slice3A_781 = vector.extract_strided_slice %concatenate3A_602 {offsets = [14, 0], sizes = [1, 200], strides = [1, 1]} : vector<32x200xf32> to vector<1x200xf32>
    %slice3A_782 = vector.extract_strided_slice %concatenate3A_604 {offsets = [14, 0], sizes = [1, 200], strides = [1, 1]} : vector<32x200xf32> to vector<1x200xf32>
    %concatenate3A_783 = tpu.concatenate %slice3A_773, %slice3A_774, %slice3A_775, %slice3A_776, %slice3A_777, %slice3A_778, %slice3A_779, %slice3A_780, %slice3A_781, %slice3A_782 in 0 : vector<1x200xf32>, vector<1x200xf32>, vector<1x200xf32>, vector<1x200xf32>, vector<1x200xf32>, vector<1x200xf32>, vector<1x200xf32>, vector<1x200xf32>, vector<1x200xf32>, vector<1x200xf32> -> vector<10x200xf32>
    %transpose3A_784 = tpu.transpose %concatenate3A_783, [1, 0] : vector<10x200xf32> -> vector<200x10xf32>
    %slice3A_785 = vector.extract_strided_slice %mul3A_583 {offsets = [15, 0], sizes = [1, 200], strides = [1, 1]} : vector<32x200xf32> to vector<1x200xf32>
    %slice3A_786 = vector.extract_strided_slice %mul3A_586 {offsets = [15, 0], sizes = [1, 200], strides = [1, 1]} : vector<32x200xf32> to vector<1x200xf32>
    %slice3A_787 = vector.extract_strided_slice %mul3A_589 {offsets = [15, 0], sizes = [1, 200], strides = [1, 1]} : vector<32x200xf32> to vector<1x200xf32>
    %slice3A_788 = vector.extract_strided_slice %mul3A_592 {offsets = [15, 0], sizes = [1, 200], strides = [1, 1]} : vector<32x200xf32> to vector<1x200xf32>
    %slice3A_789 = vector.extract_strided_slice %mul3A_593 {offsets = [15, 0], sizes = [1, 200], strides = [1, 1]} : vector<32x200xf32> to vector<1x200xf32>
    %slice3A_790 = vector.extract_strided_slice %mul3A_596 {offsets = [15, 0], sizes = [1, 200], strides = [1, 1]} : vector<32x200xf32> to vector<1x200xf32>
    %slice3A_791 = vector.extract_strided_slice %mul3A_599 {offsets = [15, 0], sizes = [1, 200], strides = [1, 1]} : vector<32x200xf32> to vector<1x200xf32>
    %slice3A_792 = vector.extract_strided_slice %mul3A_600 {offsets = [15, 0], sizes = [1, 200], strides = [1, 1]} : vector<32x200xf32> to vector<1x200xf32>
    %slice3A_793 = vector.extract_strided_slice %concatenate3A_602 {offsets = [15, 0], sizes = [1, 200], strides = [1, 1]} : vector<32x200xf32> to vector<1x200xf32>
    %slice3A_794 = vector.extract_strided_slice %concatenate3A_604 {offsets = [15, 0], sizes = [1, 200], strides = [1, 1]} : vector<32x200xf32> to vector<1x200xf32>
    %concatenate3A_795 = tpu.concatenate %slice3A_785, %slice3A_786, %slice3A_787, %slice3A_788, %slice3A_789, %slice3A_790, %slice3A_791, %slice3A_792, %slice3A_793, %slice3A_794 in 0 : vector<1x200xf32>, vector<1x200xf32>, vector<1x200xf32>, vector<1x200xf32>, vector<1x200xf32>, vector<1x200xf32>, vector<1x200xf32>, vector<1x200xf32>, vector<1x200xf32>, vector<1x200xf32> -> vector<10x200xf32>
    %transpose3A_796 = tpu.transpose %concatenate3A_795, [1, 0] : vector<10x200xf32> -> vector<200x10xf32>
    %slice3A_797 = vector.extract_strided_slice %mul3A_583 {offsets = [16, 0], sizes = [1, 200], strides = [1, 1]} : vector<32x200xf32> to vector<1x200xf32>
    %slice3A_798 = vector.extract_strided_slice %mul3A_586 {offsets = [16, 0], sizes = [1, 200], strides = [1, 1]} : vector<32x200xf32> to vector<1x200xf32>
    %slice3A_799 = vector.extract_strided_slice %mul3A_589 {offsets = [16, 0], sizes = [1, 200], strides = [1, 1]} : vector<32x200xf32> to vector<1x200xf32>
    %slice3A_800 = vector.extract_strided_slice %mul3A_592 {offsets = [16, 0], sizes = [1, 200], strides = [1, 1]} : vector<32x200xf32> to vector<1x200xf32>
    %slice3A_801 = vector.extract_strided_slice %mul3A_593 {offsets = [16, 0], sizes = [1, 200], strides = [1, 1]} : vector<32x200xf32> to vector<1x200xf32>
    %slice3A_802 = vector.extract_strided_slice %mul3A_596 {offsets = [16, 0], sizes = [1, 200], strides = [1, 1]} : vector<32x200xf32> to vector<1x200xf32>
    %slice3A_803 = vector.extract_strided_slice %mul3A_599 {offsets = [16, 0], sizes = [1, 200], strides = [1, 1]} : vector<32x200xf32> to vector<1x200xf32>
    %slice3A_804 = vector.extract_strided_slice %mul3A_600 {offsets = [16, 0], sizes = [1, 200], strides = [1, 1]} : vector<32x200xf32> to vector<1x200xf32>
    %slice3A_805 = vector.extract_strided_slice %concatenate3A_602 {offsets = [16, 0], sizes = [1, 200], strides = [1, 1]} : vector<32x200xf32> to vector<1x200xf32>
    %slice3A_806 = vector.extract_strided_slice %concatenate3A_604 {offsets = [16, 0], sizes = [1, 200], strides = [1, 1]} : vector<32x200xf32> to vector<1x200xf32>
    %concatenate3A_807 = tpu.concatenate %slice3A_797, %slice3A_798, %slice3A_799, %slice3A_800, %slice3A_801, %slice3A_802, %slice3A_803, %slice3A_804, %slice3A_805, %slice3A_806 in 0 : vector<1x200xf32>, vector<1x200xf32>, vector<1x200xf32>, vector<1x200xf32>, vector<1x200xf32>, vector<1x200xf32>, vector<1x200xf32>, vector<1x200xf32>, vector<1x200xf32>, vector<1x200xf32> -> vector<10x200xf32>
    %transpose3A_808 = tpu.transpose %concatenate3A_807, [1, 0] : vector<10x200xf32> -> vector<200x10xf32>
    %slice3A_809 = vector.extract_strided_slice %mul3A_583 {offsets = [17, 0], sizes = [1, 200], strides = [1, 1]} : vector<32x200xf32> to vector<1x200xf32>
    %slice3A_810 = vector.extract_strided_slice %mul3A_586 {offsets = [17, 0], sizes = [1, 200], strides = [1, 1]} : vector<32x200xf32> to vector<1x200xf32>
    %slice3A_811 = vector.extract_strided_slice %mul3A_589 {offsets = [17, 0], sizes = [1, 200], strides = [1, 1]} : vector<32x200xf32> to vector<1x200xf32>
    %slice3A_812 = vector.extract_strided_slice %mul3A_592 {offsets = [17, 0], sizes = [1, 200], strides = [1, 1]} : vector<32x200xf32> to vector<1x200xf32>
    %slice3A_813 = vector.extract_strided_slice %mul3A_593 {offsets = [17, 0], sizes = [1, 200], strides = [1, 1]} : vector<32x200xf32> to vector<1x200xf32>
    %slice3A_814 = vector.extract_strided_slice %mul3A_596 {offsets = [17, 0], sizes = [1, 200], strides = [1, 1]} : vector<32x200xf32> to vector<1x200xf32>
    %slice3A_815 = vector.extract_strided_slice %mul3A_599 {offsets = [17, 0], sizes = [1, 200], strides = [1, 1]} : vector<32x200xf32> to vector<1x200xf32>
    %slice3A_816 = vector.extract_strided_slice %mul3A_600 {offsets = [17, 0], sizes = [1, 200], strides = [1, 1]} : vector<32x200xf32> to vector<1x200xf32>
    %slice3A_817 = vector.extract_strided_slice %concatenate3A_602 {offsets = [17, 0], sizes = [1, 200], strides = [1, 1]} : vector<32x200xf32> to vector<1x200xf32>
    %slice3A_818 = vector.extract_strided_slice %concatenate3A_604 {offsets = [17, 0], sizes = [1, 200], strides = [1, 1]} : vector<32x200xf32> to vector<1x200xf32>
    %concatenate3A_819 = tpu.concatenate %slice3A_809, %slice3A_810, %slice3A_811, %slice3A_812, %slice3A_813, %slice3A_814, %slice3A_815, %slice3A_816, %slice3A_817, %slice3A_818 in 0 : vector<1x200xf32>, vector<1x200xf32>, vector<1x200xf32>, vector<1x200xf32>, vector<1x200xf32>, vector<1x200xf32>, vector<1x200xf32>, vector<1x200xf32>, vector<1x200xf32>, vector<1x200xf32> -> vector<10x200xf32>
    %transpose3A_820 = tpu.transpose %concatenate3A_819, [1, 0] : vector<10x200xf32> -> vector<200x10xf32>
    %slice3A_821 = vector.extract_strided_slice %mul3A_583 {offsets = [18, 0], sizes = [1, 200], strides = [1, 1]} : vector<32x200xf32> to vector<1x200xf32>
    %slice3A_822 = vector.extract_strided_slice %mul3A_586 {offsets = [18, 0], sizes = [1, 200], strides = [1, 1]} : vector<32x200xf32> to vector<1x200xf32>
    %slice3A_823 = vector.extract_strided_slice %mul3A_589 {offsets = [18, 0], sizes = [1, 200], strides = [1, 1]} : vector<32x200xf32> to vector<1x200xf32>
    %slice3A_824 = vector.extract_strided_slice %mul3A_592 {offsets = [18, 0], sizes = [1, 200], strides = [1, 1]} : vector<32x200xf32> to vector<1x200xf32>
    %slice3A_825 = vector.extract_strided_slice %mul3A_593 {offsets = [18, 0], sizes = [1, 200], strides = [1, 1]} : vector<32x200xf32> to vector<1x200xf32>
    %slice3A_826 = vector.extract_strided_slice %mul3A_596 {offsets = [18, 0], sizes = [1, 200], strides = [1, 1]} : vector<32x200xf32> to vector<1x200xf32>
    %slice3A_827 = vector.extract_strided_slice %mul3A_599 {offsets = [18, 0], sizes = [1, 200], strides = [1, 1]} : vector<32x200xf32> to vector<1x200xf32>
    %slice3A_828 = vector.extract_strided_slice %mul3A_600 {offsets = [18, 0], sizes = [1, 200], strides = [1, 1]} : vector<32x200xf32> to vector<1x200xf32>
    %slice3A_829 = vector.extract_strided_slice %concatenate3A_602 {offsets = [18, 0], sizes = [1, 200], strides = [1, 1]} : vector<32x200xf32> to vector<1x200xf32>
    %slice3A_830 = vector.extract_strided_slice %concatenate3A_604 {offsets = [18, 0], sizes = [1, 200], strides = [1, 1]} : vector<32x200xf32> to vector<1x200xf32>
    %concatenate3A_831 = tpu.concatenate %slice3A_821, %slice3A_822, %slice3A_823, %slice3A_824, %slice3A_825, %slice3A_826, %slice3A_827, %slice3A_828, %slice3A_829, %slice3A_830 in 0 : vector<1x200xf32>, vector<1x200xf32>, vector<1x200xf32>, vector<1x200xf32>, vector<1x200xf32>, vector<1x200xf32>, vector<1x200xf32>, vector<1x200xf32>, vector<1x200xf32>, vector<1x200xf32> -> vector<10x200xf32>
    %transpose3A_832 = tpu.transpose %concatenate3A_831, [1, 0] : vector<10x200xf32> -> vector<200x10xf32>
    %slice3A_833 = vector.extract_strided_slice %mul3A_583 {offsets = [19, 0], sizes = [1, 200], strides = [1, 1]} : vector<32x200xf32> to vector<1x200xf32>
    %slice3A_834 = vector.extract_strided_slice %mul3A_586 {offsets = [19, 0], sizes = [1, 200], strides = [1, 1]} : vector<32x200xf32> to vector<1x200xf32>
    %slice3A_835 = vector.extract_strided_slice %mul3A_589 {offsets = [19, 0], sizes = [1, 200], strides = [1, 1]} : vector<32x200xf32> to vector<1x200xf32>
    %slice3A_836 = vector.extract_strided_slice %mul3A_592 {offsets = [19, 0], sizes = [1, 200], strides = [1, 1]} : vector<32x200xf32> to vector<1x200xf32>
    %slice3A_837 = vector.extract_strided_slice %mul3A_593 {offsets = [19, 0], sizes = [1, 200], strides = [1, 1]} : vector<32x200xf32> to vector<1x200xf32>
    %slice3A_838 = vector.extract_strided_slice %mul3A_596 {offsets = [19, 0], sizes = [1, 200], strides = [1, 1]} : vector<32x200xf32> to vector<1x200xf32>
    %slice3A_839 = vector.extract_strided_slice %mul3A_599 {offsets = [19, 0], sizes = [1, 200], strides = [1, 1]} : vector<32x200xf32> to vector<1x200xf32>
    %slice3A_840 = vector.extract_strided_slice %mul3A_600 {offsets = [19, 0], sizes = [1, 200], strides = [1, 1]} : vector<32x200xf32> to vector<1x200xf32>
    %slice3A_841 = vector.extract_strided_slice %concatenate3A_602 {offsets = [19, 0], sizes = [1, 200], strides = [1, 1]} : vector<32x200xf32> to vector<1x200xf32>
    %slice3A_842 = vector.extract_strided_slice %concatenate3A_604 {offsets = [19, 0], sizes = [1, 200], strides = [1, 1]} : vector<32x200xf32> to vector<1x200xf32>
    %concatenate3A_843 = tpu.concatenate %slice3A_833, %slice3A_834, %slice3A_835, %slice3A_836, %slice3A_837, %slice3A_838, %slice3A_839, %slice3A_840, %slice3A_841, %slice3A_842 in 0 : vector<1x200xf32>, vector<1x200xf32>, vector<1x200xf32>, vector<1x200xf32>, vector<1x200xf32>, vector<1x200xf32>, vector<1x200xf32>, vector<1x200xf32>, vector<1x200xf32>, vector<1x200xf32> -> vector<10x200xf32>
    %transpose3A_844 = tpu.transpose %concatenate3A_843, [1, 0] : vector<10x200xf32> -> vector<200x10xf32>
    %slice3A_845 = vector.extract_strided_slice %mul3A_583 {offsets = [20, 0], sizes = [1, 200], strides = [1, 1]} : vector<32x200xf32> to vector<1x200xf32>
    %slice3A_846 = vector.extract_strided_slice %mul3A_586 {offsets = [20, 0], sizes = [1, 200], strides = [1, 1]} : vector<32x200xf32> to vector<1x200xf32>
    %slice3A_847 = vector.extract_strided_slice %mul3A_589 {offsets = [20, 0], sizes = [1, 200], strides = [1, 1]} : vector<32x200xf32> to vector<1x200xf32>
    %slice3A_848 = vector.extract_strided_slice %mul3A_592 {offsets = [20, 0], sizes = [1, 200], strides = [1, 1]} : vector<32x200xf32> to vector<1x200xf32>
    %slice3A_849 = vector.extract_strided_slice %mul3A_593 {offsets = [20, 0], sizes = [1, 200], strides = [1, 1]} : vector<32x200xf32> to vector<1x200xf32>
    %slice3A_850 = vector.extract_strided_slice %mul3A_596 {offsets = [20, 0], sizes = [1, 200], strides = [1, 1]} : vector<32x200xf32> to vector<1x200xf32>
    %slice3A_851 = vector.extract_strided_slice %mul3A_599 {offsets = [20, 0], sizes = [1, 200], strides = [1, 1]} : vector<32x200xf32> to vector<1x200xf32>
    %slice3A_852 = vector.extract_strided_slice %mul3A_600 {offsets = [20, 0], sizes = [1, 200], strides = [1, 1]} : vector<32x200xf32> to vector<1x200xf32>
    %slice3A_853 = vector.extract_strided_slice %concatenate3A_602 {offsets = [20, 0], sizes = [1, 200], strides = [1, 1]} : vector<32x200xf32> to vector<1x200xf32>
    %slice3A_854 = vector.extract_strided_slice %concatenate3A_604 {offsets = [20, 0], sizes = [1, 200], strides = [1, 1]} : vector<32x200xf32> to vector<1x200xf32>
    %concatenate3A_855 = tpu.concatenate %slice3A_845, %slice3A_846, %slice3A_847, %slice3A_848, %slice3A_849, %slice3A_850, %slice3A_851, %slice3A_852, %slice3A_853, %slice3A_854 in 0 : vector<1x200xf32>, vector<1x200xf32>, vector<1x200xf32>, vector<1x200xf32>, vector<1x200xf32>, vector<1x200xf32>, vector<1x200xf32>, vector<1x200xf32>, vector<1x200xf32>, vector<1x200xf32> -> vector<10x200xf32>
    %transpose3A_856 = tpu.transpose %concatenate3A_855, [1, 0] : vector<10x200xf32> -> vector<200x10xf32>
    %slice3A_857 = vector.extract_strided_slice %mul3A_583 {offsets = [21, 0], sizes = [1, 200], strides = [1, 1]} : vector<32x200xf32> to vector<1x200xf32>
    %slice3A_858 = vector.extract_strided_slice %mul3A_586 {offsets = [21, 0], sizes = [1, 200], strides = [1, 1]} : vector<32x200xf32> to vector<1x200xf32>
    %slice3A_859 = vector.extract_strided_slice %mul3A_589 {offsets = [21, 0], sizes = [1, 200], strides = [1, 1]} : vector<32x200xf32> to vector<1x200xf32>
    %slice3A_860 = vector.extract_strided_slice %mul3A_592 {offsets = [21, 0], sizes = [1, 200], strides = [1, 1]} : vector<32x200xf32> to vector<1x200xf32>
    %slice3A_861 = vector.extract_strided_slice %mul3A_593 {offsets = [21, 0], sizes = [1, 200], strides = [1, 1]} : vector<32x200xf32> to vector<1x200xf32>
    %slice3A_862 = vector.extract_strided_slice %mul3A_596 {offsets = [21, 0], sizes = [1, 200], strides = [1, 1]} : vector<32x200xf32> to vector<1x200xf32>
    %slice3A_863 = vector.extract_strided_slice %mul3A_599 {offsets = [21, 0], sizes = [1, 200], strides = [1, 1]} : vector<32x200xf32> to vector<1x200xf32>
    %slice3A_864 = vector.extract_strided_slice %mul3A_600 {offsets = [21, 0], sizes = [1, 200], strides = [1, 1]} : vector<32x200xf32> to vector<1x200xf32>
    %slice3A_865 = vector.extract_strided_slice %concatenate3A_602 {offsets = [21, 0], sizes = [1, 200], strides = [1, 1]} : vector<32x200xf32> to vector<1x200xf32>
    %slice3A_866 = vector.extract_strided_slice %concatenate3A_604 {offsets = [21, 0], sizes = [1, 200], strides = [1, 1]} : vector<32x200xf32> to vector<1x200xf32>
    %concatenate3A_867 = tpu.concatenate %slice3A_857, %slice3A_858, %slice3A_859, %slice3A_860, %slice3A_861, %slice3A_862, %slice3A_863, %slice3A_864, %slice3A_865, %slice3A_866 in 0 : vector<1x200xf32>, vector<1x200xf32>, vector<1x200xf32>, vector<1x200xf32>, vector<1x200xf32>, vector<1x200xf32>, vector<1x200xf32>, vector<1x200xf32>, vector<1x200xf32>, vector<1x200xf32> -> vector<10x200xf32>
    %transpose3A_868 = tpu.transpose %concatenate3A_867, [1, 0] : vector<10x200xf32> -> vector<200x10xf32>
    %slice3A_869 = vector.extract_strided_slice %mul3A_583 {offsets = [22, 0], sizes = [1, 200], strides = [1, 1]} : vector<32x200xf32> to vector<1x200xf32>
    %slice3A_870 = vector.extract_strided_slice %mul3A_586 {offsets = [22, 0], sizes = [1, 200], strides = [1, 1]} : vector<32x200xf32> to vector<1x200xf32>
    %slice3A_871 = vector.extract_strided_slice %mul3A_589 {offsets = [22, 0], sizes = [1, 200], strides = [1, 1]} : vector<32x200xf32> to vector<1x200xf32>
    %slice3A_872 = vector.extract_strided_slice %mul3A_592 {offsets = [22, 0], sizes = [1, 200], strides = [1, 1]} : vector<32x200xf32> to vector<1x200xf32>
    %slice3A_873 = vector.extract_strided_slice %mul3A_593 {offsets = [22, 0], sizes = [1, 200], strides = [1, 1]} : vector<32x200xf32> to vector<1x200xf32>
    %slice3A_874 = vector.extract_strided_slice %mul3A_596 {offsets = [22, 0], sizes = [1, 200], strides = [1, 1]} : vector<32x200xf32> to vector<1x200xf32>
    %slice3A_875 = vector.extract_strided_slice %mul3A_599 {offsets = [22, 0], sizes = [1, 200], strides = [1, 1]} : vector<32x200xf32> to vector<1x200xf32>
    %slice3A_876 = vector.extract_strided_slice %mul3A_600 {offsets = [22, 0], sizes = [1, 200], strides = [1, 1]} : vector<32x200xf32> to vector<1x200xf32>
    %slice3A_877 = vector.extract_strided_slice %concatenate3A_602 {offsets = [22, 0], sizes = [1, 200], strides = [1, 1]} : vector<32x200xf32> to vector<1x200xf32>
    %slice3A_878 = vector.extract_strided_slice %concatenate3A_604 {offsets = [22, 0], sizes = [1, 200], strides = [1, 1]} : vector<32x200xf32> to vector<1x200xf32>
    %concatenate3A_879 = tpu.concatenate %slice3A_869, %slice3A_870, %slice3A_871, %slice3A_872, %slice3A_873, %slice3A_874, %slice3A_875, %slice3A_876, %slice3A_877, %slice3A_878 in 0 : vector<1x200xf32>, vector<1x200xf32>, vector<1x200xf32>, vector<1x200xf32>, vector<1x200xf32>, vector<1x200xf32>, vector<1x200xf32>, vector<1x200xf32>, vector<1x200xf32>, vector<1x200xf32> -> vector<10x200xf32>
    %transpose3A_880 = tpu.transpose %concatenate3A_879, [1, 0] : vector<10x200xf32> -> vector<200x10xf32>
    %slice3A_881 = vector.extract_strided_slice %mul3A_583 {offsets = [23, 0], sizes = [1, 200], strides = [1, 1]} : vector<32x200xf32> to vector<1x200xf32>
    %slice3A_882 = vector.extract_strided_slice %mul3A_586 {offsets = [23, 0], sizes = [1, 200], strides = [1, 1]} : vector<32x200xf32> to vector<1x200xf32>
    %slice3A_883 = vector.extract_strided_slice %mul3A_589 {offsets = [23, 0], sizes = [1, 200], strides = [1, 1]} : vector<32x200xf32> to vector<1x200xf32>
    %slice3A_884 = vector.extract_strided_slice %mul3A_592 {offsets = [23, 0], sizes = [1, 200], strides = [1, 1]} : vector<32x200xf32> to vector<1x200xf32>
    %slice3A_885 = vector.extract_strided_slice %mul3A_593 {offsets = [23, 0], sizes = [1, 200], strides = [1, 1]} : vector<32x200xf32> to vector<1x200xf32>
    %slice3A_886 = vector.extract_strided_slice %mul3A_596 {offsets = [23, 0], sizes = [1, 200], strides = [1, 1]} : vector<32x200xf32> to vector<1x200xf32>
    %slice3A_887 = vector.extract_strided_slice %mul3A_599 {offsets = [23, 0], sizes = [1, 200], strides = [1, 1]} : vector<32x200xf32> to vector<1x200xf32>
    %slice3A_888 = vector.extract_strided_slice %mul3A_600 {offsets = [23, 0], sizes = [1, 200], strides = [1, 1]} : vector<32x200xf32> to vector<1x200xf32>
    %slice3A_889 = vector.extract_strided_slice %concatenate3A_602 {offsets = [23, 0], sizes = [1, 200], strides = [1, 1]} : vector<32x200xf32> to vector<1x200xf32>
    %slice3A_890 = vector.extract_strided_slice %concatenate3A_604 {offsets = [23, 0], sizes = [1, 200], strides = [1, 1]} : vector<32x200xf32> to vector<1x200xf32>
    %concatenate3A_891 = tpu.concatenate %slice3A_881, %slice3A_882, %slice3A_883, %slice3A_884, %slice3A_885, %slice3A_886, %slice3A_887, %slice3A_888, %slice3A_889, %slice3A_890 in 0 : vector<1x200xf32>, vector<1x200xf32>, vector<1x200xf32>, vector<1x200xf32>, vector<1x200xf32>, vector<1x200xf32>, vector<1x200xf32>, vector<1x200xf32>, vector<1x200xf32>, vector<1x200xf32> -> vector<10x200xf32>
    %transpose3A_892 = tpu.transpose %concatenate3A_891, [1, 0] : vector<10x200xf32> -> vector<200x10xf32>
    %slice3A_893 = vector.extract_strided_slice %mul3A_583 {offsets = [24, 0], sizes = [1, 200], strides = [1, 1]} : vector<32x200xf32> to vector<1x200xf32>
    %slice3A_894 = vector.extract_strided_slice %mul3A_586 {offsets = [24, 0], sizes = [1, 200], strides = [1, 1]} : vector<32x200xf32> to vector<1x200xf32>
    %slice3A_895 = vector.extract_strided_slice %mul3A_589 {offsets = [24, 0], sizes = [1, 200], strides = [1, 1]} : vector<32x200xf32> to vector<1x200xf32>
    %slice3A_896 = vector.extract_strided_slice %mul3A_592 {offsets = [24, 0], sizes = [1, 200], strides = [1, 1]} : vector<32x200xf32> to vector<1x200xf32>
    %slice3A_897 = vector.extract_strided_slice %mul3A_593 {offsets = [24, 0], sizes = [1, 200], strides = [1, 1]} : vector<32x200xf32> to vector<1x200xf32>
    %slice3A_898 = vector.extract_strided_slice %mul3A_596 {offsets = [24, 0], sizes = [1, 200], strides = [1, 1]} : vector<32x200xf32> to vector<1x200xf32>
    %slice3A_899 = vector.extract_strided_slice %mul3A_599 {offsets = [24, 0], sizes = [1, 200], strides = [1, 1]} : vector<32x200xf32> to vector<1x200xf32>
    %slice3A_900 = vector.extract_strided_slice %mul3A_600 {offsets = [24, 0], sizes = [1, 200], strides = [1, 1]} : vector<32x200xf32> to vector<1x200xf32>
    %slice3A_901 = vector.extract_strided_slice %concatenate3A_602 {offsets = [24, 0], sizes = [1, 200], strides = [1, 1]} : vector<32x200xf32> to vector<1x200xf32>
    %slice3A_902 = vector.extract_strided_slice %concatenate3A_604 {offsets = [24, 0], sizes = [1, 200], strides = [1, 1]} : vector<32x200xf32> to vector<1x200xf32>
    %concatenate3A_903 = tpu.concatenate %slice3A_893, %slice3A_894, %slice3A_895, %slice3A_896, %slice3A_897, %slice3A_898, %slice3A_899, %slice3A_900, %slice3A_901, %slice3A_902 in 0 : vector<1x200xf32>, vector<1x200xf32>, vector<1x200xf32>, vector<1x200xf32>, vector<1x200xf32>, vector<1x200xf32>, vector<1x200xf32>, vector<1x200xf32>, vector<1x200xf32>, vector<1x200xf32> -> vector<10x200xf32>
    %transpose3A_904 = tpu.transpose %concatenate3A_903, [1, 0] : vector<10x200xf32> -> vector<200x10xf32>
    %slice3A_905 = vector.extract_strided_slice %mul3A_583 {offsets = [25, 0], sizes = [1, 200], strides = [1, 1]} : vector<32x200xf32> to vector<1x200xf32>
    %slice3A_906 = vector.extract_strided_slice %mul3A_586 {offsets = [25, 0], sizes = [1, 200], strides = [1, 1]} : vector<32x200xf32> to vector<1x200xf32>
    %slice3A_907 = vector.extract_strided_slice %mul3A_589 {offsets = [25, 0], sizes = [1, 200], strides = [1, 1]} : vector<32x200xf32> to vector<1x200xf32>
    %slice3A_908 = vector.extract_strided_slice %mul3A_592 {offsets = [25, 0], sizes = [1, 200], strides = [1, 1]} : vector<32x200xf32> to vector<1x200xf32>
    %slice3A_909 = vector.extract_strided_slice %mul3A_593 {offsets = [25, 0], sizes = [1, 200], strides = [1, 1]} : vector<32x200xf32> to vector<1x200xf32>
    %slice3A_910 = vector.extract_strided_slice %mul3A_596 {offsets = [25, 0], sizes = [1, 200], strides = [1, 1]} : vector<32x200xf32> to vector<1x200xf32>
    %slice3A_911 = vector.extract_strided_slice %mul3A_599 {offsets = [25, 0], sizes = [1, 200], strides = [1, 1]} : vector<32x200xf32> to vector<1x200xf32>
    %slice3A_912 = vector.extract_strided_slice %mul3A_600 {offsets = [25, 0], sizes = [1, 200], strides = [1, 1]} : vector<32x200xf32> to vector<1x200xf32>
    %slice3A_913 = vector.extract_strided_slice %concatenate3A_602 {offsets = [25, 0], sizes = [1, 200], strides = [1, 1]} : vector<32x200xf32> to vector<1x200xf32>
    %slice3A_914 = vector.extract_strided_slice %concatenate3A_604 {offsets = [25, 0], sizes = [1, 200], strides = [1, 1]} : vector<32x200xf32> to vector<1x200xf32>
    %concatenate3A_915 = tpu.concatenate %slice3A_905, %slice3A_906, %slice3A_907, %slice3A_908, %slice3A_909, %slice3A_910, %slice3A_911, %slice3A_912, %slice3A_913, %slice3A_914 in 0 : vector<1x200xf32>, vector<1x200xf32>, vector<1x200xf32>, vector<1x200xf32>, vector<1x200xf32>, vector<1x200xf32>, vector<1x200xf32>, vector<1x200xf32>, vector<1x200xf32>, vector<1x200xf32> -> vector<10x200xf32>
    %transpose3A_916 = tpu.transpose %concatenate3A_915, [1, 0] : vector<10x200xf32> -> vector<200x10xf32>
    %slice3A_917 = vector.extract_strided_slice %mul3A_583 {offsets = [26, 0], sizes = [1, 200], strides = [1, 1]} : vector<32x200xf32> to vector<1x200xf32>
    %slice3A_918 = vector.extract_strided_slice %mul3A_586 {offsets = [26, 0], sizes = [1, 200], strides = [1, 1]} : vector<32x200xf32> to vector<1x200xf32>
    %slice3A_919 = vector.extract_strided_slice %mul3A_589 {offsets = [26, 0], sizes = [1, 200], strides = [1, 1]} : vector<32x200xf32> to vector<1x200xf32>
    %slice3A_920 = vector.extract_strided_slice %mul3A_592 {offsets = [26, 0], sizes = [1, 200], strides = [1, 1]} : vector<32x200xf32> to vector<1x200xf32>
    %slice3A_921 = vector.extract_strided_slice %mul3A_593 {offsets = [26, 0], sizes = [1, 200], strides = [1, 1]} : vector<32x200xf32> to vector<1x200xf32>
    %slice3A_922 = vector.extract_strided_slice %mul3A_596 {offsets = [26, 0], sizes = [1, 200], strides = [1, 1]} : vector<32x200xf32> to vector<1x200xf32>
    %slice3A_923 = vector.extract_strided_slice %mul3A_599 {offsets = [26, 0], sizes = [1, 200], strides = [1, 1]} : vector<32x200xf32> to vector<1x200xf32>
    %slice3A_924 = vector.extract_strided_slice %mul3A_600 {offsets = [26, 0], sizes = [1, 200], strides = [1, 1]} : vector<32x200xf32> to vector<1x200xf32>
    %slice3A_925 = vector.extract_strided_slice %concatenate3A_602 {offsets = [26, 0], sizes = [1, 200], strides = [1, 1]} : vector<32x200xf32> to vector<1x200xf32>
    %slice3A_926 = vector.extract_strided_slice %concatenate3A_604 {offsets = [26, 0], sizes = [1, 200], strides = [1, 1]} : vector<32x200xf32> to vector<1x200xf32>
    %concatenate3A_927 = tpu.concatenate %slice3A_917, %slice3A_918, %slice3A_919, %slice3A_920, %slice3A_921, %slice3A_922, %slice3A_923, %slice3A_924, %slice3A_925, %slice3A_926 in 0 : vector<1x200xf32>, vector<1x200xf32>, vector<1x200xf32>, vector<1x200xf32>, vector<1x200xf32>, vector<1x200xf32>, vector<1x200xf32>, vector<1x200xf32>, vector<1x200xf32>, vector<1x200xf32> -> vector<10x200xf32>
    %transpose3A_928 = tpu.transpose %concatenate3A_927, [1, 0] : vector<10x200xf32> -> vector<200x10xf32>
    %slice3A_929 = vector.extract_strided_slice %mul3A_583 {offsets = [27, 0], sizes = [1, 200], strides = [1, 1]} : vector<32x200xf32> to vector<1x200xf32>
    %slice3A_930 = vector.extract_strided_slice %mul3A_586 {offsets = [27, 0], sizes = [1, 200], strides = [1, 1]} : vector<32x200xf32> to vector<1x200xf32>
    %slice3A_931 = vector.extract_strided_slice %mul3A_589 {offsets = [27, 0], sizes = [1, 200], strides = [1, 1]} : vector<32x200xf32> to vector<1x200xf32>
    %slice3A_932 = vector.extract_strided_slice %mul3A_592 {offsets = [27, 0], sizes = [1, 200], strides = [1, 1]} : vector<32x200xf32> to vector<1x200xf32>
    %slice3A_933 = vector.extract_strided_slice %mul3A_593 {offsets = [27, 0], sizes = [1, 200], strides = [1, 1]} : vector<32x200xf32> to vector<1x200xf32>
    %slice3A_934 = vector.extract_strided_slice %mul3A_596 {offsets = [27, 0], sizes = [1, 200], strides = [1, 1]} : vector<32x200xf32> to vector<1x200xf32>
    %slice3A_935 = vector.extract_strided_slice %mul3A_599 {offsets = [27, 0], sizes = [1, 200], strides = [1, 1]} : vector<32x200xf32> to vector<1x200xf32>
    %slice3A_936 = vector.extract_strided_slice %mul3A_600 {offsets = [27, 0], sizes = [1, 200], strides = [1, 1]} : vector<32x200xf32> to vector<1x200xf32>
    %slice3A_937 = vector.extract_strided_slice %concatenate3A_602 {offsets = [27, 0], sizes = [1, 200], strides = [1, 1]} : vector<32x200xf32> to vector<1x200xf32>
    %slice3A_938 = vector.extract_strided_slice %concatenate3A_604 {offsets = [27, 0], sizes = [1, 200], strides = [1, 1]} : vector<32x200xf32> to vector<1x200xf32>
    %concatenate3A_939 = tpu.concatenate %slice3A_929, %slice3A_930, %slice3A_931, %slice3A_932, %slice3A_933, %slice3A_934, %slice3A_935, %slice3A_936, %slice3A_937, %slice3A_938 in 0 : vector<1x200xf32>, vector<1x200xf32>, vector<1x200xf32>, vector<1x200xf32>, vector<1x200xf32>, vector<1x200xf32>, vector<1x200xf32>, vector<1x200xf32>, vector<1x200xf32>, vector<1x200xf32> -> vector<10x200xf32>
    %transpose3A_940 = tpu.transpose %concatenate3A_939, [1, 0] : vector<10x200xf32> -> vector<200x10xf32>
    %slice3A_941 = vector.extract_strided_slice %mul3A_583 {offsets = [28, 0], sizes = [1, 200], strides = [1, 1]} : vector<32x200xf32> to vector<1x200xf32>
    %slice3A_942 = vector.extract_strided_slice %mul3A_586 {offsets = [28, 0], sizes = [1, 200], strides = [1, 1]} : vector<32x200xf32> to vector<1x200xf32>
    %slice3A_943 = vector.extract_strided_slice %mul3A_589 {offsets = [28, 0], sizes = [1, 200], strides = [1, 1]} : vector<32x200xf32> to vector<1x200xf32>
    %slice3A_944 = vector.extract_strided_slice %mul3A_592 {offsets = [28, 0], sizes = [1, 200], strides = [1, 1]} : vector<32x200xf32> to vector<1x200xf32>
    %slice3A_945 = vector.extract_strided_slice %mul3A_593 {offsets = [28, 0], sizes = [1, 200], strides = [1, 1]} : vector<32x200xf32> to vector<1x200xf32>
    %slice3A_946 = vector.extract_strided_slice %mul3A_596 {offsets = [28, 0], sizes = [1, 200], strides = [1, 1]} : vector<32x200xf32> to vector<1x200xf32>
    %slice3A_947 = vector.extract_strided_slice %mul3A_599 {offsets = [28, 0], sizes = [1, 200], strides = [1, 1]} : vector<32x200xf32> to vector<1x200xf32>
    %slice3A_948 = vector.extract_strided_slice %mul3A_600 {offsets = [28, 0], sizes = [1, 200], strides = [1, 1]} : vector<32x200xf32> to vector<1x200xf32>
    %slice3A_949 = vector.extract_strided_slice %concatenate3A_602 {offsets = [28, 0], sizes = [1, 200], strides = [1, 1]} : vector<32x200xf32> to vector<1x200xf32>
    %slice3A_950 = vector.extract_strided_slice %concatenate3A_604 {offsets = [28, 0], sizes = [1, 200], strides = [1, 1]} : vector<32x200xf32> to vector<1x200xf32>
    %concatenate3A_951 = tpu.concatenate %slice3A_941, %slice3A_942, %slice3A_943, %slice3A_944, %slice3A_945, %slice3A_946, %slice3A_947, %slice3A_948, %slice3A_949, %slice3A_950 in 0 : vector<1x200xf32>, vector<1x200xf32>, vector<1x200xf32>, vector<1x200xf32>, vector<1x200xf32>, vector<1x200xf32>, vector<1x200xf32>, vector<1x200xf32>, vector<1x200xf32>, vector<1x200xf32> -> vector<10x200xf32>
    %transpose3A_952 = tpu.transpose %concatenate3A_951, [1, 0] : vector<10x200xf32> -> vector<200x10xf32>
    %slice3A_953 = vector.extract_strided_slice %mul3A_583 {offsets = [29, 0], sizes = [1, 200], strides = [1, 1]} : vector<32x200xf32> to vector<1x200xf32>
    %slice3A_954 = vector.extract_strided_slice %mul3A_586 {offsets = [29, 0], sizes = [1, 200], strides = [1, 1]} : vector<32x200xf32> to vector<1x200xf32>
    %slice3A_955 = vector.extract_strided_slice %mul3A_589 {offsets = [29, 0], sizes = [1, 200], strides = [1, 1]} : vector<32x200xf32> to vector<1x200xf32>
    %slice3A_956 = vector.extract_strided_slice %mul3A_592 {offsets = [29, 0], sizes = [1, 200], strides = [1, 1]} : vector<32x200xf32> to vector<1x200xf32>
    %slice3A_957 = vector.extract_strided_slice %mul3A_593 {offsets = [29, 0], sizes = [1, 200], strides = [1, 1]} : vector<32x200xf32> to vector<1x200xf32>
    %slice3A_958 = vector.extract_strided_slice %mul3A_596 {offsets = [29, 0], sizes = [1, 200], strides = [1, 1]} : vector<32x200xf32> to vector<1x200xf32>
    %slice3A_959 = vector.extract_strided_slice %mul3A_599 {offsets = [29, 0], sizes = [1, 200], strides = [1, 1]} : vector<32x200xf32> to vector<1x200xf32>
    %slice3A_960 = vector.extract_strided_slice %mul3A_600 {offsets = [29, 0], sizes = [1, 200], strides = [1, 1]} : vector<32x200xf32> to vector<1x200xf32>
    %slice3A_961 = vector.extract_strided_slice %concatenate3A_602 {offsets = [29, 0], sizes = [1, 200], strides = [1, 1]} : vector<32x200xf32> to vector<1x200xf32>
    %slice3A_962 = vector.extract_strided_slice %concatenate3A_604 {offsets = [29, 0], sizes = [1, 200], strides = [1, 1]} : vector<32x200xf32> to vector<1x200xf32>
    %concatenate3A_963 = tpu.concatenate %slice3A_953, %slice3A_954, %slice3A_955, %slice3A_956, %slice3A_957, %slice3A_958, %slice3A_959, %slice3A_960, %slice3A_961, %slice3A_962 in 0 : vector<1x200xf32>, vector<1x200xf32>, vector<1x200xf32>, vector<1x200xf32>, vector<1x200xf32>, vector<1x200xf32>, vector<1x200xf32>, vector<1x200xf32>, vector<1x200xf32>, vector<1x200xf32> -> vector<10x200xf32>
    %transpose3A_964 = tpu.transpose %concatenate3A_963, [1, 0] : vector<10x200xf32> -> vector<200x10xf32>
    %slice3A_965 = vector.extract_strided_slice %mul3A_583 {offsets = [30, 0], sizes = [1, 200], strides = [1, 1]} : vector<32x200xf32> to vector<1x200xf32>
    %slice3A_966 = vector.extract_strided_slice %mul3A_586 {offsets = [30, 0], sizes = [1, 200], strides = [1, 1]} : vector<32x200xf32> to vector<1x200xf32>
    %slice3A_967 = vector.extract_strided_slice %mul3A_589 {offsets = [30, 0], sizes = [1, 200], strides = [1, 1]} : vector<32x200xf32> to vector<1x200xf32>
    %slice3A_968 = vector.extract_strided_slice %mul3A_592 {offsets = [30, 0], sizes = [1, 200], strides = [1, 1]} : vector<32x200xf32> to vector<1x200xf32>
    %slice3A_969 = vector.extract_strided_slice %mul3A_593 {offsets = [30, 0], sizes = [1, 200], strides = [1, 1]} : vector<32x200xf32> to vector<1x200xf32>
    %slice3A_970 = vector.extract_strided_slice %mul3A_596 {offsets = [30, 0], sizes = [1, 200], strides = [1, 1]} : vector<32x200xf32> to vector<1x200xf32>
    %slice3A_971 = vector.extract_strided_slice %mul3A_599 {offsets = [30, 0], sizes = [1, 200], strides = [1, 1]} : vector<32x200xf32> to vector<1x200xf32>
    %slice3A_972 = vector.extract_strided_slice %mul3A_600 {offsets = [30, 0], sizes = [1, 200], strides = [1, 1]} : vector<32x200xf32> to vector<1x200xf32>
    %slice3A_973 = vector.extract_strided_slice %concatenate3A_602 {offsets = [30, 0], sizes = [1, 200], strides = [1, 1]} : vector<32x200xf32> to vector<1x200xf32>
    %slice3A_974 = vector.extract_strided_slice %concatenate3A_604 {offsets = [30, 0], sizes = [1, 200], strides = [1, 1]} : vector<32x200xf32> to vector<1x200xf32>
    %concatenate3A_975 = tpu.concatenate %slice3A_965, %slice3A_966, %slice3A_967, %slice3A_968, %slice3A_969, %slice3A_970, %slice3A_971, %slice3A_972, %slice3A_973, %slice3A_974 in 0 : vector<1x200xf32>, vector<1x200xf32>, vector<1x200xf32>, vector<1x200xf32>, vector<1x200xf32>, vector<1x200xf32>, vector<1x200xf32>, vector<1x200xf32>, vector<1x200xf32>, vector<1x200xf32> -> vector<10x200xf32>
    %transpose3A_976 = tpu.transpose %concatenate3A_975, [1, 0] : vector<10x200xf32> -> vector<200x10xf32>
    %slice3A_977 = vector.extract_strided_slice %mul3A_583 {offsets = [31, 0], sizes = [1, 200], strides = [1, 1]} : vector<32x200xf32> to vector<1x200xf32>
    %slice3A_978 = vector.extract_strided_slice %mul3A_586 {offsets = [31, 0], sizes = [1, 200], strides = [1, 1]} : vector<32x200xf32> to vector<1x200xf32>
    %slice3A_979 = vector.extract_strided_slice %mul3A_589 {offsets = [31, 0], sizes = [1, 200], strides = [1, 1]} : vector<32x200xf32> to vector<1x200xf32>
    %slice3A_980 = vector.extract_strided_slice %mul3A_592 {offsets = [31, 0], sizes = [1, 200], strides = [1, 1]} : vector<32x200xf32> to vector<1x200xf32>
    %slice3A_981 = vector.extract_strided_slice %mul3A_593 {offsets = [31, 0], sizes = [1, 200], strides = [1, 1]} : vector<32x200xf32> to vector<1x200xf32>
    %slice3A_982 = vector.extract_strided_slice %mul3A_596 {offsets = [31, 0], sizes = [1, 200], strides = [1, 1]} : vector<32x200xf32> to vector<1x200xf32>
    %slice3A_983 = vector.extract_strided_slice %mul3A_599 {offsets = [31, 0], sizes = [1, 200], strides = [1, 1]} : vector<32x200xf32> to vector<1x200xf32>
    %slice3A_984 = vector.extract_strided_slice %mul3A_600 {offsets = [31, 0], sizes = [1, 200], strides = [1, 1]} : vector<32x200xf32> to vector<1x200xf32>
    %slice3A_985 = vector.extract_strided_slice %concatenate3A_602 {offsets = [31, 0], sizes = [1, 200], strides = [1, 1]} : vector<32x200xf32> to vector<1x200xf32>
    %slice3A_986 = vector.extract_strided_slice %concatenate3A_604 {offsets = [31, 0], sizes = [1, 200], strides = [1, 1]} : vector<32x200xf32> to vector<1x200xf32>
    %concatenate3A_987 = tpu.concatenate %slice3A_977, %slice3A_978, %slice3A_979, %slice3A_980, %slice3A_981, %slice3A_982, %slice3A_983, %slice3A_984, %slice3A_985, %slice3A_986 in 0 : vector<1x200xf32>, vector<1x200xf32>, vector<1x200xf32>, vector<1x200xf32>, vector<1x200xf32>, vector<1x200xf32>, vector<1x200xf32>, vector<1x200xf32>, vector<1x200xf32>, vector<1x200xf32> -> vector<10x200xf32>
    %transpose3A_988 = tpu.transpose %concatenate3A_987, [1, 0] : vector<10x200xf32> -> vector<200x10xf32>
    %concatenate3A_989 = tpu.concatenate %transpose3A_616, %transpose3A_628, %transpose3A_640, %transpose3A_652, %transpose3A_664, %transpose3A_676, %transpose3A_688, %transpose3A_700, %transpose3A_712, %transpose3A_724, %transpose3A_736, %transpose3A_748, %transpose3A_760, %transpose3A_772, %transpose3A_784, %transpose3A_796, %transpose3A_808, %transpose3A_820, %transpose3A_832, %transpose3A_844, %transpose3A_856, %transpose3A_868, %transpose3A_880, %transpose3A_892, %transpose3A_904, %transpose3A_916, %transpose3A_928, %transpose3A_940, %transpose3A_952, %transpose3A_964, %transpose3A_976, %transpose3A_988 in 0 : vector<200x10xf32>, vector<200x10xf32>, vector<200x10xf32>, vector<200x10xf32>, vector<200x10xf32>, vector<200x10xf32>, vector<200x10xf32>, vector<200x10xf32>, vector<200x10xf32>, vector<200x10xf32>, vector<200x10xf32>, vector<200x10xf32>, vector<200x10xf32>, vector<200x10xf32>, vector<200x10xf32>, vector<200x10xf32>, vector<200x10xf32>, vector<200x10xf32>, vector<200x10xf32>, vector<200x10xf32>, vector<200x10xf32>, vector<200x10xf32>, vector<200x10xf32>, vector<200x10xf32>, vector<200x10xf32>, vector<200x10xf32>, vector<200x10xf32>, vector<200x10xf32>, vector<200x10xf32>, vector<200x10xf32>, vector<200x10xf32>, vector<200x10xf32> -> vector<6400x10xf32>
    %slice3A_990 = vector.extract_strided_slice %get3A_7 {offsets = [0, 0], sizes = [6400, 32], strides = [1, 1]} : vector<6400x128xf32> to vector<6400x32xf32>
    %get3A_991 = arith.constant 0 : index
    %get3A_992 = arith.constant 0 : index
    %get3A_993 = vector.load %arg7[%get3A_991, %get3A_992] : memref<6400x66xf32, #tpu.memory_space<vmem>>, vector<6400x66xf32>
    %get3A_994 = arith.constant 0 : index
    %get3A_995 = arith.constant 0 : index
    %get3A_996 = vector.load %arg4[%get3A_994, %get3A_995] : memref<32x66xf32, #tpu.memory_space<vmem>>, vector<32x66xf32>
    %dot_general3A_997 = arith.constant dense<0.000000e+00> : vector<6400x66xf32>
    %dot_general3A_998 = tpu.matmul %slice3A_990, %get3A_996, %dot_general3A_997 {dimension_numbers = #tpu.dot_dimension_numbers<[1], [0], [0], [1], [0, 0, 1, 1], [], []>, transpose_lhs_hint = false} : vector<6400x32xf32>, vector<32x66xf32>, vector<6400x66xf32> -> vector<6400x66xf32>
    %add3A_999 = arith.addf %get3A_993, %dot_general3A_998 : vector<6400x66xf32>
    %get3A_1000 = arith.constant 0 : index
    %get3A_1001 = arith.constant 0 : index
    %get3A_1002 = vector.load %arg5[%get3A_1000, %get3A_1001] : memref<10x66xf32, #tpu.memory_space<vmem>>, vector<10x66xf32>
    %dot_general3A_1003 = arith.constant dense<0.000000e+00> : vector<6400x66xf32>
    %dot_general3A_1004 = tpu.matmul %concatenate3A_989, %get3A_1002, %dot_general3A_1003 {dimension_numbers = #tpu.dot_dimension_numbers<[1], [0], [0], [1], [0, 0, 1, 1], [], []>, transpose_lhs_hint = false} : vector<6400x10xf32>, vector<10x66xf32>, vector<6400x66xf32> -> vector<6400x66xf32>
    %add3A_1005 = arith.addf %add3A_999, %dot_general3A_1004 : vector<6400x66xf32>
    %mul3A_1006 = arith.mulf %concatenate3A_989, %concatenate3A_989 : vector<6400x10xf32>
    %get3A_1007 = arith.constant 0 : index
    %get3A_1008 = arith.constant 0 : index
    %get3A_1009 = vector.load %arg6[%get3A_1007, %get3A_1008] : memref<10x66xf32, #tpu.memory_space<vmem>>, vector<10x66xf32>
    %dot_general3A_1010 = arith.constant dense<0.000000e+00> : vector<6400x66xf32>
    %dot_general3A_1011 = tpu.matmul %mul3A_1006, %get3A_1009, %dot_general3A_1010 {dimension_numbers = #tpu.dot_dimension_numbers<[1], [0], [0], [1], [0, 0, 1, 1], [], []>, transpose_lhs_hint = false} : vector<6400x10xf32>, vector<10x66xf32>, vector<6400x66xf32> -> vector<6400x66xf32>
    %add3A_1012 = arith.addf %add3A_1005, %dot_general3A_1011 : vector<6400x66xf32>
    %slice3A_1013 = vector.extract_strided_slice %add3A_1012 {offsets = [0, 64], sizes = [6400, 1], strides = [1, 1]} : vector<6400x66xf32> to vector<6400x1xf32>
    %slice3A_1014 = vector.extract_strided_slice %add3A_1012 {offsets = [0, 65], sizes = [6400, 1], strides = [1, 1]} : vector<6400x66xf32> to vector<6400x1xf32>
    %mul3A_1015 = arith.mulf %slice3A_1013, %slice3A_1013 : vector<6400x1xf32>
    %sub3A = arith.subf %slice3A_1014, %mul3A_1015 : vector<6400x1xf32>
    %add3A_1016 = arith.constant 9.99999974E-6 : f32
    %add3A_1017 = vector.broadcast %add3A_1016 : f32 to vector<6400x1xf32>
    %add3A_1018 = arith.addf %sub3A, %add3A_1017 : vector<6400x1xf32>
    %rsqrt3A = math.rsqrt %add3A_1018 : vector<6400x1xf32>
    %slice3A_1019 = vector.extract_strided_slice %add3A_1012 {offsets = [0, 0], sizes = [6400, 64], strides = [1, 1]} : vector<6400x66xf32> to vector<6400x64xf32>
    %mul3A_1020 = vector.broadcast %rsqrt3A : vector<6400x1xf32> to vector<6400x64xf32>
    %mul3A_1021 = arith.mulf %slice3A_1019, %mul3A_1020 : vector<6400x64xf32>
    %get3A_1022 = arith.constant 0 : index
    %get3A_1023 = arith.constant 0 : index
    %get3A_1024 = vector.load %arg8[%get3A_1022, %get3A_1023] : memref<1x64xf32, #tpu.memory_space<vmem>>, vector<1x64xf32>
    %add3A_1025 = vector.broadcast %get3A_1024 : vector<1x64xf32> to vector<6400x64xf32>
    %add3A_1026 = arith.addf %mul3A_1021, %add3A_1025 : vector<6400x64xf32>
    %mul3A_1027 = arith.constant 5.000000e-01 : f32
    %mul3A_1028 = vector.broadcast %mul3A_1027 : f32 to vector<6400x64xf32>
    %mul3A_1029 = arith.mulf %mul3A_1028, %add3A_1026 : vector<6400x64xf32>
    %mul3A_1030 = arith.constant 0.707106769 : f32
    %mul3A_1031 = vector.broadcast %mul3A_1030 : f32 to vector<6400x64xf32>
    %mul3A_1032 = arith.mulf %add3A_1026, %mul3A_1031 : vector<6400x64xf32>
    %erf3A = math.erf %mul3A_1032 : vector<6400x64xf32>
    %add3A_1033 = arith.constant 1.000000e+00 : f32
    %add3A_1034 = vector.broadcast %add3A_1033 : f32 to vector<6400x64xf32>
    %add3A_1035 = arith.addf %add3A_1034, %erf3A : vector<6400x64xf32>
    %mul3A_1036 = arith.mulf %mul3A_1029, %add3A_1035 : vector<6400x64xf32>
    %get3A_1037 = arith.constant 0 : index
    %get3A_1038 = arith.constant 0 : index
    %get3A_1039 = vector.load %arg9[%get3A_1037, %get3A_1038] : memref<64x128xf32, #tpu.memory_space<vmem>>, vector<64x128xf32>
    %dot_general3A_1040 = arith.constant dense<0.000000e+00> : vector<6400x128xf32>
    %dot_general3A_1041 = tpu.matmul %mul3A_1036, %get3A_1039, %dot_general3A_1040 {dimension_numbers = #tpu.dot_dimension_numbers<[1], [0], [0], [1], [0, 0, 1, 1], [], []>, transpose_lhs_hint = false} : vector<6400x64xf32>, vector<64x128xf32>, vector<6400x128xf32> -> vector<6400x128xf32>
    %get3A_1042 = arith.constant 0 : index
    %get3A_1043 = arith.constant 0 : index
    %get3A_1044 = vector.load %arg10[%get3A_1042, %get3A_1043] : memref<1x128xf32, #tpu.memory_space<vmem>>, vector<1x128xf32>
    %add3A_1045 = vector.broadcast %get3A_1044 : vector<1x128xf32> to vector<6400x128xf32>
    %add3A_1046 = arith.addf %dot_general3A_1041, %add3A_1045 : vector<6400x128xf32>
    %slice3A_1047 = vector.extract_strided_slice %add3A_1046 {offsets = [0, 0], sizes = [200, 128], strides = [1, 1]} : vector<6400x128xf32> to vector<200x128xf32>
    %swap3A = arith.constant 0 : index
    %swap3A_1048 = arith.constant 0 : index
    %swap3A_1049 = arith.constant 0 : index
    %swap3A_1050 = vector.load %arg11[%swap3A, %swap3A_1048, %swap3A_1049] : memref<32x200x128xf32, #tpu.memory_space<vmem>>, vector<1x200x128xf32>
    %swap3A_1051 = vector.shape_cast %swap3A_1050 : vector<1x200x128xf32> to vector<200x128xf32>
    %swap3A_1052 = vector.shape_cast %slice3A_1047 : vector<200x128xf32> to vector<1x200x128xf32>
    tpu.vector_store %arg11[%swap3A, %swap3A_1048, %swap3A_1049], %swap3A_1052 {strides = array<i32>} : memref<32x200x128xf32, #tpu.memory_space<vmem>>, vector<1x200x128xf32>,
    %slice3A_1053 = vector.extract_strided_slice %add3A_1046 {offsets = [200, 0], sizes = [200, 128], strides = [1, 1]} : vector<6400x128xf32> to vector<200x128xf32>
    %swap3A_1054 = arith.constant 1 : index
    %swap3A_1055 = arith.constant 0 : index
    %swap3A_1056 = arith.constant 0 : index
    %swap3A_1057 = vector.load %arg11[%swap3A_1054, %swap3A_1055, %swap3A_1056] : memref<32x200x128xf32, #tpu.memory_space<vmem>>, vector<1x200x128xf32>
    %swap3A_1058 = vector.shape_cast %swap3A_1057 : vector<1x200x128xf32> to vector<200x128xf32>
    %swap3A_1059 = vector.shape_cast %slice3A_1053 : vector<200x128xf32> to vector<1x200x128xf32>
    tpu.vector_store %arg11[%swap3A_1054, %swap3A_1055, %swap3A_1056], %swap3A_1059 {strides = array<i32>} : memref<32x200x128xf32, #tpu.memory_space<vmem>>, vector<1x200x128xf32>,
    %slice3A_1060 = vector.extract_strided_slice %add3A_1046 {offsets = [400, 0], sizes = [200, 128], strides = [1, 1]} : vector<6400x128xf32> to vector<200x128xf32>
    %swap3A_1061 = arith.constant 2 : index
    %swap3A_1062 = arith.constant 0 : index
    %swap3A_1063 = arith.constant 0 : index
    %swap3A_1064 = vector.load %arg11[%swap3A_1061, %swap3A_1062, %swap3A_1063] : memref<32x200x128xf32, #tpu.memory_space<vmem>>, vector<1x200x128xf32>
    %swap3A_1065 = vector.shape_cast %swap3A_1064 : vector<1x200x128xf32> to vector<200x128xf32>
    %swap3A_1066 = vector.shape_cast %slice3A_1060 : vector<200x128xf32> to vector<1x200x128xf32>
    tpu.vector_store %arg11[%swap3A_1061, %swap3A_1062, %swap3A_1063], %swap3A_1066 {strides = array<i32>} : memref<32x200x128xf32, #tpu.memory_space<vmem>>, vector<1x200x128xf32>,
    %slice3A_1067 = vector.extract_strided_slice %add3A_1046 {offsets = [600, 0], sizes = [200, 128], strides = [1, 1]} : vector<6400x128xf32> to vector<200x128xf32>
    %swap3A_1068 = arith.constant 3 : index
    %swap3A_1069 = arith.constant 0 : index
    %swap3A_1070 = arith.constant 0 : index
    %swap3A_1071 = vector.load %arg11[%swap3A_1068, %swap3A_1069, %swap3A_1070] : memref<32x200x128xf32, #tpu.memory_space<vmem>>, vector<1x200x128xf32>
    %swap3A_1072 = vector.shape_cast %swap3A_1071 : vector<1x200x128xf32> to vector<200x128xf32>
    %swap3A_1073 = vector.shape_cast %slice3A_1067 : vector<200x128xf32> to vector<1x200x128xf32>
    tpu.vector_store %arg11[%swap3A_1068, %swap3A_1069, %swap3A_1070], %swap3A_1073 {strides = array<i32>} : memref<32x200x128xf32, #tpu.memory_space<vmem>>, vector<1x200x128xf32>,
    %slice3A_1074 = vector.extract_strided_slice %add3A_1046 {offsets = [800, 0], sizes = [200, 128], strides = [1, 1]} : vector<6400x128xf32> to vector<200x128xf32>
    %swap3A_1075 = arith.constant 4 : index
    %swap3A_1076 = arith.constant 0 : index
    %swap3A_1077 = arith.constant 0 : index
    %swap3A_1078 = vector.load %arg11[%swap3A_1075, %swap3A_1076, %swap3A_1077] : memref<32x200x128xf32, #tpu.memory_space<vmem>>, vector<1x200x128xf32>
    %swap3A_1079 = vector.shape_cast %swap3A_1078 : vector<1x200x128xf32> to vector<200x128xf32>
    %swap3A_1080 = vector.shape_cast %slice3A_1074 : vector<200x128xf32> to vector<1x200x128xf32>
    tpu.vector_store %arg11[%swap3A_1075, %swap3A_1076, %swap3A_1077], %swap3A_1080 {strides = array<i32>} : memref<32x200x128xf32, #tpu.memory_space<vmem>>, vector<1x200x128xf32>,
    %slice3A_1081 = vector.extract_strided_slice %add3A_1046 {offsets = [1000, 0], sizes = [200, 128], strides = [1, 1]} : vector<6400x128xf32> to vector<200x128xf32>
    %swap3A_1082 = arith.constant 5 : index
    %swap3A_1083 = arith.constant 0 : index
    %swap3A_1084 = arith.constant 0 : index
    %swap3A_1085 = vector.load %arg11[%swap3A_1082, %swap3A_1083, %swap3A_1084] : memref<32x200x128xf32, #tpu.memory_space<vmem>>, vector<1x200x128xf32>
    %swap3A_1086 = vector.shape_cast %swap3A_1085 : vector<1x200x128xf32> to vector<200x128xf32>
    %swap3A_1087 = vector.shape_cast %slice3A_1081 : vector<200x128xf32> to vector<1x200x128xf32>
    tpu.vector_store %arg11[%swap3A_1082, %swap3A_1083, %swap3A_1084], %swap3A_1087 {strides = array<i32>} : memref<32x200x128xf32, #tpu.memory_space<vmem>>, vector<1x200x128xf32>,
    %slice3A_1088 = vector.extract_strided_slice %add3A_1046 {offsets = [1200, 0], sizes = [200, 128], strides = [1, 1]} : vector<6400x128xf32> to vector<200x128xf32>
    %swap3A_1089 = arith.constant 6 : index
    %swap3A_1090 = arith.constant 0 : index
    %swap3A_1091 = arith.constant 0 : index
    %swap3A_1092 = vector.load %arg11[%swap3A_1089, %swap3A_1090, %swap3A_1091] : memref<32x200x128xf32, #tpu.memory_space<vmem>>, vector<1x200x128xf32>
    %swap3A_1093 = vector.shape_cast %swap3A_1092 : vector<1x200x128xf32> to vector<200x128xf32>
    %swap3A_1094 = vector.shape_cast %slice3A_1088 : vector<200x128xf32> to vector<1x200x128xf32>
    tpu.vector_store %arg11[%swap3A_1089, %swap3A_1090, %swap3A_1091], %swap3A_1094 {strides = array<i32>} : memref<32x200x128xf32, #tpu.memory_space<vmem>>, vector<1x200x128xf32>,
    %slice3A_1095 = vector.extract_strided_slice %add3A_1046 {offsets = [1400, 0], sizes = [200, 128], strides = [1, 1]} : vector<6400x128xf32> to vector<200x128xf32>
    %swap3A_1096 = arith.constant 7 : index
    %swap3A_1097 = arith.constant 0 : index
    %swap3A_1098 = arith.constant 0 : index
    %swap3A_1099 = vector.load %arg11[%swap3A_1096, %swap3A_1097, %swap3A_1098] : memref<32x200x128xf32, #tpu.memory_space<vmem>>, vector<1x200x128xf32>
    %swap3A_1100 = vector.shape_cast %swap3A_1099 : vector<1x200x128xf32> to vector<200x128xf32>
    %swap3A_1101 = vector.shape_cast %slice3A_1095 : vector<200x128xf32> to vector<1x200x128xf32>
    tpu.vector_store %arg11[%swap3A_1096, %swap3A_1097, %swap3A_1098], %swap3A_1101 {strides = array<i32>} : memref<32x200x128xf32, #tpu.memory_space<vmem>>, vector<1x200x128xf32>,
    %slice3A_1102 = vector.extract_strided_slice %add3A_1046 {offsets = [1600, 0], sizes = [200, 128], strides = [1, 1]} : vector<6400x128xf32> to vector<200x128xf32>
    %swap3A_1103 = arith.constant 8 : index
    %swap3A_1104 = arith.constant 0 : index
    %swap3A_1105 = arith.constant 0 : index
    %swap3A_1106 = vector.load %arg11[%swap3A_1103, %swap3A_1104, %swap3A_1105] : memref<32x200x128xf32, #tpu.memory_space<vmem>>, vector<1x200x128xf32>
    %swap3A_1107 = vector.shape_cast %swap3A_1106 : vector<1x200x128xf32> to vector<200x128xf32>
    %swap3A_1108 = vector.shape_cast %slice3A_1102 : vector<200x128xf32> to vector<1x200x128xf32>
    tpu.vector_store %arg11[%swap3A_1103, %swap3A_1104, %swap3A_1105], %swap3A_1108 {strides = array<i32>} : memref<32x200x128xf32, #tpu.memory_space<vmem>>, vector<1x200x128xf32>,
    %slice3A_1109 = vector.extract_strided_slice %add3A_1046 {offsets = [1800, 0], sizes = [200, 128], strides = [1, 1]} : vector<6400x128xf32> to vector<200x128xf32>
    %swap3A_1110 = arith.constant 9 : index
    %swap3A_1111 = arith.constant 0 : index
    %swap3A_1112 = arith.constant 0 : index
    %swap3A_1113 = vector.load %arg11[%swap3A_1110, %swap3A_1111, %swap3A_1112] : memref<32x200x128xf32, #tpu.memory_space<vmem>>, vector<1x200x128xf32>
    %swap3A_1114 = vector.shape_cast %swap3A_1113 : vector<1x200x128xf32> to vector<200x128xf32>
    %swap3A_1115 = vector.shape_cast %slice3A_1109 : vector<200x128xf32> to vector<1x200x128xf32>
    tpu.vector_store %arg11[%swap3A_1110, %swap3A_1111, %swap3A_1112], %swap3A_1115 {strides = array<i32>} : memref<32x200x128xf32, #tpu.memory_space<vmem>>, vector<1x200x128xf32>,
    %slice3A_1116 = vector.extract_strided_slice %add3A_1046 {offsets = [2000, 0], sizes = [200, 128], strides = [1, 1]} : vector<6400x128xf32> to vector<200x128xf32>
    %swap3A_1117 = arith.constant 10 : index
    %swap3A_1118 = arith.constant 0 : index
    %swap3A_1119 = arith.constant 0 : index
    %swap3A_1120 = vector.load %arg11[%swap3A_1117, %swap3A_1118, %swap3A_1119] : memref<32x200x128xf32, #tpu.memory_space<vmem>>, vector<1x200x128xf32>
    %swap3A_1121 = vector.shape_cast %swap3A_1120 : vector<1x200x128xf32> to vector<200x128xf32>
    %swap3A_1122 = vector.shape_cast %slice3A_1116 : vector<200x128xf32> to vector<1x200x128xf32>
    tpu.vector_store %arg11[%swap3A_1117, %swap3A_1118, %swap3A_1119], %swap3A_1122 {strides = array<i32>} : memref<32x200x128xf32, #tpu.memory_space<vmem>>, vector<1x200x128xf32>,
    %slice3A_1123 = vector.extract_strided_slice %add3A_1046 {offsets = [2200, 0], sizes = [200, 128], strides = [1, 1]} : vector<6400x128xf32> to vector<200x128xf32>
    %swap3A_1124 = arith.constant 11 : index
    %swap3A_1125 = arith.constant 0 : index
    %swap3A_1126 = arith.constant 0 : index
    %swap3A_1127 = vector.load %arg11[%swap3A_1124, %swap3A_1125, %swap3A_1126] : memref<32x200x128xf32, #tpu.memory_space<vmem>>, vector<1x200x128xf32>
    %swap3A_1128 = vector.shape_cast %swap3A_1127 : vector<1x200x128xf32> to vector<200x128xf32>
    %swap3A_1129 = vector.shape_cast %slice3A_1123 : vector<200x128xf32> to vector<1x200x128xf32>
    tpu.vector_store %arg11[%swap3A_1124, %swap3A_1125, %swap3A_1126], %swap3A_1129 {strides = array<i32>} : memref<32x200x128xf32, #tpu.memory_space<vmem>>, vector<1x200x128xf32>,
    %slice3A_1130 = vector.extract_strided_slice %add3A_1046 {offsets = [2400, 0], sizes = [200, 128], strides = [1, 1]} : vector<6400x128xf32> to vector<200x128xf32>
    %swap3A_1131 = arith.constant 12 : index
    %swap3A_1132 = arith.constant 0 : index
    %swap3A_1133 = arith.constant 0 : index
    %swap3A_1134 = vector.load %arg11[%swap3A_1131, %swap3A_1132, %swap3A_1133] : memref<32x200x128xf32, #tpu.memory_space<vmem>>, vector<1x200x128xf32>
    %swap3A_1135 = vector.shape_cast %swap3A_1134 : vector<1x200x128xf32> to vector<200x128xf32>
    %swap3A_1136 = vector.shape_cast %slice3A_1130 : vector<200x128xf32> to vector<1x200x128xf32>
    tpu.vector_store %arg11[%swap3A_1131, %swap3A_1132, %swap3A_1133], %swap3A_1136 {strides = array<i32>} : memref<32x200x128xf32, #tpu.memory_space<vmem>>, vector<1x200x128xf32>,
    %slice3A_1137 = vector.extract_strided_slice %add3A_1046 {offsets = [2600, 0], sizes = [200, 128], strides = [1, 1]} : vector<6400x128xf32> to vector<200x128xf32>
    %swap3A_1138 = arith.constant 13 : index
    %swap3A_1139 = arith.constant 0 : index
    %swap3A_1140 = arith.constant 0 : index
    %swap3A_1141 = vector.load %arg11[%swap3A_1138, %swap3A_1139, %swap3A_1140] : memref<32x200x128xf32, #tpu.memory_space<vmem>>, vector<1x200x128xf32>
    %swap3A_1142 = vector.shape_cast %swap3A_1141 : vector<1x200x128xf32> to vector<200x128xf32>
    %swap3A_1143 = vector.shape_cast %slice3A_1137 : vector<200x128xf32> to vector<1x200x128xf32>
    tpu.vector_store %arg11[%swap3A_1138, %swap3A_1139, %swap3A_1140], %swap3A_1143 {strides = array<i32>} : memref<32x200x128xf32, #tpu.memory_space<vmem>>, vector<1x200x128xf32>,
    %slice3A_1144 = vector.extract_strided_slice %add3A_1046 {offsets = [2800, 0], sizes = [200, 128], strides = [1, 1]} : vector<6400x128xf32> to vector<200x128xf32>
    %swap3A_1145 = arith.constant 14 : index
    %swap3A_1146 = arith.constant 0 : index
    %swap3A_1147 = arith.constant 0 : index
    %swap3A_1148 = vector.load %arg11[%swap3A_1145, %swap3A_1146, %swap3A_1147] : memref<32x200x128xf32, #tpu.memory_space<vmem>>, vector<1x200x128xf32>
    %swap3A_1149 = vector.shape_cast %swap3A_1148 : vector<1x200x128xf32> to vector<200x128xf32>
    %swap3A_1150 = vector.shape_cast %slice3A_1144 : vector<200x128xf32> to vector<1x200x128xf32>
    tpu.vector_store %arg11[%swap3A_1145, %swap3A_1146, %swap3A_1147], %swap3A_1150 {strides = array<i32>} : memref<32x200x128xf32, #tpu.memory_space<vmem>>, vector<1x200x128xf32>,
    %slice3A_1151 = vector.extract_strided_slice %add3A_1046 {offsets = [3000, 0], sizes = [200, 128], strides = [1, 1]} : vector<6400x128xf32> to vector<200x128xf32>
    %swap3A_1152 = arith.constant 15 : index
    %swap3A_1153 = arith.constant 0 : index
    %swap3A_1154 = arith.constant 0 : index
    %swap3A_1155 = vector.load %arg11[%swap3A_1152, %swap3A_1153, %swap3A_1154] : memref<32x200x128xf32, #tpu.memory_space<vmem>>, vector<1x200x128xf32>
    %swap3A_1156 = vector.shape_cast %swap3A_1155 : vector<1x200x128xf32> to vector<200x128xf32>
    %swap3A_1157 = vector.shape_cast %slice3A_1151 : vector<200x128xf32> to vector<1x200x128xf32>
    tpu.vector_store %arg11[%swap3A_1152, %swap3A_1153, %swap3A_1154], %swap3A_1157 {strides = array<i32>} : memref<32x200x128xf32, #tpu.memory_space<vmem>>, vector<1x200x128xf32>,
    %slice3A_1158 = vector.extract_strided_slice %add3A_1046 {offsets = [3200, 0], sizes = [200, 128], strides = [1, 1]} : vector<6400x128xf32> to vector<200x128xf32>
    %swap3A_1159 = arith.constant 16 : index
    %swap3A_1160 = arith.constant 0 : index
    %swap3A_1161 = arith.constant 0 : index
    %swap3A_1162 = vector.load %arg11[%swap3A_1159, %swap3A_1160, %swap3A_1161] : memref<32x200x128xf32, #tpu.memory_space<vmem>>, vector<1x200x128xf32>
    %swap3A_1163 = vector.shape_cast %swap3A_1162 : vector<1x200x128xf32> to vector<200x128xf32>
    %swap3A_1164 = vector.shape_cast %slice3A_1158 : vector<200x128xf32> to vector<1x200x128xf32>
    tpu.vector_store %arg11[%swap3A_1159, %swap3A_1160, %swap3A_1161], %swap3A_1164 {strides = array<i32>} : memref<32x200x128xf32, #tpu.memory_space<vmem>>, vector<1x200x128xf32>,
    %slice3A_1165 = vector.extract_strided_slice %add3A_1046 {offsets = [3400, 0], sizes = [200, 128], strides = [1, 1]} : vector<6400x128xf32> to vector<200x128xf32>
    %swap3A_1166 = arith.constant 17 : index
    %swap3A_1167 = arith.constant 0 : index
    %swap3A_1168 = arith.constant 0 : index
    %swap3A_1169 = vector.load %arg11[%swap3A_1166, %swap3A_1167, %swap3A_1168] : memref<32x200x128xf32, #tpu.memory_space<vmem>>, vector<1x200x128xf32>
    %swap3A_1170 = vector.shape_cast %swap3A_1169 : vector<1x200x128xf32> to vector<200x128xf32>
    %swap3A_1171 = vector.shape_cast %slice3A_1165 : vector<200x128xf32> to vector<1x200x128xf32>
    tpu.vector_store %arg11[%swap3A_1166, %swap3A_1167, %swap3A_1168], %swap3A_1171 {strides = array<i32>} : memref<32x200x128xf32, #tpu.memory_space<vmem>>, vector<1x200x128xf32>,
    %slice3A_1172 = vector.extract_strided_slice %add3A_1046 {offsets = [3600, 0], sizes = [200, 128], strides = [1, 1]} : vector<6400x128xf32> to vector<200x128xf32>
    %swap3A_1173 = arith.constant 18 : index
    %swap3A_1174 = arith.constant 0 : index
    %swap3A_1175 = arith.constant 0 : index
    %swap3A_1176 = vector.load %arg11[%swap3A_1173, %swap3A_1174, %swap3A_1175] : memref<32x200x128xf32, #tpu.memory_space<vmem>>, vector<1x200x128xf32>
    %swap3A_1177 = vector.shape_cast %swap3A_1176 : vector<1x200x128xf32> to vector<200x128xf32>
    %swap3A_1178 = vector.shape_cast %slice3A_1172 : vector<200x128xf32> to vector<1x200x128xf32>
    tpu.vector_store %arg11[%swap3A_1173, %swap3A_1174, %swap3A_1175], %swap3A_1178 {strides = array<i32>} : memref<32x200x128xf32, #tpu.memory_space<vmem>>, vector<1x200x128xf32>,
    %slice3A_1179 = vector.extract_strided_slice %add3A_1046 {offsets = [3800, 0], sizes = [200, 128], strides = [1, 1]} : vector<6400x128xf32> to vector<200x128xf32>
    %swap3A_1180 = arith.constant 19 : index
    %swap3A_1181 = arith.constant 0 : index
    %swap3A_1182 = arith.constant 0 : index
    %swap3A_1183 = vector.load %arg11[%swap3A_1180, %swap3A_1181, %swap3A_1182] : memref<32x200x128xf32, #tpu.memory_space<vmem>>, vector<1x200x128xf32>
    %swap3A_1184 = vector.shape_cast %swap3A_1183 : vector<1x200x128xf32> to vector<200x128xf32>
    %swap3A_1185 = vector.shape_cast %slice3A_1179 : vector<200x128xf32> to vector<1x200x128xf32>
    tpu.vector_store %arg11[%swap3A_1180, %swap3A_1181, %swap3A_1182], %swap3A_1185 {strides = array<i32>} : memref<32x200x128xf32, #tpu.memory_space<vmem>>, vector<1x200x128xf32>,
    %slice3A_1186 = vector.extract_strided_slice %add3A_1046 {offsets = [4000, 0], sizes = [200, 128], strides = [1, 1]} : vector<6400x128xf32> to vector<200x128xf32>
    %swap3A_1187 = arith.constant 20 : index
    %swap3A_1188 = arith.constant 0 : index
    %swap3A_1189 = arith.constant 0 : index
    %swap3A_1190 = vector.load %arg11[%swap3A_1187, %swap3A_1188, %swap3A_1189] : memref<32x200x128xf32, #tpu.memory_space<vmem>>, vector<1x200x128xf32>
    %swap3A_1191 = vector.shape_cast %swap3A_1190 : vector<1x200x128xf32> to vector<200x128xf32>
    %swap3A_1192 = vector.shape_cast %slice3A_1186 : vector<200x128xf32> to vector<1x200x128xf32>
    tpu.vector_store %arg11[%swap3A_1187, %swap3A_1188, %swap3A_1189], %swap3A_1192 {strides = array<i32>} : memref<32x200x128xf32, #tpu.memory_space<vmem>>, vector<1x200x128xf32>,
    %slice3A_1193 = vector.extract_strided_slice %add3A_1046 {offsets = [4200, 0], sizes = [200, 128], strides = [1, 1]} : vector<6400x128xf32> to vector<200x128xf32>
    %swap3A_1194 = arith.constant 21 : index
    %swap3A_1195 = arith.constant 0 : index
    %swap3A_1196 = arith.constant 0 : index
    %swap3A_1197 = vector.load %arg11[%swap3A_1194, %swap3A_1195, %swap3A_1196] : memref<32x200x128xf32, #tpu.memory_space<vmem>>, vector<1x200x128xf32>
    %swap3A_1198 = vector.shape_cast %swap3A_1197 : vector<1x200x128xf32> to vector<200x128xf32>
    %swap3A_1199 = vector.shape_cast %slice3A_1193 : vector<200x128xf32> to vector<1x200x128xf32>
    tpu.vector_store %arg11[%swap3A_1194, %swap3A_1195, %swap3A_1196], %swap3A_1199 {strides = array<i32>} : memref<32x200x128xf32, #tpu.memory_space<vmem>>, vector<1x200x128xf32>,
    %slice3A_1200 = vector.extract_strided_slice %add3A_1046 {offsets = [4400, 0], sizes = [200, 128], strides = [1, 1]} : vector<6400x128xf32> to vector<200x128xf32>
    %swap3A_1201 = arith.constant 22 : index
    %swap3A_1202 = arith.constant 0 : index
    %swap3A_1203 = arith.constant 0 : index
    %swap3A_1204 = vector.load %arg11[%swap3A_1201, %swap3A_1202, %swap3A_1203] : memref<32x200x128xf32, #tpu.memory_space<vmem>>, vector<1x200x128xf32>
    %swap3A_1205 = vector.shape_cast %swap3A_1204 : vector<1x200x128xf32> to vector<200x128xf32>
    %swap3A_1206 = vector.shape_cast %slice3A_1200 : vector<200x128xf32> to vector<1x200x128xf32>
    tpu.vector_store %arg11[%swap3A_1201, %swap3A_1202, %swap3A_1203], %swap3A_1206 {strides = array<i32>} : memref<32x200x128xf32, #tpu.memory_space<vmem>>, vector<1x200x128xf32>,
    %slice3A_1207 = vector.extract_strided_slice %add3A_1046 {offsets = [4600, 0], sizes = [200, 128], strides = [1, 1]} : vector<6400x128xf32> to vector<200x128xf32>
    %swap3A_1208 = arith.constant 23 : index
    %swap3A_1209 = arith.constant 0 : index
    %swap3A_1210 = arith.constant 0 : index
    %swap3A_1211 = vector.load %arg11[%swap3A_1208, %swap3A_1209, %swap3A_1210] : memref<32x200x128xf32, #tpu.memory_space<vmem>>, vector<1x200x128xf32>
    %swap3A_1212 = vector.shape_cast %swap3A_1211 : vector<1x200x128xf32> to vector<200x128xf32>
    %swap3A_1213 = vector.shape_cast %slice3A_1207 : vector<200x128xf32> to vector<1x200x128xf32>
    tpu.vector_store %arg11[%swap3A_1208, %swap3A_1209, %swap3A_1210], %swap3A_1213 {strides = array<i32>} : memref<32x200x128xf32, #tpu.memory_space<vmem>>, vector<1x200x128xf32>,
    %slice3A_1214 = vector.extract_strided_slice %add3A_1046 {offsets = [4800, 0], sizes = [200, 128], strides = [1, 1]} : vector<6400x128xf32> to vector<200x128xf32>
    %swap3A_1215 = arith.constant 24 : index
    %swap3A_1216 = arith.constant 0 : index
    %swap3A_1217 = arith.constant 0 : index
    %swap3A_1218 = vector.load %arg11[%swap3A_1215, %swap3A_1216, %swap3A_1217] : memref<32x200x128xf32, #tpu.memory_space<vmem>>, vector<1x200x128xf32>
    %swap3A_1219 = vector.shape_cast %swap3A_1218 : vector<1x200x128xf32> to vector<200x128xf32>
    %swap3A_1220 = vector.shape_cast %slice3A_1214 : vector<200x128xf32> to vector<1x200x128xf32>
    tpu.vector_store %arg11[%swap3A_1215, %swap3A_1216, %swap3A_1217], %swap3A_1220 {strides = array<i32>} : memref<32x200x128xf32, #tpu.memory_space<vmem>>, vector<1x200x128xf32>,
    %slice3A_1221 = vector.extract_strided_slice %add3A_1046 {offsets = [5000, 0], sizes = [200, 128], strides = [1, 1]} : vector<6400x128xf32> to vector<200x128xf32>
    %swap3A_1222 = arith.constant 25 : index
    %swap3A_1223 = arith.constant 0 : index
    %swap3A_1224 = arith.constant 0 : index
    %swap3A_1225 = vector.load %arg11[%swap3A_1222, %swap3A_1223, %swap3A_1224] : memref<32x200x128xf32, #tpu.memory_space<vmem>>, vector<1x200x128xf32>
    %swap3A_1226 = vector.shape_cast %swap3A_1225 : vector<1x200x128xf32> to vector<200x128xf32>
    %swap3A_1227 = vector.shape_cast %slice3A_1221 : vector<200x128xf32> to vector<1x200x128xf32>
    tpu.vector_store %arg11[%swap3A_1222, %swap3A_1223, %swap3A_1224], %swap3A_1227 {strides = array<i32>} : memref<32x200x128xf32, #tpu.memory_space<vmem>>, vector<1x200x128xf32>,
    %slice3A_1228 = vector.extract_strided_slice %add3A_1046 {offsets = [5200, 0], sizes = [200, 128], strides = [1, 1]} : vector<6400x128xf32> to vector<200x128xf32>
    %swap3A_1229 = arith.constant 26 : index
    %swap3A_1230 = arith.constant 0 : index
    %swap3A_1231 = arith.constant 0 : index
    %swap3A_1232 = vector.load %arg11[%swap3A_1229, %swap3A_1230, %swap3A_1231] : memref<32x200x128xf32, #tpu.memory_space<vmem>>, vector<1x200x128xf32>
    %swap3A_1233 = vector.shape_cast %swap3A_1232 : vector<1x200x128xf32> to vector<200x128xf32>
    %swap3A_1234 = vector.shape_cast %slice3A_1228 : vector<200x128xf32> to vector<1x200x128xf32>
    tpu.vector_store %arg11[%swap3A_1229, %swap3A_1230, %swap3A_1231], %swap3A_1234 {strides = array<i32>} : memref<32x200x128xf32, #tpu.memory_space<vmem>>, vector<1x200x128xf32>,
    %slice3A_1235 = vector.extract_strided_slice %add3A_1046 {offsets = [5400, 0], sizes = [200, 128], strides = [1, 1]} : vector<6400x128xf32> to vector<200x128xf32>
    %swap3A_1236 = arith.constant 27 : index
    %swap3A_1237 = arith.constant 0 : index
    %swap3A_1238 = arith.constant 0 : index
    %swap3A_1239 = vector.load %arg11[%swap3A_1236, %swap3A_1237, %swap3A_1238] : memref<32x200x128xf32, #tpu.memory_space<vmem>>, vector<1x200x128xf32>
    %swap3A_1240 = vector.shape_cast %swap3A_1239 : vector<1x200x128xf32> to vector<200x128xf32>
    %swap3A_1241 = vector.shape_cast %slice3A_1235 : vector<200x128xf32> to vector<1x200x128xf32>
    tpu.vector_store %arg11[%swap3A_1236, %swap3A_1237, %swap3A_1238], %swap3A_1241 {strides = array<i32>} : memref<32x200x128xf32, #tpu.memory_space<vmem>>, vector<1x200x128xf32>,
    %slice3A_1242 = vector.extract_strided_slice %add3A_1046 {offsets = [5600, 0], sizes = [200, 128], strides = [1, 1]} : vector<6400x128xf32> to vector<200x128xf32>
    %swap3A_1243 = arith.constant 28 : index
    %swap3A_1244 = arith.constant 0 : index
    %swap3A_1245 = arith.constant 0 : index
    %swap3A_1246 = vector.load %arg11[%swap3A_1243, %swap3A_1244, %swap3A_1245] : memref<32x200x128xf32, #tpu.memory_space<vmem>>, vector<1x200x128xf32>
    %swap3A_1247 = vector.shape_cast %swap3A_1246 : vector<1x200x128xf32> to vector<200x128xf32>
    %swap3A_1248 = vector.shape_cast %slice3A_1242 : vector<200x128xf32> to vector<1x200x128xf32>
    tpu.vector_store %arg11[%swap3A_1243, %swap3A_1244, %swap3A_1245], %swap3A_1248 {strides = array<i32>} : memref<32x200x128xf32, #tpu.memory_space<vmem>>, vector<1x200x128xf32>,
    %slice3A_1249 = vector.extract_strided_slice %add3A_1046 {offsets = [5800, 0], sizes = [200, 128], strides = [1, 1]} : vector<6400x128xf32> to vector<200x128xf32>
    %swap3A_1250 = arith.constant 29 : index
    %swap3A_1251 = arith.constant 0 : index
    %swap3A_1252 = arith.constant 0 : index
    %swap3A_1253 = vector.load %arg11[%swap3A_1250, %swap3A_1251, %swap3A_1252] : memref<32x200x128xf32, #tpu.memory_space<vmem>>, vector<1x200x128xf32>
    %swap3A_1254 = vector.shape_cast %swap3A_1253 : vector<1x200x128xf32> to vector<200x128xf32>
    %swap3A_1255 = vector.shape_cast %slice3A_1249 : vector<200x128xf32> to vector<1x200x128xf32>
    tpu.vector_store %arg11[%swap3A_1250, %swap3A_1251, %swap3A_1252], %swap3A_1255 {strides = array<i32>} : memref<32x200x128xf32, #tpu.memory_space<vmem>>, vector<1x200x128xf32>,
    %slice3A_1256 = vector.extract_strided_slice %add3A_1046 {offsets = [6000, 0], sizes = [200, 128], strides = [1, 1]} : vector<6400x128xf32> to vector<200x128xf32>
    %swap3A_1257 = arith.constant 30 : index
    %swap3A_1258 = arith.constant 0 : index
    %swap3A_1259 = arith.constant 0 : index
    %swap3A_1260 = vector.load %arg11[%swap3A_1257, %swap3A_1258, %swap3A_1259] : memref<32x200x128xf32, #tpu.memory_space<vmem>>, vector<1x200x128xf32>
    %swap3A_1261 = vector.shape_cast %swap3A_1260 : vector<1x200x128xf32> to vector<200x128xf32>
    %swap3A_1262 = vector.shape_cast %slice3A_1256 : vector<200x128xf32> to vector<1x200x128xf32>
    tpu.vector_store %arg11[%swap3A_1257, %swap3A_1258, %swap3A_1259], %swap3A_1262 {strides = array<i32>} : memref<32x200x128xf32, #tpu.memory_space<vmem>>, vector<1x200x128xf32>,
    %slice3A_1263 = vector.extract_strided_slice %add3A_1046 {offsets = [6200, 0], sizes = [200, 128], strides = [1, 1]} : vector<6400x128xf32> to vector<200x128xf32>
    %swap3A_1264 = arith.constant 31 : index
    %swap3A_1265 = arith.constant 0 : index
    %swap3A_1266 = arith.constant 0 : index
    %swap3A_1267 = vector.load %arg11[%swap3A_1264, %swap3A_1265, %swap3A_1266] : memref<32x200x128xf32, #tpu.memory_space<vmem>>, vector<1x200x128xf32>
    %swap3A_1268 = vector.shape_cast %swap3A_1267 : vector<1x200x128xf32> to vector<200x128xf32>
    %swap3A_1269 = vector.shape_cast %slice3A_1263 : vector<200x128xf32> to vector<1x200x128xf32>
    tpu.vector_store %arg11[%swap3A_1264, %swap3A_1265, %swap3A_1266], %swap3A_1269 {strides = array<i32>} : memref<32x200x128xf32, #tpu.memory_space<vmem>>, vector<1x200x128xf32>,
    return
  }
  func.func @transform_0(%arg0: i32) -> (i32, i32) {
    %c0_i32 = arith.constant 0 : i32
    %c0_i32_0 = arith.constant 0 : i32
    return %arg0, %c0_i32 : i32, i32
  }
  func.func @transform_1(%arg0: i32) -> (i32, i32) {
    %c0_i32 = arith.constant 0 : i32
    %c0_i32_0 = arith.constant 0 : i32
    return %arg0, %c0_i32 : i32, i32
  }
  func.func @transform_2(%arg0: i32) -> (i32, i32) {
    %c0_i32 = arith.constant 0 : i32
    %c0_i32_0 = arith.constant 0 : i32
    %c0_i32_1 = arith.constant 0 : i32
    return %c0_i32, %c0_i32_0 : i32, i32
  }
  func.func @transform_3(%arg0: i32) -> (i32, i32) {
    %c0_i32 = arith.constant 0 : i32
    %c0_i32_0 = arith.constant 0 : i32
    %c0_i32_1 = arith.constant 0 : i32
    return %c0_i32, %c0_i32_0 : i32, i32
  }
  func.func @transform_4(%arg0: i32) -> (i32, i32) {
    %c0_i32 = arith.constant 0 : i32
    %c0_i32_0 = arith.constant 0 : i32
    %c0_i32_1 = arith.constant 0 : i32
    return %c0_i32, %c0_i32_0 : i32, i32
  }
  func.func @transform_5(%arg0: i32) -> (i32, i32) {
    %c0_i32 = arith.constant 0 : i32
    %c0_i32_0 = arith.constant 0 : i32
    %c0_i32_1 = arith.constant 0 : i32
    return %c0_i32, %c0_i32_0 : i32, i32
  }
  func.func @transform_6(%arg0: i32) -> (i32, i32) {
    %c0_i32 = arith.constant 0 : i32
    %c0_i32_0 = arith.constant 0 : i32
    %c0_i32_1 = arith.constant 0 : i32
    return %c0_i32, %c0_i32_0 : i32, i32
  }
  func.func @transform_7(%arg0: i32) -> (i32, i32) {
    %c0_i32 = arith.constant 0 : i32
    %c0_i32_0 = arith.constant 0 : i32
    %c0_i32_1 = arith.constant 0 : i32
    return %c0_i32, %c0_i32_0 : i32, i32
  }
  func.func @transform_8(%arg0: i32) -> (i32, i32) {
    %c0_i32 = arith.constant 0 : i32
    %c0_i32_0 = arith.constant 0 : i32
    %c0_i32_1 = arith.constant 0 : i32
    return %c0_i32, %c0_i32_0 : i32, i32
  }
  func.func @transform_9(%arg0: i32) -> (i32, i32) {
    %c0_i32 = arith.constant 0 : i32
    %c0_i32_0 = arith.constant 0 : i32
    %c0_i32_1 = arith.constant 0 : i32
    return %c0_i32, %c0_i32_0 : i32, i32
  }
  func.func @transform_10(%arg0: i32) -> (i32, i32, i32) {
    %c0_i32 = arith.constant 0 : i32
    %c0_i32_0 = arith.constant 0 : i32
    %c0_i32_1 = arith.constant 0 : i32
    return %arg0, %c0_i32, %c0_i32_0 : i32, i32, i32
  }
}

</mosaic_0001>

<sc_bundles>
// kernel: kernel.4.cloned.1.call-start
scs
__scs_entry_jumppad:
0x0: {  	(pc) =	sbr.rel $0x88, $3  }
0x1: {  	(tag) =	ssettag $0x0;
	lr =	simm.s32 $0x1  }
0x2: {  	[smem:$0x3F8B] =	sst lr;
	_ =	strace $0xD0000000  }
0x3: {  	_ = 	snop  }
0x4: {  	_ = 	snop  }
0x5: {  	_ = 	snop  }
0x6: {  	_ = 	snop  }
0x7: {  	_ = 	snop  }
__scs_overlays_trampoline_lowered:
0x8: {  	[smem:$0x3F9A] =	sst s0  }
0x9: {  	[smem:$0x3F9B] =	sst s1  }
0xa: {  	[smem:$0x3F9C] =	sst s2  }
0xb: {  	[smem:$0x3F9D] =	sst s3  }
0xc: {  	[smem:$0x3F9E] =	sst s4  }
0xd: {  	[smem:$0x3F9F] =	sst s5  }
0xe: {  	[smem:$0x3FA0] =	sst s6  }
0xf: {  	[smem:$0x3FA1] =	sst s7  }
0x10: {  	[smem:$0x3FA2] =	sst s8  }
0x11: {  	[smem:$0x3FA3] =	sst s9;
	s0 =	simm.s32 @!p0 $0x0  }
0x12: {  	s1 =	sld [smem:$0x3F89];
	s0 =	simm.s32 @p0 $0x1  }
0x13: {  	[smem:$0x3FA4] =	sst s0;
	s0 =	simm.s32 @!p1 $0x0  }
0x14: {  	s2 =	sld [smem:$0x3F88];
	s0 =	simm.s32 @p1 $0x1  }
0x15: {  	[smem:$0x3FA5] =	sst s0;
	s0 =	simm.s32 @!p2 $0x0  }
0x16: {  	s3 =	sld [smem:$0x3FDB];
	s0 =	simm.s32 @p2 $0x1  }
0x17: {  	s4 =	simm.s32 $0x1BF5;
	[smem:$0x3FA7] =	sst s0  }
0x18: {  	s0 =	sld [smem:$0x3F8A];
	_ =	swait.ge [sflag:s4], $0x0  }
0x19: {  	s7 =	sld [smem:$0x3F8B]  }
0x1a: {  	s8 =	sadd.s32 $0xFFFFE003, lr  }
0x1b: {  	s9 =	sadd.s32 $0xFFFFFEF7, lr;
	s5 =	simm.s32 $0xFFFFFFFF;
	p2 =	slt.u32 s8, $0xFFFFF086  }
0x1c: {  	p1 =	slt.u32 s9, $0xF7A;
	s5 =	simm.s32 @!p2 $0x0  }
0x1d: {  	s5 =	simm.s32 @p1 $0x1;
	p0 =	seq.s32 s7, s2  }
0x1e: {  	s7 =	smul.u32 @!p0 $0xF7A, s2;
	p2 =	seq.s32 @!p0 s5, $0x0  }
0x1f: {  	s9 =	smul.u32 $0xF7A, s1;
	s8 =	simm.s32 @!p0 $0x1BF5;
	p2 =	por !p2, p0  }
0x20: {  	[sflag:s8] =	ssyncset.s32 @!p0 $0xFFFFF086;
	s6 =	sadd.s32 @!p0 s3, s7;
	s7 =	simm.s32 @!p0 $0x108  }
0x21: {  	s3 =	sadd.s32 s3, s9;
	s6 =	sadd.s32 @!p0 $0x88, s6;
	s7 =	simm.s32 @p2 $0x1082  }
0x22: {  	[simem:s7], [sflag:s8] =	dma.local @!p0 [hbm:s6], $0xF7A  }
0x23: {  	s9 =	sor.u32 $0xD0000000, s2;
	s6 =	simm.s32 $0x108;
	_ =	swait.ge @!p0 [sflag:s8], $0x0  }
0x24: {  	s3 =	sadd.s32 $0x88, s3;
	s6 =	simm.s32 @!p1 $0x1082;
	[sflag:s4] =	ssyncset.s32 $0xFFFFF086  }
0x25: {  	[simem:s6], [sflag:s4] =	dma.local [hbm:s3], $0xF7A  }
0x26: {  	[smem:$0x3F8B] =	sst s1;
	(tag) =	ssettag s2;
	_ =	strace s9  }
0x27: {  	s1 =	sld [smem:$0x3F9B]  }
0x28: {  	s2 =	sld [smem:$0x3F9C]  }
0x29: {  	s4 =	sld [smem:$0x3F9E]  }
0x2a: {  	p0 =	seq.s32 s5, $0x0;
	s5 =	sld [smem:$0x3F9F]  }
0x2b: {  	s6 =	sld [smem:$0x3FA0]  }
0x2c: {  	s7 =	sld [smem:$0x3FA1]  }
0x2d: {  	s3 =	simm.s32 $0x108;
	s8 =	sld [smem:$0x3FA2]  }
0x2e: {  	s3 =	simm.s32 @!p0 $0x1082;
	s9 =	sld [smem:$0x3FA3]  }
0x2f: {  	lr =	sadd.s32 s0, s3;
	s0 =	sld [smem:$0x3F9A]  }
0x30: {  	s3 =	sld [smem:$0x3F9D]  }
0x31: {  	[smem:$0x3FA6] =	sst s10  }
0x32: {  	s10 =	sld [smem:$0x3FA4];
	_ =	sdelay $0x3  }
0x33: {  	p0 =	seq.s32 s10, $0x1;
	s10 =	sld [smem:$0x3FA6];
	_ =	sdelay $0x3  }
0x34: {  	[smem:$0x3FA6] =	sst s10  }
0x35: {  	s10 =	sld [smem:$0x3FA5];
	_ =	sdelay $0x3  }
0x36: {  	p1 =	seq.s32 s10, $0x1;
	s10 =	sld [smem:$0x3FA6];
	_ =	sdelay $0x3  }
0x37: {  	[smem:$0x3FA6] =	sst s10  }
0x38: {  	s10 =	sld [smem:$0x3FA7]  }
0x39: {  	_ = 	snop;
	(pc) =	sbr.ind lr, $3  }
0x3a: {  	_ = 	snop  }
0x3b: {  	_ = 	snop  }
0x3c: {  	p2 =	seq.s32 s10, $0x1;
	s10 =	sld [smem:$0x3FA6]  }
0x3d: {  	_ =	shalt  }
0x3e: {  	_ =	shalt  }
0x3f: {  	_ =	shalt  }
0x40: {  	_ =	shalt  }
0x41: {  	_ =	shalt  }
0x42: {  	_ =	shalt  }
0x43: {  	_ =	shalt  }
0x44: {  	_ =	shalt  }
0x45: {  	_ =	shalt  }
0x46: {  	_ =	shalt  }
0x47: {  	_ =	shalt  }
0x48: {  	_ =	shalt  }
0x49: {  	_ =	shalt  }
0x4a: {  	_ =	shalt  }
0x4b: {  	_ =	shalt  }
0x4c: {  	_ =	shalt  }
0x4d: {  	_ =	shalt  }
0x4e: {  	_ =	shalt  }
0x4f: {  	_ =	shalt  }
0x50: {  	_ =	shalt  }
0x51: {  	_ =	shalt  }
0x52: {  	_ =	shalt  }
0x53: {  	_ =	shalt  }
0x54: {  	_ =	shalt  }
0x55: {  	_ =	shalt  }
0x56: {  	_ =	shalt  }
0x57: {  	_ =	shalt  }
0x58: {  	_ =	shalt  }
0x59: {  	_ =	shalt  }
0x5a: {  	_ =	shalt  }
0x5b: {  	_ =	shalt  }
0x5c: {  	_ =	shalt  }
0x5d: {  	_ =	shalt  }
0x5e: {  	_ =	shalt  }
0x5f: {  	_ =	shalt  }
0x60: {  	_ =	shalt  }
0x61: {  	_ =	shalt  }
0x62: {  	_ =	shalt  }
0x63: {  	_ =	shalt  }
0x64: {  	_ =	shalt  }
0x65: {  	_ =	shalt  }
0x66: {  	_ =	shalt  }
0x67: {  	_ =	shalt  }
0x68: {  	_ =	shalt  }
0x69: {  	_ =	shalt  }
0x6a: {  	_ =	shalt  }
0x6b: {  	_ =	shalt  }
0x6c: {  	_ =	shalt  }
0x6d: {  	_ =	shalt  }
0x6e: {  	_ =	shalt  }
0x6f: {  	_ =	shalt  }
0x70: {  	_ =	shalt  }
0x71: {  	_ =	shalt  }
0x72: {  	_ =	shalt  }
0x73: {  	_ =	shalt  }
0x74: {  	_ =	shalt  }
0x75: {  	_ =	shalt  }
0x76: {  	_ =	shalt  }
0x77: {  	_ =	shalt  }
0x78: {  	_ =	shalt  }
0x79: {  	_ =	shalt  }
0x7a: {  	_ =	shalt  }
0x7b: {  	_ =	shalt  }
0x7c: {  	_ =	shalt  }
0x7d: {  	_ =	shalt  }
0x7e: {  	_ =	shalt  }
0x7f: {  	_ =	shalt  }
0x80: {  	_ =	shalt  }
0x81: {  	_ =	shalt  }
0x82: {  	_ =	shalt  }
0x83: {  	_ =	shalt  }
0x84: {  	_ =	shalt  }
0x85: {  	_ =	shalt  }
0x86: {  	_ =	shalt  }
0x87: {  	_ =	shalt  }
.Lfunc_end0:
.L_simem_size_0:
called_computation_lowered:
.L_overlay_start_0:
0x88: {  	s2 =	sld [smem:$0x3FD9]  }
0x89: {  	s3 =	sld [smem:$0x3FFE];
	_ =	sdelay $0x1  }
0x8a: {  	s1 =	srdreg.scid  }
0x8b: {  	s0 =	sand.u32 $0x1, s1  }
0x8c: {  	s16 =	sshll.u32 s0, $0xA;
	s2 =	sadd.s32 s3, s2  }
0x8d: {  	s2 =	sadd.s32 s2, s16  }
0x8e: {  	[smem:$0x3FB2] =	sst s2  }
0x8f: {  	_ = 	snop  }
0x90: {  	(tm) =	ssettm $0x1  }
0x91: {  	s17 =	sld [smem:$0x3FFB];
	_ =	sdelay $0x3  }
0x92: {  	_ =	strace s17  }
0x93: {  	s2 =	sld [smem:$0x3FFC];
	_ =	sdelay $0x3  }
0x94: {  	_ =	strace s2  }
0x95: {  	s2 =	sld [smem:$0x3FFD];
	_ =	sdelay $0x3  }
0x96: {  	_ =	strace s2  }
0x97: {  	_ =	strace $0x8FFFFFFF  }
0x98: {  	s18 =	sld [smem:$0x3FDB];
	_ =	sdelay $0x1  }
0x99: {  	s19 =	simm.s32 $_scs_section_size  }
0x9a: {  	s4 =	simm.s32 $_size__tile_overlayer_lowered;
	s5 =	simm.s32 $_tile_overlayer_lowered  }
0x9b: {  	s22 =	simm.s32 $0x1BFF;
	s21 =	sshll.u32 s5, $0x1;
	s2 =	sadd.s32 s19, s18  }
0x9c: {  	s6 =	simm.s32 $0x0;
	s20 =	sshll.u32 s4, $0x1;
	s4 =	sadd.s32 s21, s2  }
0x9d: {  	[timem:s6], [sflag:s22] =	dma.local [hbm:s4], s20  }
0x9e: {  	_ =	swait.ge [sflag:s22], s20  }
0x9f: {  	s3 =	ssub.s32 $0x0, s20;
	[sflag:s22] =	ssyncset.done $0x0  }
0xa0: {  	[sflag:s22] =	ssyncadd.s32 s3;
	_ =	sdelay $0x1  }
0xa1: {  	s23 =	simm.s32 $0x1B8B  }
0xa2: {  	_ =	swait.ge [sflag:s23], $0x1  }
0xa3: {  	[sflag:s23] =	ssyncset.done $0x0  }
0xa4: {  	s25 =	simm.s32 $0x1B8E;
	s24 =	sld [smem:$0x3FFE];
	[sflag:s23] =	ssyncadd.s32 $0xFFFFFFFF  }
0xa5: {  	s26 =	simm.s32 $execute0_lowered;
	[smem:$0x3FD2] =	sst s25  }
0xa6: {  	s4 =	sshll.u32 s26, $0x1;
	_ =	strace $0x80000046;
	[dreg:$0x1] =	wrdreg $0xFFFFFFFF  }
0xa7: {  	s28 =	simm.s32 $_size_execute0_lowered;
	s2 =	sadd.s32 s2, s4;
	[dreg:$0x0] =	wrdreg $0x0  }
0xa8: {  	s4 =	sshll.u32 s28, $0x1;
	[dreg:$0x2] =	wrdreg s2  }
0xa9: {  	[dreg:$0x3] =	wrdreg s4  }
0xaa: {  	[dreg:$0x4] =	wrdreg $0xC0  }
0xab: {  	_ =	task [dreg:s6], $0x5FFFF  }
0xac: {  	[dreg:$0x1] =	wrdreg $0xFFFFFFFF  }
0xad: {  	[dreg:$0x0] =	wrdreg $0x60  }
0xae: {  	[dreg:$0x2] =	wrdreg s24  }
0xaf: {  	[dreg:$0x3] =	wrdreg $0x9  }
0xb0: {  	_ =	task.clear_ibuf [dreg:s6], $0x4FFFF;
	_ =	strace $0x90000046  }
0xb1: {  	s29 =	simm.s32 $0x9;
	_ =	strace $0x80000048  }
0xb2: {  	_ =	swait.ge [sflag:s29], $0x1  }
0xb3: {  	[sflag:s29] =	ssyncadd.s32 $0xFFFFFFFF  }
0xb4: {  	_ =	strace $0x90000048  }
0xb5: {  	_ =	sfence  }
0xb6: {  	s30 =	sld [smem:$0x0];
	_ =	sdelay $0x2  }
0xb7: {  	s31 =	sshll.u32 s1, $0xD;
	s1 =	sshrl.u32 s1, $0x2  }
0xb8: {  	s3 =	sand.u32 $0x4000, s31;
	s1 =	sadd.s32 s1, s30  }
0xb9: {  	s0 =	sor.u32 s3, s0;
	s1 =	sshll.u32 s1, $0x11  }
0xba: {  	s0 =	sor.u32 s1, s0  }
0xbb: {  	s0 =	sadd.s32 $0x8F2B, s0  }
0xbc: {  	[sflag:s0] =	ssyncadd.remote.s32 $0x1  }
0xbd: {  	_ =	sfence.sel $0xFFFF  }
0xbe: {  	[dreg:$0x0] =	wrdreg $0xFFFFFFFF;
	(pc) =	sbr.abs _section_cstart, $3  }
0xbf: {  	[dreg:$0x1] =	wrdreg $0xFFFFFFFF  }
0xc0: {  	_ =	task.clear_ibuf [dreg:s6], $0x2FFFF;
	_ =	strace $0x9FFFFFFF  }
0xc1: {  	(tm) =	ssettm $0x7FFFFFFF  }
tec
execute0_lowered:
.L_overlay_start_1:
0x0: {  	(tag) =	ssettag $0x1  }
0x1: {  	s1 =	srdreg.scid  }
0x2: {  	s0 =	stileid.u32;
	s5 =	rddreg [dreg:$0x0];
	s2 =	simm.s32 $0x0  }
0x3: {  	s12 =	simm.s32 $0x1900;
	s13 =	simm.s32 $0x5A00;
	s14 =	simm.s32 $0x2100  }
0x4: {  	s15 =	simm.s32 $0x6200;
	s16 =	simm.s32 $0x2900;
	s17 =	simm.s32 $0x6A00  }
0x5: {  	s18 =	simm.s32 $0x3100;
	s19 =	simm.s32 $0x7200;
	s20 =	simm.s32 $0x3900  }
0x6: {  	s21 =	simm.s32 $0x7A00;
	s22 =	simm.s32 $0x1;
	s23 =	simm.s32 $0x2  }
0x7: {  	s24 =	simm.s32 $0x10;
	s6 =	sand.u32 $0x1, s1;
	s1 =	rddreg [dreg:$0x1]  }
0x8: {  	s25 =	simm.s32 $0x0;
	s3 =	sshll.u32 s0, $0x1;
	[smem:$0x7FF] =	sst s2  }
0x9: {  	s4 =	sadd.s32 $0x3E00, s5;
	s8 =	smul.u32 $0x32000, s0;
	s3 =	sor.u32 s6, s3  }
0xa: {  	_ =	strace $0x80000047;
	s9 =	ssub.s32 $0x2, s6;
	s7 =	smul.u32 $0x1900, s3  }
0xb: {  	s11 =	smul.u32 $0x19000, s6;
	s3 =	sadd.s32 $0x18E00, s5;
	s10 =	sshrl.u32 s9, $0x1  }
0xc: {  	s8 =	sadd.s32 s8, s5;
	s9 =	ssub.s32 s9, s10;
	s7 =	sshrl.u32 s7, $0x3  }
0xd: {  	s8 =	sadd.s32 s11, s8;
	s10 =	simm.s32 $0x4100;
	s7 =	sadd.s32 s7, s5  }
0xe: {  	s11 =	simm.s32 $0x80;
	s8 =	sadd.s32 $0x49C02, s8;
	s5 =	sadd.s32 $0xC600, s7  }
0xf: {  	s6 =	sadd.s32 $0x12A00, s7;
	s7 =	smax.u32 s9, $0x1;
	s9 =	simm.s32 $0x3  }
.LBB2_1:
0x10: {  	[tilespmem:s2], [sflag:$0x3] =	stream.linear.gather [hbm4b:s5+s2], $0x1900, $0x38;
	[tilespmem:$0x8200] =	vst v63  }
0x11: {  	_ =	swait.ge [sflag:s9], $0x1900  }
0x12: {  	[sflag:s9] =	ssyncset.done $0x0  }
0x13: {  	[sflag:s9] =	ssyncadd.s32 $0xFFFFE700  }
0x14: {  	[tilespmem:s10], [sflag:$0x3] =	stream.linear.gather [hbm4b:s6+s2], $0x1900, $0x38;
	[tilespmem:$0x8200] =	vst v63  }
0x15: {  	_ =	swait.ge [sflag:s9], $0x1900  }
0x16: {  	[sflag:s9] =	ssyncset.done $0x0  }
0x17: {  	s26 =	simm.s32 $0x0;
	[sflag:s9] =	ssyncadd.s32 $0xFFFFE700  }
0x18: {  	[tilespmem:s12], [sflag:$0x1] =	stream.indirect.gather [hbm4b:s3+s11], $0x10, s26, s11, $0xb8;
	[tilespmem:$0x8200] =	vst v63  }
0x19: {  	s29 =	simm.s32 $0x4100  }
0x1a: {  	[tilespmem:s13], [sflag:$0x2] =	stream.indirect.gather [hbm4b:s4+s11], $0x10, s29, s11, $0xb8;
	[tilespmem:$0x8200] =	vst v63  }
0x1b: {  	s31 =	simm.s32 $0x80  }
0x1c: {  	[tilespmem:s14], [sflag:$0x1] =	stream.indirect.gather [hbm4b:s3+s11], $0x10, s31, s11, $0xb8;
	[tilespmem:$0x8200] =	vst v63  }
0x1d: {  	s29 =	simm.s32 $0x4180  }
0x1e: {  	[tilespmem:s15], [sflag:$0x2] =	stream.indirect.gather [hbm4b:s4+s11], $0x10, s29, s11, $0xb8;
	[tilespmem:$0x8200] =	vst v63  }
0x1f: {  	s31 =	simm.s32 $0x100  }
0x20: {  	[tilespmem:s16], [sflag:$0x1] =	stream.indirect.gather [hbm4b:s3+s11], $0x10, s31, s11, $0xb8;
	[tilespmem:$0x8200] =	vst v63  }
0x21: {  	s29 =	simm.s32 $0x4200  }
0x22: {  	[tilespmem:s17], [sflag:$0x2] =	stream.indirect.gather [hbm4b:s4+s11], $0x10, s29, s11, $0xb8;
	[tilespmem:$0x8200] =	vst v63  }
0x23: {  	s31 =	simm.s32 $0x180  }
0x24: {  	[tilespmem:s18], [sflag:$0x1] =	stream.indirect.gather [hbm4b:s3+s11], $0x10, s31, s11, $0xb8;
	[tilespmem:$0x8200] =	vst v63  }
0x25: {  	s29 =	simm.s32 $0x4280  }
0x26: {  	[tilespmem:s19], [sflag:$0x2] =	stream.indirect.gather [hbm4b:s4+s11], $0x10, s29, s11, $0xb8;
	[tilespmem:$0x8200] =	vst v63  }
0x27: {  	s31 =	simm.s32 $0x200  }
0x28: {  	[tilespmem:s20], [sflag:$0x1] =	stream.indirect.gather [hbm4b:s3+s11], $0x10, s31, s11, $0xb8;
	[tilespmem:$0x8200] =	vst v63  }
0x29: {  	s29 =	simm.s32 $0x4300  }
0x2a: {  	[tilespmem:s21], [sflag:$0x2] =	stream.indirect.gather [hbm4b:s4+s11], $0x10, s29, s11, $0xb8;
	[tilespmem:$0x8200] =	vst v63  }
0x2b: {  	_ =	swait.ge [sflag:s22], $0x800  }
0x2c: {  	[sflag:s22] =	ssyncset.done $0x0  }
0x2d: {  	[sflag:s22] =	ssyncadd.s32 $0xFFFFF800  }
0x2e: {  	_ =	swait.ge [sflag:s23], $0x800  }
0x2f: {  	[sflag:s23] =	ssyncset.done $0x0  }
0x30: {  	[sflag:s23] =	ssyncadd.s32 $0xFFFFF800  }
0x31: {  	_ =	swait.ge [sflag:s22], $0x800  }
0x32: {  	[sflag:s22] =	ssyncset.done $0x0  }
0x33: {  	[sflag:s22] =	ssyncadd.s32 $0xFFFFF800  }
0x34: {  	_ =	swait.ge [sflag:s23], $0x800  }
0x35: {  	[sflag:s23] =	ssyncset.done $0x0  }
0x36: {  	[sflag:s23] =	ssyncadd.s32 $0xFFFFF800  }
0x37: {  	_ =	swait.ge [sflag:s22], $0x800  }
0x38: {  	[sflag:s22] =	ssyncset.done $0x0  }
0x39: {  	[sflag:s22] =	ssyncadd.s32 $0xFFFFF800  }
0x3a: {  	_ =	swait.ge [sflag:s23], $0x800  }
0x3b: {  	[sflag:s23] =	ssyncset.done $0x0  }
0x3c: {  	[sflag:s23] =	ssyncadd.s32 $0xFFFFF800  }
0x3d: {  	_ =	swait.ge [sflag:s22], $0x800  }
0x3e: {  	[sflag:s22] =	ssyncset.done $0x0  }
0x3f: {  	[sflag:s22] =	ssyncadd.s32 $0xFFFFF800  }
0x40: {  	_ =	swait.ge [sflag:s23], $0x800  }
0x41: {  	[sflag:s23] =	ssyncset.done $0x0  }
0x42: {  	[sflag:s23] =	ssyncadd.s32 $0xFFFFF800  }
0x43: {  	_ =	swait.ge [sflag:s22], $0x800  }
0x44: {  	[sflag:s22] =	ssyncset.done $0x0  }
0x45: {  	[sflag:s22] =	ssyncadd.s32 $0xFFFFF800  }
0x46: {  	_ =	swait.ge [sflag:s23], $0x800  }
0x47: {  	[sflag:s23] =	ssyncset.done $0x0  }
0x48: {  	s31 =	sadd.s32 $0xFFFFFFFE, s8;
	[sflag:s23] =	ssyncadd.s32 $0xFFFFF800  }
0x49: {  	[hbm4b:s31+s24] =	stream.strided.scatter [tilespmem:s12], [sflag:$0x3], $0x2800, s11, s24, $0x38;
	[tilespmem:$0x8200] =	vst v63  }
0x4a: {  	_ =	swait.ge [sflag:s9], $0x2800  }
0x4b: {  	[sflag:s9] =	ssyncset.done $0x0  }
0x4c: {  	[sflag:s9] =	ssyncadd.s32 $0xFFFFD800  }
0x4d: {  	[hbm4b:s8+s24] =	stream.strided.scatter [tilespmem:s13], [sflag:$0x3], $0x2800, s11, s24, $0x38;
	[tilespmem:$0x8200] =	vst v63  }
0x4e: {  	s28 =	simm.s32 $0xA00;
	_ =	swait.ge [sflag:s9], $0x2800  }
0x4f: {  	s30 =	simm.s32 $0x1400;
	s26 =	sadd.s32 $0x2800, s8;
	[sflag:s9] =	ssyncset.done $0x0  }
.LBB2_2:
0x50: {  	s31 =	sshra.s32 s28, $0x2  }
0x51: {  	[sflag:s9] =	ssyncadd.s32 $0xFFFFD800;
	s28 =	smov.u32 s30;
	s29 =	sadd.s32 $0xA00, s30  }
0x52: {  	[tilespmem:s12], [sflag:$0x1] =	stream.indirect.gather [hbm4b:s3+s11], $0x10, s31, s11, $0xb8;
	[tilespmem:$0x8200] =	vst v63  }
0x53: {  	p0 =	sne.s32 s30, $0x5A00;
	s30 =	sadd.s32 $0x4100, s31  }
0x54: {  	[tilespmem:s13], [sflag:$0x2] =	stream.indirect.gather [hbm4b:s4+s11], $0x10, s30, s11, $0xb8;
	[tilespmem:$0x8200] =	vst v63  }
0x55: {  	s30 =	sadd.s32 $0x80, s31  }
0x56: {  	[tilespmem:s14], [sflag:$0x1] =	stream.indirect.gather [hbm4b:s3+s11], $0x10, s30, s11, $0xb8;
	[tilespmem:$0x8200] =	vst v63  }
0x57: {  	s30 =	sadd.s32 $0x4180, s31  }
0x58: {  	[tilespmem:s15], [sflag:$0x2] =	stream.indirect.gather [hbm4b:s4+s11], $0x10, s30, s11, $0xb8;
	[tilespmem:$0x8200] =	vst v63  }
0x59: {  	s30 =	sadd.s32 $0x100, s31  }
0x5a: {  	[tilespmem:s16], [sflag:$0x1] =	stream.indirect.gather [hbm4b:s3+s11], $0x10, s30, s11, $0xb8;
	[tilespmem:$0x8200] =	vst v63  }
0x5b: {  	s30 =	sadd.s32 $0x4200, s31  }
0x5c: {  	[tilespmem:s17], [sflag:$0x2] =	stream.indirect.gather [hbm4b:s4+s11], $0x10, s30, s11, $0xb8;
	[tilespmem:$0x8200] =	vst v63  }
0x5d: {  	s30 =	sadd.s32 $0x180, s31  }
0x5e: {  	[tilespmem:s18], [sflag:$0x1] =	stream.indirect.gather [hbm4b:s3+s11], $0x10, s30, s11, $0xb8;
	[tilespmem:$0x8200] =	vst v63  }
0x5f: {  	s30 =	sadd.s32 $0x4280, s31  }
0x60: {  	[tilespmem:s19], [sflag:$0x2] =	stream.indirect.gather [hbm4b:s4+s11], $0x10, s30, s11, $0xb8;
	[tilespmem:$0x8200] =	vst v63  }
0x61: {  	s30 =	sadd.s32 $0x200, s31  }
0x62: {  	[tilespmem:s20], [sflag:$0x1] =	stream.indirect.gather [hbm4b:s3+s11], $0x10, s30, s11, $0xb8;
	[tilespmem:$0x8200] =	vst v63  }
0x63: {  	s30 =	sadd.s32 $0x4300, s31  }
0x64: {  	[tilespmem:s21], [sflag:$0x2] =	stream.indirect.gather [hbm4b:s4+s11], $0x10, s30, s11, $0xb8;
	[tilespmem:$0x8200] =	vst v63  }
0x65: {  	_ =	swait.ge [sflag:s22], $0x800  }
0x66: {  	[sflag:s22] =	ssyncset.done $0x0  }
0x67: {  	[sflag:s22] =	ssyncadd.s32 $0xFFFFF800  }
0x68: {  	_ =	swait.ge [sflag:s23], $0x800  }
0x69: {  	[sflag:s23] =	ssyncset.done $0x0  }
0x6a: {  	[sflag:s23] =	ssyncadd.s32 $0xFFFFF800  }
0x6b: {  	_ =	swait.ge [sflag:s22], $0x800  }
0x6c: {  	[sflag:s22] =	ssyncset.done $0x0  }
0x6d: {  	[sflag:s22] =	ssyncadd.s32 $0xFFFFF800  }
0x6e: {  	_ =	swait.ge [sflag:s23], $0x800  }
0x6f: {  	[sflag:s23] =	ssyncset.done $0x0  }
0x70: {  	[sflag:s23] =	ssyncadd.s32 $0xFFFFF800  }
0x71: {  	_ =	swait.ge [sflag:s22], $0x800  }
0x72: {  	[sflag:s22] =	ssyncset.done $0x0  }
0x73: {  	[sflag:s22] =	ssyncadd.s32 $0xFFFFF800  }
0x74: {  	_ =	swait.ge [sflag:s23], $0x800  }
0x75: {  	[sflag:s23] =	ssyncset.done $0x0  }
0x76: {  	[sflag:s23] =	ssyncadd.s32 $0xFFFFF800  }
0x77: {  	_ =	swait.ge [sflag:s22], $0x800  }
0x78: {  	[sflag:s22] =	ssyncset.done $0x0  }
0x79: {  	[sflag:s22] =	ssyncadd.s32 $0xFFFFF800  }
0x7a: {  	_ =	swait.ge [sflag:s23], $0x800  }
0x7b: {  	[sflag:s23] =	ssyncset.done $0x0  }
0x7c: {  	[sflag:s23] =	ssyncadd.s32 $0xFFFFF800  }
0x7d: {  	_ =	swait.ge [sflag:s22], $0x800  }
0x7e: {  	[sflag:s22] =	ssyncset.done $0x0  }
0x7f: {  	[sflag:s22] =	ssyncadd.s32 $0xFFFFF800  }
0x80: {  	_ =	swait.ge [sflag:s23], $0x800  }
0x81: {  	[sflag:s23] =	ssyncset.done $0x0  }
0x82: {  	s30 =	sadd.s32 $0xFFFFFFFE, s26;
	[sflag:s23] =	ssyncadd.s32 $0xFFFFF800  }
0x83: {  	[hbm4b:s30+s24] =	stream.strided.scatter [tilespmem:s12], [sflag:$0x3], $0x2800, s11, s24, $0x38;
	[tilespmem:$0x8200] =	vst v63  }
0x84: {  	_ =	swait.ge [sflag:s9], $0x2800  }
.Ltmp0:
0x85: {  	[sflag:s9] =	ssyncset.done $0x0;
	(pc) =	sbr.rel @p0 .LBB2_2-.Ltmp0, $4  }
0x86: {  	[sflag:s9] =	ssyncadd.s32 $0xFFFFD800  }
0x87: {  	[hbm4b:s26+s24] =	stream.strided.scatter [tilespmem:s13], [sflag:$0x3], $0x2800, s11, s24, $0x38;
	[tilespmem:$0x8200] =	vst v63  }
0x88: {  	_ =	swait.ge [sflag:s9], $0x2800  }
0x89: {  	s30 =	smov.u32 s29;
	s26 =	sadd.s32 $0x2800, s26;
	[sflag:s9] =	ssyncset.done $0x0  }
0x8a: {  	s28 =	sshra.s32 s28, $0x2;
	[sflag:s9] =	ssyncadd.s32 $0xFFFFD800  }
0x8b: {  	[tilespmem:s12], [sflag:$0x1] =	stream.indirect.gather [hbm4b:s3+s11], $0x10, s28, s11, $0xb8;
	[tilespmem:$0x8200] =	vst v63  }
0x8c: {  	s29 =	sadd.s32 $0x4100, s28  }
0x8d: {  	[tilespmem:s13], [sflag:$0x2] =	stream.indirect.gather [hbm4b:s4+s11], $0x10, s29, s11, $0xb8;
	[tilespmem:$0x8200] =	vst v63  }
0x8e: {  	s30 =	sadd.s32 $0x80, s28  }
0x8f: {  	[tilespmem:s14], [sflag:$0x1] =	stream.indirect.gather [hbm4b:s3+s11], $0x10, s30, s11, $0xb8;
	[tilespmem:$0x8200] =	vst v63  }
0x90: {  	s31 =	sadd.s32 $0x4180, s28  }
0x91: {  	[tilespmem:s15], [sflag:$0x2] =	stream.indirect.gather [hbm4b:s4+s11], $0x10, s31, s11, $0xb8;
	[tilespmem:$0x8200] =	vst v63  }
0x92: {  	s30 =	sadd.s32 $0x100, s28  }
0x93: {  	[tilespmem:s16], [sflag:$0x1] =	stream.indirect.gather [hbm4b:s3+s11], $0x10, s30, s11, $0xb8;
	[tilespmem:$0x8200] =	vst v63  }
0x94: {  	s31 =	sadd.s32 $0x4200, s28  }
0x95: {  	[tilespmem:s17], [sflag:$0x2] =	stream.indirect.gather [hbm4b:s4+s11], $0x10, s31, s11, $0xb8;
	[tilespmem:$0x8200] =	vst v63  }
0x96: {  	s30 =	sadd.s32 $0x180, s28  }
0x97: {  	[tilespmem:s18], [sflag:$0x1] =	stream.indirect.gather [hbm4b:s3+s11], $0x10, s30, s11, $0xb8;
	[tilespmem:$0x8200] =	vst v63  }
0x98: {  	s31 =	sadd.s32 $0x4280, s28  }
0x99: {  	[tilespmem:s19], [sflag:$0x2] =	stream.indirect.gather [hbm4b:s4+s11], $0x10, s31, s11, $0xb8;
	[tilespmem:$0x8200] =	vst v63  }
0x9a: {  	s30 =	sadd.s32 $0x200, s28  }
0x9b: {  	[tilespmem:s20], [sflag:$0x1] =	stream.indirect.gather [hbm4b:s3+s11], $0x10, s30, s11, $0xb8;
	[tilespmem:$0x8200] =	vst v63  }
0x9c: {  	s28 =	sadd.s32 $0x4300, s28  }
0x9d: {  	[tilespmem:s21], [sflag:$0x2] =	stream.indirect.gather [hbm4b:s4+s11], $0x10, s28, s11, $0xb8;
	[tilespmem:$0x8200] =	vst v63  }
0x9e: {  	_ =	swait.ge [sflag:s22], $0x800  }
0x9f: {  	[sflag:s22] =	ssyncset.done $0x0  }
0xa0: {  	[sflag:s22] =	ssyncadd.s32 $0xFFFFF800  }
0xa1: {  	_ =	swait.ge [sflag:s23], $0x800  }
0xa2: {  	[sflag:s23] =	ssyncset.done $0x0  }
0xa3: {  	[sflag:s23] =	ssyncadd.s32 $0xFFFFF800  }
0xa4: {  	_ =	swait.ge [sflag:s22], $0x800  }
0xa5: {  	[sflag:s22] =	ssyncset.done $0x0  }
0xa6: {  	[sflag:s22] =	ssyncadd.s32 $0xFFFFF800  }
0xa7: {  	_ =	swait.ge [sflag:s23], $0x800  }
0xa8: {  	[sflag:s23] =	ssyncset.done $0x0  }
0xa9: {  	[sflag:s23] =	ssyncadd.s32 $0xFFFFF800  }
0xaa: {  	_ =	swait.ge [sflag:s22], $0x800  }
0xab: {  	[sflag:s22] =	ssyncset.done $0x0  }
0xac: {  	[sflag:s22] =	ssyncadd.s32 $0xFFFFF800  }
0xad: {  	_ =	swait.ge [sflag:s23], $0x800  }
0xae: {  	[sflag:s23] =	ssyncset.done $0x0  }
0xaf: {  	[sflag:s23] =	ssyncadd.s32 $0xFFFFF800  }
0xb0: {  	_ =	swait.ge [sflag:s22], $0x800  }
0xb1: {  	[sflag:s22] =	ssyncset.done $0x0  }
0xb2: {  	[sflag:s22] =	ssyncadd.s32 $0xFFFFF800  }
0xb3: {  	_ =	swait.ge [sflag:s23], $0x800  }
0xb4: {  	[sflag:s23] =	ssyncset.done $0x0  }
0xb5: {  	[sflag:s23] =	ssyncadd.s32 $0xFFFFF800  }
0xb6: {  	_ =	swait.ge [sflag:s22], $0x800  }
0xb7: {  	[sflag:s22] =	ssyncset.done $0x0  }
0xb8: {  	[sflag:s22] =	ssyncadd.s32 $0xFFFFF800  }
0xb9: {  	_ =	swait.ge [sflag:s23], $0x800  }
0xba: {  	[sflag:s23] =	ssyncset.done $0x0  }
0xbb: {  	s31 =	sadd.s32 $0xFFFFFFFE, s26;
	[sflag:s23] =	ssyncadd.s32 $0xFFFFF800  }
0xbc: {  	[hbm4b:s31+s24] =	stream.strided.scatter [tilespmem:s12], [sflag:$0x3], $0x2800, s11, s24, $0x38;
	[tilespmem:$0x8200] =	vst v63  }
0xbd: {  	s25 =	sadd.s32 $0x1, s25;
	_ =	swait.ge [sflag:s9], $0x2800  }
0xbe: {  	p0 =	sne.s32 s25, s7;
	[sflag:s9] =	ssyncset.done $0x0  }
.Ltmp1:
0xbf: {  	[sflag:s9] =	ssyncadd.s32 $0xFFFFD800;
	(pc) =	sbr.rel @p0 .LBB2_1-.Ltmp1, $4  }
0xc0: {  	[hbm4b:s26+s24] =	stream.strided.scatter [tilespmem:s13], [sflag:$0x3], $0x2800, s11, s24, $0x38;
	[tilespmem:$0x8200] =	vst v63  }
0xc1: {  	_ =	swait.ge [sflag:s9], $0x2800  }
0xc2: {  	[sflag:s9] =	ssyncset.done $0x0  }
0xc3: {  	[sflag:s9] =	ssyncadd.s32 $0xFFFFD800  }
0xc4: {  	_ =	sfence.sel $0x180000  }
0xc5: {  	[bflag:$0x0] =	sbarrier.arrive $0xFFFF  }
0xc6: {  	p0 =	sne.s32 s0, $0x0;
	_ =	strace $0x90000047  }
0xc7: {  	s0 =	sadd.s32 @!p0 $0x100000, s1;
	[bflag:$0x2] =	sbarrier.arrive $0xFFFF  }
0xc8: {  	[sflag:s0] =	ssyncadd.tile.s32 @!p0 $0x1;
	_ =	shalt  }
.Lfunc_end2:
_tile_overlayer_lowered:
.L_overlay_start_2:
0xc9: {  	(tag) =	ssettag $0x2  }
0xca: {  	s0 =	rddreg [dreg:$0x0];
	s2 =	stileid.u32  }
0xcb: {  	s1 =	rddreg [dreg:$0x1];
	p0 =	sne.s32 s2, $0x0  }
0xcc: {  	s3 =	rddreg [dreg:$0x2];
	[bflag:$0x3] =	sbarrier.arrive $0xFFFF;
	s2 =	simm.s32 @!p0 $0x1C03  }
0xcd: {  	[timem:s3], [sflag:s2] =	dma.local @!p0 [hbm:s0], s1  }
0xce: {  	s0 =	simm.s32 @!p0 $0x3  }
0xcf: {  	_ =	swait.ge @!p0 [sflag:s0], s1  }
0xd0: {  	s1 =	ssub.s32 @!p0 $0x0, s1;
	[sflag:s0] =	ssyncset.done @!p0 $0x0  }
0xd1: {  	[sflag:s0] =	ssyncadd.s32 @!p0 s1  }
0xd2: {  	[bflag:$0x3] =	sbarrier.arrive $0xFFFF  }
0xd3: {  	_ =	shalt  }

</sc_bundles>
